<compile_context>
chip_gen: v7x
topology: tpu7x:2x2x1
jax: 0.10.2.dev20260603
libtpu: 0.0.44.dev20260713+nightly
codegen_flags: <defaults>
</compile_context>

<pallas_src>
import functools

import jax
import jax.numpy as jnp
from jax import lax
from jax.experimental import pallas as pl
from jax.experimental.pallas import tpu as pltpu
from jax.experimental.pallas import tpu_sc as plsc

N_NODES = 10000
N_EDGES = 320000
D = 128
NUM_GRAPHS = 64
NUM_CONV = 127

NC = 2
NS = 16
NW = NC * NS
N_PAD = 10240
TRASH = 10000
E_W = 10240
C_E = 64
CH = 160
NBUF = 4
ROWS_T = N_PAD // NS
NODES_W = N_PAD // NW
BINS = 80


def _fold_body(conv_w_ref, conv_b_ref, w3rel_ref, w3root_ref, b3_ref,
               wr_ref, wo_ref, cst_ref):
    def alpha_step(j, alpha):
        i = NUM_CONV - 1 - j
        w0 = conv_w_ref[i, 0]
        w1 = conv_w_ref[i, 1]
        rolled = pltpu.roll(alpha, 1, axis=1)
        lane = lax.broadcasted_iota(jnp.int32, (1, D), 1)
        return w0 * alpha + w1 * jnp.where(lane >= 1, rolled, 0.0)

    alpha0 = jnp.where(lax.broadcasted_iota(jnp.int32, (1, D), 1) == 0,
                       1.0, 0.0).astype(jnp.float32)
    alpha = lax.fori_loop(0, NUM_CONV, alpha_step, alpha0)

    def gamma_step(i, g):
        return g * conv_w_ref[i, 0] + g * conv_w_ref[i, 1] + conv_b_ref[i]

    gamma = lax.fori_loop(0, NUM_CONV, gamma_step, jnp.float32(0.0))

    wr_ref[...] = jnp.dot(alpha, w3rel_ref[...],
                          preferred_element_type=jnp.float32)
    wo_ref[...] = jnp.dot(alpha, w3root_ref[...],
                          preferred_element_type=jnp.float32)
    cst_ref[0, 0] = jnp.sum(alpha * b3_ref[...]) + gamma


def _fold(conv_w, conv_b, W3_rel, W3_root, b3):
    return pl.pallas_call(
        _fold_body,
        out_shape=(
            jax.ShapeDtypeStruct((1, D), jnp.float32),
            jax.ShapeDtypeStruct((1, D), jnp.float32),
            jax.ShapeDtypeStruct((1, 1), jnp.float32),
        ),
        in_specs=[
            pl.BlockSpec(memory_space=pltpu.SMEM),
            pl.BlockSpec(memory_space=pltpu.SMEM),
            pl.BlockSpec((D, D), lambda: (0, 0)),
            pl.BlockSpec((D, D), lambda: (0, 0)),
            pl.BlockSpec((1, D), lambda: (0, 0)),
        ],
        out_specs=(
            pl.BlockSpec((1, D), lambda: (0, 0)),
            pl.BlockSpec((1, D), lambda: (0, 0)),
            pl.BlockSpec(memory_space=pltpu.SMEM),
        ),
    )(conv_w, conv_b, W3_rel, W3_root, b3.reshape(1, D))


def _scatter_body(h_hbm, srcf_hbm, dstf1_hbm, zeros_hbm, out_hbm,
                  acc, src_v, dr, b0, b1, b2, b3, g0, g1, g2, g3,
                  d0, d1, d2, d3):
    bufs = [b0, b1, b2, b3]
    gsem = [g0, g1, g2, g3]
    dsem = [d0, d1, d2, d3]
    cid = lax.axis_index("c")
    sid = lax.axis_index("s")
    wid = sid * NC + cid
    ebase = wid * E_W

    pltpu.sync_copy(zeros_hbm, acc.at[pl.ds(sid * ROWS_T, ROWS_T)])
    plsc.subcore_barrier()

    pltpu.sync_copy(srcf_hbm.at[wid], src_v)

    def sidx(c):
        return src_v.at[pl.ds(c * C_E, C_E)]

    def fetch_d(c, k):
        pltpu.async_copy(
            dstf1_hbm.at[pl.ds(ebase + c * C_E, C_E)], dr.at[k], dsem[k])

    def gather(c, k):
        pltpu.async_copy(h_hbm.at[sidx(c)], bufs[k], gsem[k])

    for k in range(NBUF):
        fetch_d(k, k)
        gather(k, k)

    def step(i, carry):
        del carry
        for k in range(NBUF):
            c = NBUF * i + k
            pltpu.make_async_copy(h_hbm.at[sidx(c)], bufs[k], gsem[k]).wait()
            pltpu.make_async_copy(
                dstf1_hbm.at[pl.ds(ebase + c * C_E, C_E)], dr.at[k],
                dsem[k]).wait()
            pltpu.sync_copy(bufs[k], acc.at[dr.at[k]], add=True)

            @pl.when(c + NBUF < CH)
            def _():
                fetch_d(c + NBUF, k)
                gather(c + NBUF, k)

        return 0

    lax.fori_loop(0, CH // NBUF, step, 0)

    plsc.subcore_barrier()
    pltpu.sync_copy(
        acc.at[pl.ds(sid * ROWS_T, ROWS_T)],
        out_hbm.at[pl.ds(cid * N_PAD + sid * ROWS_T, ROWS_T)])


def _sc_scatter(h_pad, srcf, dstf1, zeros):
    kfn = pl.kernel(
        _scatter_body,
        out_type=jax.ShapeDtypeStruct((NC * N_PAD, D), jnp.float32),
        mesh=plsc.VectorSubcoreMesh(core_axis_name="c", subcore_axis_name="s"),
        scratch_types=[
            pltpu.VMEM_SHARED((N_PAD, D), jnp.float32),
            pltpu.VMEM((E_W,), jnp.int32),
            pltpu.VMEM((NBUF, C_E), jnp.int32),
        ] + [pltpu.VMEM((C_E, D), jnp.float32) for _ in range(NBUF)]
          + [pltpu.SemaphoreType.DMA for _ in range(2 * NBUF)],
    )
    return kfn(h_pad, srcf, dstf1, zeros).reshape(NC, N_PAD, D)


BR = 640


def _dense_body(p_ref, h_ref, wrt_ref, wot_ref, b_ref, out_ref):
    agg = p_ref[0] + p_ref[1]
    out_ref[...] = jax.nn.relu(
        jnp.dot(agg, wrt_ref[...], preferred_element_type=jnp.float32)
        + jnp.dot(h_ref[...], wot_ref[...], preferred_element_type=jnp.float32)
        + b_ref[...])


def _dense(partials, h, W_rel, W_root, b):
    return pl.pallas_call(
        _dense_body,
        grid=(N_PAD // BR,),
        out_shape=jax.ShapeDtypeStruct((N_PAD, D), jnp.float32),
        in_specs=[
            pl.BlockSpec((NC, BR, D), lambda i: (0, i, 0)),
            pl.BlockSpec((BR, D), lambda i: (i, 0)),
            pl.BlockSpec((D, D), lambda i: (0, 0)),
            pl.BlockSpec((D, D), lambda i: (0, 0)),
            pl.BlockSpec((1, D), lambda i: (0, 0)),
        ],
        out_specs=pl.BlockSpec((BR, D), lambda i: (i, 0)),
    )(partials, h, W_rel.T, W_root.T, b.reshape(1, D))


def _dense_tail_body(p_ref, h_ref, wrt_ref, wot_ref, b_ref, wr_ref, wo_ref,
                     h2_ref, tu_ref):
    agg = p_ref[0] + p_ref[1]
    h2 = jax.nn.relu(
        jnp.dot(agg, wrt_ref[...], preferred_element_type=jnp.float32)
        + jnp.dot(h_ref[...], wot_ref[...], preferred_element_type=jnp.float32)
        + b_ref[...])
    h2_ref[...] = h2
    t = jnp.sum(h2 * wr_ref[...], axis=1, keepdims=True)
    u = jnp.sum(h2 * wo_ref[...], axis=1, keepdims=True)
    tu_ref[...] = jnp.concatenate([t, u], axis=1)


def _dense_tail(partials, h, W_rel, W_root, b, wr, wo):
    return pl.pallas_call(
        _dense_tail_body,
        grid=(N_PAD // BR,),
        out_shape=(
            jax.ShapeDtypeStruct((N_PAD, D), jnp.float32),
            jax.ShapeDtypeStruct((N_PAD, 2), jnp.float32),
        ),
        in_specs=[
            pl.BlockSpec((NC, BR, D), lambda i: (0, i, 0)),
            pl.BlockSpec((BR, D), lambda i: (i, 0)),
            pl.BlockSpec((D, D), lambda i: (0, 0)),
            pl.BlockSpec((D, D), lambda i: (0, 0)),
            pl.BlockSpec((1, D), lambda i: (0, 0)),
            pl.BlockSpec((1, D), lambda i: (0, 0)),
            pl.BlockSpec((1, D), lambda i: (0, 0)),
        ],
        out_specs=(
            pl.BlockSpec((BR, D), lambda i: (i, 0)),
            pl.BlockSpec((BR, 2), lambda i: (i, 0)),
        ),
    )(partials, h, W_rel.T, W_root.T, b.reshape(1, D), wr, wo)


def _tail_body(t_hbm, u_hbm, batch_hbm, srcf_hbm, dstf_hbm, out_hbm,
               t_v, u_v, batch_v, src_v, dst_v, zb_v, ub_v, cb_v):
    cid = lax.axis_index("c")
    sid = lax.axis_index("s")
    wid = sid * NC + cid
    base = wid * NODES_W

    pltpu.sync_copy(t_hbm, t_v)
    pltpu.sync_copy(u_hbm.at[pl.ds(base, NODES_W)], u_v)
    pltpu.sync_copy(batch_hbm, batch_v)
    pltpu.sync_copy(srcf_hbm.at[wid], src_v)
    pltpu.sync_copy(dstf_hbm.at[wid], dst_v)

    zeros16 = jnp.zeros((16,), jnp.float32)
    for k in range(BINS // 16):
        zb_v[pl.ds(k * 16, 16)] = zeros16
        ub_v[pl.ds(k * 16, 16)] = zeros16
        cb_v[pl.ds(k * 16, 16)] = zeros16

    def edge_step(i, carry):
        del carry
        s16 = src_v[pl.ds(i * 16, 16)]
        d16 = dst_v[pl.ds(i * 16, 16)]
        tv = plsc.load_gather(t_v, [s16])
        g16 = plsc.load_gather(batch_v, [d16])
        plsc.addupdate_scatter(zb_v, [g16], tv)
        return 0

    lax.fori_loop(0, E_W // 16, edge_step, 0)

    def node_step(i, carry):
        del carry
        uv = u_v[pl.ds(i * 16, 16)]
        g16 = batch_v[pl.ds(base + i * 16, 16)]
        plsc.addupdate_scatter(ub_v, [g16], uv)
        plsc.addupdate_scatter(cb_v, [g16], jnp.ones((16,), jnp.float32))
        return 0

    lax.fori_loop(0, NODES_W // 16, node_step, 0)

    base_o = wid * 3 * BINS
    pltpu.sync_copy(zb_v, out_hbm.at[pl.ds(base_o, BINS)])
    pltpu.sync_copy(ub_v, out_hbm.at[pl.ds(base_o + BINS, BINS)])
    pltpu.sync_copy(cb_v, out_hbm.at[pl.ds(base_o + 2 * BINS, BINS)])


def _sc_tail(t, u, batch_pad, srcf, dstf):
    kfn = pl.kernel(
        _tail_body,
        out_type=jax.ShapeDtypeStruct((NW * 3 * BINS,), jnp.float32),
        mesh=plsc.VectorSubcoreMesh(core_axis_name="c", subcore_axis_name="s"),
        compiler_params=pltpu.CompilerParams(needs_layout_passes=False),
        scratch_types=[
            pltpu.VMEM((N_PAD,), jnp.float32),
            pltpu.VMEM((NODES_W,), jnp.float32),
            pltpu.VMEM((N_PAD,), jnp.int32),
            pltpu.VMEM((E_W,), jnp.int32),
            pltpu.VMEM((E_W,), jnp.int32),
            pltpu.VMEM((BINS,), jnp.float32),
            pltpu.VMEM((BINS,), jnp.float32),
            pltpu.VMEM((BINS,), jnp.float32),
        ],
    )
    return kfn(t, u, batch_pad, srcf, dstf)


def _combine_body(p_ref, cst_ref, out_ref):
    r = jnp.sum(p_ref[...], axis=0, keepdims=True)
    z = r[:, 0:NUM_GRAPHS]
    su = r[:, BINS:BINS + NUM_GRAPHS]
    cnt = r[:, 2 * BINS:2 * BINS + NUM_GRAPHS]
    out_ref[...] = (z + su + cnt * cst_ref[0, 0]) / jnp.maximum(cnt, 1.0)


def _combine(parts, cst):
    return pl.pallas_call(
        _combine_body,
        out_shape=jax.ShapeDtypeStruct((1, NUM_GRAPHS), jnp.float32),
        in_specs=[
            pl.BlockSpec((NW, 3 * BINS), lambda: (0, 0)),
            pl.BlockSpec(memory_space=pltpu.SMEM),
        ],
        out_specs=pl.BlockSpec((1, NUM_GRAPHS), lambda: (0, 0)),
    )(parts, cst)


def kernel(x, edge_index, batch, W1_rel, W1_root, b1, W2_rel, W2_root, b2,
           W3_rel, W3_root, b3, conv_w, conv_b):
    src = edge_index[0].astype(jnp.int32)
    dst = edge_index[1].astype(jnp.int32)

    e_pad = NW * CH * C_E
    src_p = jnp.concatenate(
        [src, jnp.full((e_pad - N_EDGES,), TRASH, jnp.int32)])
    dst_p = jnp.concatenate(
        [dst, jnp.full((e_pad - N_EDGES,), TRASH, jnp.int32)])
    srcf = src_p.reshape(NW, E_W)
    dstf = dst_p.reshape(NW, E_W)

    x_pad = jnp.pad(x, ((0, N_PAD - N_NODES), (0, 0)))
    batch_pad = jnp.concatenate(
        [batch.astype(jnp.int32),
         jnp.full((N_PAD - N_NODES,), NUM_GRAPHS, jnp.int32)])
    zeros = jnp.zeros((ROWS_T, D), jnp.float32)

    wr, wo, cst = _fold(conv_w, conv_b, W3_rel, W3_root, b3)

    p1 = _sc_scatter(x_pad, srcf, dst_p, zeros)
    h1 = _dense(p1, x_pad, W1_rel, W1_root, b1)
    p2 = _sc_scatter(h1, srcf, dst_p, zeros)
    h2, tu = _dense_tail(p2, h1, W2_rel, W2_root, b2, wr, wo)
    del h2

    parts = _sc_tail(tu[:, 0], tu[:, 1], batch_pad, srcf, dstf)
    pooled = _combine(parts.reshape(NW, 3 * BINS), cst)
    return pooled.reshape(NUM_GRAPHS, 1)

# --- scband reference (transcript-rebuilt; emitter-appended) ---
"""Pipeline reference for scband-gnn-53386443489659 (READ-ONLY COPY).

The authoritative reference and input builder live on the scoring server;
editing this copy changes nothing except your own understanding.
"""

import jax, jax.numpy as jnp
import numpy as np

N_NODES = 10000
N_EDGES = 320000
D_FEAT = 128
HIDDEN = 128
NUM_GRAPHS = 64
NUM_CONV1D = HIDDEN - 1


def setup_inputs(seed: int = 0) -> dict:
    key = jax.random.key(seed)
    ks = jax.random.split(key, 16)
    x = jax.random.normal(ks[0], (N_NODES, D_FEAT), dtype=jnp.float32)
    edge_index = jax.random.randint(ks[1], (2, N_EDGES), 0, N_NODES, dtype=jnp.int64)
    batch = jnp.sort(jax.random.randint(ks[2], (N_NODES,), 0, NUM_GRAPHS, dtype=jnp.int64))
    s1 = 1.0 / np.sqrt(D_FEAT)
    s2 = 1.0 / np.sqrt(HIDDEN)
    W1_rel = jax.random.uniform(ks[3], (HIDDEN, D_FEAT), minval=-s1, maxval=s1, dtype=jnp.float32)
    W1_root = jax.random.uniform(ks[4], (HIDDEN, D_FEAT), minval=-s1, maxval=s1, dtype=jnp.float32)
    b1 = jax.random.uniform(ks[5], (HIDDEN,), minval=-s1, maxval=s1, dtype=jnp.float32)
    W2_rel = jax.random.uniform(ks[6], (HIDDEN, HIDDEN), minval=-s2, maxval=s2, dtype=jnp.float32)
    W2_root = jax.random.uniform(ks[7], (HIDDEN, HIDDEN), minval=-s2, maxval=s2, dtype=jnp.float32)
    b2 = jax.random.uniform(ks[8], (HIDDEN,), minval=-s2, maxval=s2, dtype=jnp.float32)
    W3_rel = jax.random.uniform(ks[9], (HIDDEN, HIDDEN), minval=-s2, maxval=s2, dtype=jnp.float32)
    W3_root = jax.random.uniform(ks[10], (HIDDEN, HIDDEN), minval=-s2, maxval=s2, dtype=jnp.float32)
    b3 = jax.random.uniform(ks[11], (HIDDEN,), minval=-s2, maxval=s2, dtype=jnp.float32)
    # Conv1d(1, 1, kernel_size=2) stack: weight [2], bias scalar per layer
    sc = 1.0 / np.sqrt(1 * 2)
    conv_w = jax.random.uniform(ks[12], (NUM_CONV1D, 2), minval=-sc, maxval=sc, dtype=jnp.float32)
    conv_b = jax.random.uniform(ks[13], (NUM_CONV1D,), minval=-sc, maxval=sc, dtype=jnp.float32)
    return {
        "x": x, "edge_index": edge_index, "batch": batch,
        "W1_rel": W1_rel, "W1_root": W1_root, "b1": b1,
        "W2_rel": W2_rel, "W2_root": W2_root, "b2": b2,
        "W3_rel": W3_rel, "W3_root": W3_root, "b3": b3,
        "conv_w": conv_w, "conv_b": conv_b,
    }


def _graph_conv(h, edge_index, W_rel, W_root, b):
    # PyG GraphConv (aggr='add'): out = lin_rel(sum_{j->i} x_j) + lin_root(x_i)
    src = edge_index[0]
    dst = edge_index[1]
    msgs = jnp.take(h, src, axis=0)
    agg = jax.ops.segment_sum(msgs, dst, num_segments=h.shape[0])
    return agg @ W_rel.T + b + h @ W_root.T


def reference(x, edge_index, batch, W1_rel, W1_root, b1, W2_rel, W2_root, b2,
              W3_rel, W3_root, b3, conv_w, conv_b):
    h = jax.nn.relu(_graph_conv(x, edge_index, W1_rel, W1_root, b1))
    h = jax.nn.relu(_graph_conv(h, edge_index, W2_rel, W2_root, b2))
    h = _graph_conv(h, edge_index, W3_rel, W3_root, b3)
    # Stack of Conv1d(1,1,kernel=2): each reduces the length dim by 1
    for i in range(NUM_CONV1D):
        h = h[:, :-1] * conv_w[i, 0] + h[:, 1:] * conv_w[i, 1] + conv_b[i]
    # h: [N, 1]
    sums = jax.ops.segment_sum(h, batch, num_segments=NUM_GRAPHS)
    counts = jax.ops.segment_sum(jnp.ones((h.shape[0],), dtype=jnp.float32), batch, num_segments=NUM_GRAPHS)
    pooled = sums / jnp.clip(counts, 1.0, None)[:, None]
    return pooled

if __name__ == "__main__":
    import jax
    _d = setup_inputs()
    print(jax.jit(kernel)(*tuple(_d.values())))

</pallas_src>

<mosaic_0001>
#map = affine_map<(d0, d1) -> (0)>
#map1 = affine_map<(d0, d1) -> (0, 0)>
module attributes {stable_mosaic.version = 14 : i64} {
  func.func @_tail_body(%arg0: i32, %arg1: i32, %arg2: memref<10240xf32, #tpu.memory_space<hbm>>, %arg3: memref<10240xf32, #tpu.memory_space<hbm>>, %arg4: memref<10240xi32, #tpu.memory_space<hbm>>, %arg5: memref<32x10240xi32, #tpu.memory_space<hbm>>, %arg6: memref<32x10240xi32, #tpu.memory_space<hbm>>, %arg7: memref<7680xf32, #tpu.memory_space<hbm>>, %arg8: memref<10240xf32, #tpu.memory_space<vmem>>, %arg9: memref<320xf32, #tpu.memory_space<vmem>>, %arg10: memref<10240xi32, #tpu.memory_space<vmem>>, %arg11: memref<10240xi32, #tpu.memory_space<vmem>>, %arg12: memref<10240xi32, #tpu.memory_space<vmem>>, %arg13: memref<80xf32, #tpu.memory_space<vmem>>, %arg14: memref<80xf32, #tpu.memory_space<vmem>>, %arg15: memref<80xf32, #tpu.memory_space<vmem>>) attributes {dimension_semantics = [#tpu.dimension_semantics<core_parallel>, #tpu.dimension_semantics<subcore_parallel>], iteration_bounds = array<i64: 2, 16>, scalar_prefetch = 0 : i64, scratch_operands = 8 : i64, tpu.core_type = #tpu.core_type<sc_vector_subcore>, window_params = [{transform_indices = #map}, {transform_indices = #map}, {transform_indices = #map}, {transform_indices = #map1}, {transform_indices = #map1}, {transform_indices = #map}]} {
    %mul3A = arith.constant 2 : i32
    %mul3A_0 = arith.muli %arg1, %mul3A : i32
    %add3A = arith.addi %mul3A_0, %arg0 : i32
    %mul3A_1 = arith.constant 320 : i32
    %mul3A_2 = arith.muli %add3A, %mul3A_1 : i32
    "tpu.region"() ({
      %run_scoped3A = tpu.sem_alloc : memref<!tpu.dma_semaphore, #tpu.memory_space<semaphore_mem>>
      tpu.enqueue_dma source(%arg2 : memref<10240xf32, #tpu.memory_space<hbm>>) target(%arg8 : memref<10240xf32, #tpu.memory_space<vmem>>) target_semaphore(%run_scoped3A : memref<!tpu.dma_semaphore, #tpu.memory_space<semaphore_mem>>)
      tpu.wait_dma2 semaphore(%run_scoped3A : memref<!tpu.dma_semaphore, #tpu.memory_space<semaphore_mem>>) src(%arg2 : memref<10240xf32, #tpu.memory_space<hbm>>) dst(%arg8 : memref<10240xf32, #tpu.memory_space<vmem>>)
      tpu.yield
    }) : () -> ()
    "tpu.region"() ({
      %run_scoped3A = tpu.sem_alloc : memref<!tpu.dma_semaphore, #tpu.memory_space<semaphore_mem>>
      %dma_start3A = tpu.memref_slice %arg3[%mul3A_2] : memref<10240xf32, #tpu.memory_space<hbm>> -> memref<320xf32, #tpu.memory_space<hbm>>
      %dma_start3A_54 = tpu.memref_slice %arg3[%mul3A_2] : memref<10240xf32, #tpu.memory_space<hbm>> -> memref<320xf32, #tpu.memory_space<hbm>>
      tpu.enqueue_dma source(%dma_start3A_54 : memref<320xf32, #tpu.memory_space<hbm>>) target(%arg9 : memref<320xf32, #tpu.memory_space<vmem>>) target_semaphore(%run_scoped3A : memref<!tpu.dma_semaphore, #tpu.memory_space<semaphore_mem>>)
      %dma_wait3A = tpu.memref_slice %arg3[%mul3A_2] : memref<10240xf32, #tpu.memory_space<hbm>> -> memref<320xf32, #tpu.memory_space<hbm>>
      %dma_wait3A_55 = tpu.memref_slice %arg3[%mul3A_2] : memref<10240xf32, #tpu.memory_space<hbm>> -> memref<320xf32, #tpu.memory_space<hbm>>
      tpu.wait_dma2 semaphore(%run_scoped3A : memref<!tpu.dma_semaphore, #tpu.memory_space<semaphore_mem>>) src(%dma_wait3A_55 : memref<320xf32, #tpu.memory_space<hbm>>) dst(%arg9 : memref<320xf32, #tpu.memory_space<vmem>>)
      tpu.yield
    }) : () -> ()
    "tpu.region"() ({
      %run_scoped3A = tpu.sem_alloc : memref<!tpu.dma_semaphore, #tpu.memory_space<semaphore_mem>>
      tpu.enqueue_dma source(%arg4 : memref<10240xi32, #tpu.memory_space<hbm>>) target(%arg10 : memref<10240xi32, #tpu.memory_space<vmem>>) target_semaphore(%run_scoped3A : memref<!tpu.dma_semaphore, #tpu.memory_space<semaphore_mem>>)
      tpu.wait_dma2 semaphore(%run_scoped3A : memref<!tpu.dma_semaphore, #tpu.memory_space<semaphore_mem>>) src(%arg4 : memref<10240xi32, #tpu.memory_space<hbm>>) dst(%arg10 : memref<10240xi32, #tpu.memory_space<vmem>>)
      tpu.yield
    }) : () -> ()
    "tpu.region"() ({
      %run_scoped3A = tpu.sem_alloc : memref<!tpu.dma_semaphore, #tpu.memory_space<semaphore_mem>>
      %dma_start3A = arith.constant 0 : i32
      %dma_start3A_54 = tpu.memref_slice %arg5[%add3A, %dma_start3A] : memref<32x10240xi32, #tpu.memory_space<hbm>> -> memref<1x10240xi32, #tpu.memory_space<hbm>>
      %dma_start3A_55 = tpu.memref_squeeze %dma_start3A_54 : memref<1x10240xi32, #tpu.memory_space<hbm>> -> memref<10240xi32, #tpu.memory_space<hbm>>
      %dma_start3A_56 = arith.constant 0 : i32
      %dma_start3A_57 = tpu.memref_slice %arg5[%add3A, %dma_start3A_56] : memref<32x10240xi32, #tpu.memory_space<hbm>> -> memref<1x10240xi32, #tpu.memory_space<hbm>>
      %dma_start3A_58 = tpu.memref_squeeze %dma_start3A_57 : memref<1x10240xi32, #tpu.memory_space<hbm>> -> memref<10240xi32, #tpu.memory_space<hbm>>
      tpu.enqueue_dma source(%dma_start3A_58 : memref<10240xi32, #tpu.memory_space<hbm>>) target(%arg11 : memref<10240xi32, #tpu.memory_space<vmem>>) target_semaphore(%run_scoped3A : memref<!tpu.dma_semaphore, #tpu.memory_space<semaphore_mem>>)
      %dma_wait3A = arith.constant 0 : i32
      %dma_wait3A_59 = tpu.memref_slice %arg5[%add3A, %dma_wait3A] : memref<32x10240xi32, #tpu.memory_space<hbm>> -> memref<1x10240xi32, #tpu.memory_space<hbm>>
      %dma_wait3A_60 = tpu.memref_squeeze %dma_wait3A_59 : memref<1x10240xi32, #tpu.memory_space<hbm>> -> memref<10240xi32, #tpu.memory_space<hbm>>
      %dma_wait3A_61 = arith.constant 0 : i32
      %dma_wait3A_62 = tpu.memref_slice %arg5[%add3A, %dma_wait3A_61] : memref<32x10240xi32, #tpu.memory_space<hbm>> -> memref<1x10240xi32, #tpu.memory_space<hbm>>
      %dma_wait3A_63 = tpu.memref_squeeze %dma_wait3A_62 : memref<1x10240xi32, #tpu.memory_space<hbm>> -> memref<10240xi32, #tpu.memory_space<hbm>>
      tpu.wait_dma2 semaphore(%run_scoped3A : memref<!tpu.dma_semaphore, #tpu.memory_space<semaphore_mem>>) src(%dma_wait3A_63 : memref<10240xi32, #tpu.memory_space<hbm>>) dst(%arg11 : memref<10240xi32, #tpu.memory_space<vmem>>)
      tpu.yield
    }) : () -> ()
    "tpu.region"() ({
      %run_scoped3A = tpu.sem_alloc : memref<!tpu.dma_semaphore, #tpu.memory_space<semaphore_mem>>
      %dma_start3A = arith.constant 0 : i32
      %dma_start3A_54 = tpu.memref_slice %arg6[%add3A, %dma_start3A] : memref<32x10240xi32, #tpu.memory_space<hbm>> -> memref<1x10240xi32, #tpu.memory_space<hbm>>
      %dma_start3A_55 = tpu.memref_squeeze %dma_start3A_54 : memref<1x10240xi32, #tpu.memory_space<hbm>> -> memref<10240xi32, #tpu.memory_space<hbm>>
      %dma_start3A_56 = arith.constant 0 : i32
      %dma_start3A_57 = tpu.memref_slice %arg6[%add3A, %dma_start3A_56] : memref<32x10240xi32, #tpu.memory_space<hbm>> -> memref<1x10240xi32, #tpu.memory_space<hbm>>
      %dma_start3A_58 = tpu.memref_squeeze %dma_start3A_57 : memref<1x10240xi32, #tpu.memory_space<hbm>> -> memref<10240xi32, #tpu.memory_space<hbm>>
      tpu.enqueue_dma source(%dma_start3A_58 : memref<10240xi32, #tpu.memory_space<hbm>>) target(%arg12 : memref<10240xi32, #tpu.memory_space<vmem>>) target_semaphore(%run_scoped3A : memref<!tpu.dma_semaphore, #tpu.memory_space<semaphore_mem>>)
      %dma_wait3A = arith.constant 0 : i32
      %dma_wait3A_59 = tpu.memref_slice %arg6[%add3A, %dma_wait3A] : memref<32x10240xi32, #tpu.memory_space<hbm>> -> memref<1x10240xi32, #tpu.memory_space<hbm>>
      %dma_wait3A_60 = tpu.memref_squeeze %dma_wait3A_59 : memref<1x10240xi32, #tpu.memory_space<hbm>> -> memref<10240xi32, #tpu.memory_space<hbm>>
      %dma_wait3A_61 = arith.constant 0 : i32
      %dma_wait3A_62 = tpu.memref_slice %arg6[%add3A, %dma_wait3A_61] : memref<32x10240xi32, #tpu.memory_space<hbm>> -> memref<1x10240xi32, #tpu.memory_space<hbm>>
      %dma_wait3A_63 = tpu.memref_squeeze %dma_wait3A_62 : memref<1x10240xi32, #tpu.memory_space<hbm>> -> memref<10240xi32, #tpu.memory_space<hbm>>
      tpu.wait_dma2 semaphore(%run_scoped3A : memref<!tpu.dma_semaphore, #tpu.memory_space<semaphore_mem>>) src(%dma_wait3A_63 : memref<10240xi32, #tpu.memory_space<hbm>>) dst(%arg12 : memref<10240xi32, #tpu.memory_space<vmem>>)
      tpu.yield
    }) : () -> ()
    %broadcast_in_dim3A = arith.constant 0.000000e+00 : f32
    %broadcast_in_dim3A_3 = vector.broadcast %broadcast_in_dim3A : f32 to vector<16xf32>
    %swap3A = arith.constant 0 : index
    %swap3A_4 = tpu.vector_load %arg13[%swap3A] {strides = array<i32>} : memref<80xf32, #tpu.memory_space<vmem>>, vector<16xf32>,
    tpu.vector_store %arg13[%swap3A], %broadcast_in_dim3A_3 {strides = array<i32>} : memref<80xf32, #tpu.memory_space<vmem>>, vector<16xf32>,
    %swap3A_5 = arith.constant 0 : index
    %swap3A_6 = tpu.vector_load %arg14[%swap3A_5] {strides = array<i32>} : memref<80xf32, #tpu.memory_space<vmem>>, vector<16xf32>,
    tpu.vector_store %arg14[%swap3A_5], %broadcast_in_dim3A_3 {strides = array<i32>} : memref<80xf32, #tpu.memory_space<vmem>>, vector<16xf32>,
    %swap3A_7 = arith.constant 0 : index
    %swap3A_8 = tpu.vector_load %arg15[%swap3A_7] {strides = array<i32>} : memref<80xf32, #tpu.memory_space<vmem>>, vector<16xf32>,
    tpu.vector_store %arg15[%swap3A_7], %broadcast_in_dim3A_3 {strides = array<i32>} : memref<80xf32, #tpu.memory_space<vmem>>, vector<16xf32>,
    %swap3A_9 = arith.constant 16 : index
    %swap3A_10 = tpu.vector_load %arg13[%swap3A_9] {strides = array<i32>} : memref<80xf32, #tpu.memory_space<vmem>>, vector<16xf32>,
    tpu.vector_store %arg13[%swap3A_9], %broadcast_in_dim3A_3 {strides = array<i32>} : memref<80xf32, #tpu.memory_space<vmem>>, vector<16xf32>,
    %swap3A_11 = arith.constant 16 : index
    %swap3A_12 = tpu.vector_load %arg14[%swap3A_11] {strides = array<i32>} : memref<80xf32, #tpu.memory_space<vmem>>, vector<16xf32>,
    tpu.vector_store %arg14[%swap3A_11], %broadcast_in_dim3A_3 {strides = array<i32>} : memref<80xf32, #tpu.memory_space<vmem>>, vector<16xf32>,
    %swap3A_13 = arith.constant 16 : index
    %swap3A_14 = tpu.vector_load %arg15[%swap3A_13] {strides = array<i32>} : memref<80xf32, #tpu.memory_space<vmem>>, vector<16xf32>,
    tpu.vector_store %arg15[%swap3A_13], %broadcast_in_dim3A_3 {strides = array<i32>} : memref<80xf32, #tpu.memory_space<vmem>>, vector<16xf32>,
    %swap3A_15 = arith.constant 32 : index
    %swap3A_16 = tpu.vector_load %arg13[%swap3A_15] {strides = array<i32>} : memref<80xf32, #tpu.memory_space<vmem>>, vector<16xf32>,
    tpu.vector_store %arg13[%swap3A_15], %broadcast_in_dim3A_3 {strides = array<i32>} : memref<80xf32, #tpu.memory_space<vmem>>, vector<16xf32>,
    %swap3A_17 = arith.constant 32 : index
    %swap3A_18 = tpu.vector_load %arg14[%swap3A_17] {strides = array<i32>} : memref<80xf32, #tpu.memory_space<vmem>>, vector<16xf32>,
    tpu.vector_store %arg14[%swap3A_17], %broadcast_in_dim3A_3 {strides = array<i32>} : memref<80xf32, #tpu.memory_space<vmem>>, vector<16xf32>,
    %swap3A_19 = arith.constant 32 : index
    %swap3A_20 = tpu.vector_load %arg15[%swap3A_19] {strides = array<i32>} : memref<80xf32, #tpu.memory_space<vmem>>, vector<16xf32>,
    tpu.vector_store %arg15[%swap3A_19], %broadcast_in_dim3A_3 {strides = array<i32>} : memref<80xf32, #tpu.memory_space<vmem>>, vector<16xf32>,
    %swap3A_21 = arith.constant 48 : index
    %swap3A_22 = tpu.vector_load %arg13[%swap3A_21] {strides = array<i32>} : memref<80xf32, #tpu.memory_space<vmem>>, vector<16xf32>,
    tpu.vector_store %arg13[%swap3A_21], %broadcast_in_dim3A_3 {strides = array<i32>} : memref<80xf32, #tpu.memory_space<vmem>>, vector<16xf32>,
    %swap3A_23 = arith.constant 48 : index
    %swap3A_24 = tpu.vector_load %arg14[%swap3A_23] {strides = array<i32>} : memref<80xf32, #tpu.memory_space<vmem>>, vector<16xf32>,
    tpu.vector_store %arg14[%swap3A_23], %broadcast_in_dim3A_3 {strides = array<i32>} : memref<80xf32, #tpu.memory_space<vmem>>, vector<16xf32>,
    %swap3A_25 = arith.constant 48 : index
    %swap3A_26 = tpu.vector_load %arg15[%swap3A_25] {strides = array<i32>} : memref<80xf32, #tpu.memory_space<vmem>>, vector<16xf32>,
    tpu.vector_store %arg15[%swap3A_25], %broadcast_in_dim3A_3 {strides = array<i32>} : memref<80xf32, #tpu.memory_space<vmem>>, vector<16xf32>,
    %swap3A_27 = arith.constant 64 : index
    %swap3A_28 = tpu.vector_load %arg13[%swap3A_27] {strides = array<i32>} : memref<80xf32, #tpu.memory_space<vmem>>, vector<16xf32>,
    tpu.vector_store %arg13[%swap3A_27], %broadcast_in_dim3A_3 {strides = array<i32>} : memref<80xf32, #tpu.memory_space<vmem>>, vector<16xf32>,
    %swap3A_29 = arith.constant 64 : index
    %swap3A_30 = tpu.vector_load %arg14[%swap3A_29] {strides = array<i32>} : memref<80xf32, #tpu.memory_space<vmem>>, vector<16xf32>,
    tpu.vector_store %arg14[%swap3A_29], %broadcast_in_dim3A_3 {strides = array<i32>} : memref<80xf32, #tpu.memory_space<vmem>>, vector<16xf32>,
    %swap3A_31 = arith.constant 64 : index
    %swap3A_32 = tpu.vector_load %arg15[%swap3A_31] {strides = array<i32>} : memref<80xf32, #tpu.memory_space<vmem>>, vector<16xf32>,
    tpu.vector_store %arg15[%swap3A_31], %broadcast_in_dim3A_3 {strides = array<i32>} : memref<80xf32, #tpu.memory_space<vmem>>, vector<16xf32>,
    %scan3A = arith.constant 0 : i32
    %scan3A_33 = arith.constant 0 : i32
    %scan3A_34 = arith.constant 640 : i32
    %scan3A_35 = arith.addi %scan3A_33, %scan3A_34 : i32
    %scan3A_36 = arith.constant 1 : i32
    %scan3A_37 = scf.for %scan3A_54 = %scan3A_33 to %scan3A_35 step %scan3A_36 iter_args(%scan3A_55 = %scan3A) -> (i32)  : i32 {
      %mul3A_56 = arith.constant 16 : i32
      %mul3A_57 = arith.muli %scan3A_54, %mul3A_56 : i32
      %get3A = arith.index_cast %mul3A_57 : i32 to index
      %get3A_58 = tpu.vector_load %arg11[%get3A] {strides = array<i32>} : memref<10240xi32, #tpu.memory_space<vmem>>, vector<16xi32>,
      %mul3A_59 = arith.constant 16 : i32
      %mul3A_60 = arith.muli %scan3A_54, %mul3A_59 : i32
      %get3A_61 = arith.index_cast %mul3A_60 : i32 to index
      %get3A_62 = tpu.vector_load %arg12[%get3A_61] {strides = array<i32>} : memref<10240xi32, #tpu.memory_space<vmem>>, vector<16xi32>,
      %gather3A = tpu.vector_load_idx %arg8[%get3A_58] : memref<10240xf32, #tpu.memory_space<vmem>>[vector<16xi32>], vector<16xf32>,
      %gather3A_63 = tpu.vector_load_idx %arg10[%get3A_62] : memref<10240xi32, #tpu.memory_space<vmem>>[vector<16xi32>], vector<16xi32>,
      tpu.vector_store_idx %arg13[%gather3A_63], %gather3A {add = true} : memref<80xf32, #tpu.memory_space<vmem>>[vector<16xi32>], vector<16xf32>,
      %scan3A_64 = arith.constant 0 : i32
      scf.yield %scan3A_64 : i32
    }
    %scan3A_38 = arith.constant 640 : i32
    %scan3A_39 = arith.constant 0 : i32
    %scan3A_40 = arith.constant 0 : i32
    %scan3A_41 = arith.constant 20 : i32
    %scan3A_42 = arith.addi %scan3A_40, %scan3A_41 : i32
    %scan3A_43 = arith.constant 1 : i32
    %scan3A_44 = scf.for %scan3A_54 = %scan3A_40 to %scan3A_42 step %scan3A_43 iter_args(%scan3A_55 = %scan3A_39) -> (i32)  : i32 {
      %mul3A_56 = arith.constant 16 : i32
      %mul3A_57 = arith.muli %scan3A_54, %mul3A_56 : i32
      %get3A = arith.index_cast %mul3A_57 : i32 to index
      %get3A_58 = tpu.vector_load %arg9[%get3A] {strides = array<i32>} : memref<320xf32, #tpu.memory_space<vmem>>, vector<16xf32>,
      %mul3A_59 = arith.constant 16 : i32
      %mul3A_60 = arith.muli %scan3A_54, %mul3A_59 : i32
      %add3A_61 = arith.addi %mul3A_2, %mul3A_60 : i32
      %get3A_62 = arith.index_cast %add3A_61 : i32 to index
      %get3A_63 = tpu.vector_load %arg10[%get3A_62] {strides = array<i32>} : memref<10240xi32, #tpu.memory_space<vmem>>, vector<16xi32>,
      tpu.vector_store_idx %arg14[%get3A_63], %get3A_58 {add = true} : memref<80xf32, #tpu.memory_space<vmem>>[vector<16xi32>], vector<16xf32>,
      %broadcast_in_dim3A_64 = arith.constant 1.000000e+00 : f32
      %broadcast_in_dim3A_65 = vector.broadcast %broadcast_in_dim3A_64 : f32 to vector<16xf32>
      tpu.vector_store_idx %arg15[%get3A_63], %broadcast_in_dim3A_65 {add = true} : memref<80xf32, #tpu.memory_space<vmem>>[vector<16xi32>], vector<16xf32>,
      %scan3A_66 = arith.constant 0 : i32
      scf.yield %scan3A_66 : i32
    }
    %scan3A_45 = arith.constant 20 : i32
    %mul3A_46 = arith.constant 3 : i32
    %mul3A_47 = arith.muli %add3A, %mul3A_46 : i32
    %mul3A_48 = arith.constant 80 : i32
    %mul3A_49 = arith.muli %mul3A_47, %mul3A_48 : i32
    "tpu.region"() ({
      %run_scoped3A = tpu.sem_alloc : memref<!tpu.dma_semaphore, #tpu.memory_space<semaphore_mem>>
      %dma_start3A = tpu.memref_slice %arg7[%mul3A_49] : memref<7680xf32, #tpu.memory_space<hbm>> -> memref<80xf32, #tpu.memory_space<hbm>>
      %dma_start3A_54 = tpu.memref_slice %arg7[%mul3A_49] : memref<7680xf32, #tpu.memory_space<hbm>> -> memref<80xf32, #tpu.memory_space<hbm>>
      tpu.enqueue_dma source(%arg13 : memref<80xf32, #tpu.memory_space<vmem>>) target(%dma_start3A_54 : memref<80xf32, #tpu.memory_space<hbm>>) target_semaphore(%run_scoped3A : memref<!tpu.dma_semaphore, #tpu.memory_space<semaphore_mem>>)
      %dma_wait3A = tpu.memref_slice %arg7[%mul3A_49] : memref<7680xf32, #tpu.memory_space<hbm>> -> memref<80xf32, #tpu.memory_space<hbm>>
      %dma_wait3A_55 = tpu.memref_slice %arg7[%mul3A_49] : memref<7680xf32, #tpu.memory_space<hbm>> -> memref<80xf32, #tpu.memory_space<hbm>>
      tpu.wait_dma2 semaphore(%run_scoped3A : memref<!tpu.dma_semaphore, #tpu.memory_space<semaphore_mem>>) src(%arg13 : memref<80xf32, #tpu.memory_space<vmem>>) dst(%dma_wait3A_55 : memref<80xf32, #tpu.memory_space<hbm>>)
      tpu.yield
    }) : () -> ()
    %add3A_50 = arith.constant 80 : i32
    %add3A_51 = arith.addi %mul3A_49, %add3A_50 : i32
    "tpu.region"() ({
      %run_scoped3A = tpu.sem_alloc : memref<!tpu.dma_semaphore, #tpu.memory_space<semaphore_mem>>
      %dma_start3A = tpu.memref_slice %arg7[%add3A_51] : memref<7680xf32, #tpu.memory_space<hbm>> -> memref<80xf32, #tpu.memory_space<hbm>>
      %dma_start3A_54 = tpu.memref_slice %arg7[%add3A_51] : memref<7680xf32, #tpu.memory_space<hbm>> -> memref<80xf32, #tpu.memory_space<hbm>>
      tpu.enqueue_dma source(%arg14 : memref<80xf32, #tpu.memory_space<vmem>>) target(%dma_start3A_54 : memref<80xf32, #tpu.memory_space<hbm>>) target_semaphore(%run_scoped3A : memref<!tpu.dma_semaphore, #tpu.memory_space<semaphore_mem>>)
      %dma_wait3A = tpu.memref_slice %arg7[%add3A_51] : memref<7680xf32, #tpu.memory_space<hbm>> -> memref<80xf32, #tpu.memory_space<hbm>>
      %dma_wait3A_55 = tpu.memref_slice %arg7[%add3A_51] : memref<7680xf32, #tpu.memory_space<hbm>> -> memref<80xf32, #tpu.memory_space<hbm>>
      tpu.wait_dma2 semaphore(%run_scoped3A : memref<!tpu.dma_semaphore, #tpu.memory_space<semaphore_mem>>) src(%arg14 : memref<80xf32, #tpu.memory_space<vmem>>) dst(%dma_wait3A_55 : memref<80xf32, #tpu.memory_space<hbm>>)
      tpu.yield
    }) : () -> ()
    %add3A_52 = arith.constant 160 : i32
    %add3A_53 = arith.addi %mul3A_49, %add3A_52 : i32
    "tpu.region"() ({
      %run_scoped3A = tpu.sem_alloc : memref<!tpu.dma_semaphore, #tpu.memory_space<semaphore_mem>>
      %dma_start3A = tpu.memref_slice %arg7[%add3A_53] : memref<7680xf32, #tpu.memory_space<hbm>> -> memref<80xf32, #tpu.memory_space<hbm>>
      %dma_start3A_54 = tpu.memref_slice %arg7[%add3A_53] : memref<7680xf32, #tpu.memory_space<hbm>> -> memref<80xf32, #tpu.memory_space<hbm>>
      tpu.enqueue_dma source(%arg15 : memref<80xf32, #tpu.memory_space<vmem>>) target(%dma_start3A_54 : memref<80xf32, #tpu.memory_space<hbm>>) target_semaphore(%run_scoped3A : memref<!tpu.dma_semaphore, #tpu.memory_space<semaphore_mem>>)
      %dma_wait3A = tpu.memref_slice %arg7[%add3A_53] : memref<7680xf32, #tpu.memory_space<hbm>> -> memref<80xf32, #tpu.memory_space<hbm>>
      %dma_wait3A_55 = tpu.memref_slice %arg7[%add3A_53] : memref<7680xf32, #tpu.memory_space<hbm>> -> memref<80xf32, #tpu.memory_space<hbm>>
      tpu.wait_dma2 semaphore(%run_scoped3A : memref<!tpu.dma_semaphore, #tpu.memory_space<semaphore_mem>>) src(%arg15 : memref<80xf32, #tpu.memory_space<vmem>>) dst(%dma_wait3A_55 : memref<80xf32, #tpu.memory_space<hbm>>)
      tpu.yield
    }) : () -> ()
    return
  }
}

#map = affine_map<(d0, d1) -> (0, 0)>
#map1 = affine_map<(d0, d1) -> (0)>
module attributes {stable_mosaic.version = 14 : i64} {
  func.func @_scatter_body(%arg0: i32, %arg1: i32, %arg2: memref<10240x128xf32, #tpu.memory_space<hbm>>, %arg3: memref<32x10240xi32, #tpu.memory_space<hbm>>, %arg4: memref<327680xi32, #tpu.memory_space<hbm>>, %arg5: memref<640x128xf32, #tpu.memory_space<hbm>>, %arg6: memref<20480x128xf32, #tpu.memory_space<hbm>>, %arg7: memref<10240x128xf32, #tpu.memory_space<vmem_shared>>, %arg8: memref<10240xi32, #tpu.memory_space<vmem>>, %arg9: memref<4x64xi32, #tpu.memory_space<vmem>>, %arg10: memref<64x128xf32, #tpu.memory_space<vmem>>, %arg11: memref<64x128xf32, #tpu.memory_space<vmem>>, %arg12: memref<64x128xf32, #tpu.memory_space<vmem>>, %arg13: memref<64x128xf32, #tpu.memory_space<vmem>>, %arg14: memref<!tpu.dma_semaphore, #tpu.memory_space<semaphore_mem>>, %arg15: memref<!tpu.dma_semaphore, #tpu.memory_space<semaphore_mem>>, %arg16: memref<!tpu.dma_semaphore, #tpu.memory_space<semaphore_mem>>, %arg17: memref<!tpu.dma_semaphore, #tpu.memory_space<semaphore_mem>>, %arg18: memref<!tpu.dma_semaphore, #tpu.memory_space<semaphore_mem>>, %arg19: memref<!tpu.dma_semaphore, #tpu.memory_space<semaphore_mem>>, %arg20: memref<!tpu.dma_semaphore, #tpu.memory_space<semaphore_mem>>, %arg21: memref<!tpu.dma_semaphore, #tpu.memory_space<semaphore_mem>>) attributes {dimension_semantics = [#tpu.dimension_semantics<core_parallel>, #tpu.dimension_semantics<subcore_parallel>], iteration_bounds = array<i64: 2, 16>, scalar_prefetch = 0 : i64, scratch_operands = 15 : i64, tpu.core_type = #tpu.core_type<sc_vector_subcore>, window_params = [{transform_indices = #map}, {transform_indices = #map}, {transform_indices = #map1}, {transform_indices = #map}, {transform_indices = #map}]} {
    %mul3A = arith.constant 2 : i32
    %mul3A_0 = arith.muli %arg1, %mul3A : i32
    %add3A = arith.addi %mul3A_0, %arg0 : i32
    %mul3A_1 = arith.constant 10240 : i32
    %mul3A_2 = arith.muli %add3A, %mul3A_1 : i32
    %mul3A_3 = arith.constant 640 : i32
    %mul3A_4 = arith.muli %arg1, %mul3A_3 : i32
    "tpu.region"() ({
      %run_scoped3A = tpu.sem_alloc : memref<!tpu.dma_semaphore, #tpu.memory_space<semaphore_mem>>
      %dma_start3A_82 = arith.constant 0 : i32
      %dma_start3A_83 = tpu.memref_slice %arg7[%mul3A_4, %dma_start3A_82] : memref<10240x128xf32, #tpu.memory_space<vmem_shared>> -> memref<640x128xf32, #tpu.memory_space<vmem_shared>>
      tpu.enqueue_dma source(%arg5 : memref<640x128xf32, #tpu.memory_space<hbm>>) target(%dma_start3A_83 : memref<640x128xf32, #tpu.memory_space<vmem_shared>>) target_semaphore(%run_scoped3A : memref<!tpu.dma_semaphore, #tpu.memory_space<semaphore_mem>>)
      %dma_wait3A = arith.constant 0 : i32
      %dma_wait3A_84 = tpu.memref_slice %arg7[%mul3A_4, %dma_wait3A] : memref<10240x128xf32, #tpu.memory_space<vmem_shared>> -> memref<640x128xf32, #tpu.memory_space<vmem_shared>>
      tpu.wait_dma2 semaphore(%run_scoped3A : memref<!tpu.dma_semaphore, #tpu.memory_space<semaphore_mem>>) src(%arg5 : memref<640x128xf32, #tpu.memory_space<hbm>>) dst(%dma_wait3A_84 : memref<640x128xf32, #tpu.memory_space<vmem_shared>>)
      tpu.yield
    }) : () -> ()
    %barrier3A = arith.constant 0 : index
    tpu.barrier barrier_id(%barrier3A)
    "tpu.region"() ({
      %run_scoped3A = tpu.sem_alloc : memref<!tpu.dma_semaphore, #tpu.memory_space<semaphore_mem>>
      %dma_start3A_82 = arith.constant 0 : i32
      %dma_start3A_83 = tpu.memref_slice %arg3[%add3A, %dma_start3A_82] : memref<32x10240xi32, #tpu.memory_space<hbm>> -> memref<1x10240xi32, #tpu.memory_space<hbm>>
      %dma_start3A_84 = tpu.memref_squeeze %dma_start3A_83 : memref<1x10240xi32, #tpu.memory_space<hbm>> -> memref<10240xi32, #tpu.memory_space<hbm>>
      %dma_start3A_85 = arith.constant 0 : i32
      %dma_start3A_86 = tpu.memref_slice %arg3[%add3A, %dma_start3A_85] : memref<32x10240xi32, #tpu.memory_space<hbm>> -> memref<1x10240xi32, #tpu.memory_space<hbm>>
      %dma_start3A_87 = tpu.memref_squeeze %dma_start3A_86 : memref<1x10240xi32, #tpu.memory_space<hbm>> -> memref<10240xi32, #tpu.memory_space<hbm>>
      tpu.enqueue_dma source(%dma_start3A_87 : memref<10240xi32, #tpu.memory_space<hbm>>) target(%arg8 : memref<10240xi32, #tpu.memory_space<vmem>>) target_semaphore(%run_scoped3A : memref<!tpu.dma_semaphore, #tpu.memory_space<semaphore_mem>>)
      %dma_wait3A = arith.constant 0 : i32
      %dma_wait3A_88 = tpu.memref_slice %arg3[%add3A, %dma_wait3A] : memref<32x10240xi32, #tpu.memory_space<hbm>> -> memref<1x10240xi32, #tpu.memory_space<hbm>>
      %dma_wait3A_89 = tpu.memref_squeeze %dma_wait3A_88 : memref<1x10240xi32, #tpu.memory_space<hbm>> -> memref<10240xi32, #tpu.memory_space<hbm>>
      %dma_wait3A_90 = arith.constant 0 : i32
      %dma_wait3A_91 = tpu.memref_slice %arg3[%add3A, %dma_wait3A_90] : memref<32x10240xi32, #tpu.memory_space<hbm>> -> memref<1x10240xi32, #tpu.memory_space<hbm>>
      %dma_wait3A_92 = tpu.memref_squeeze %dma_wait3A_91 : memref<1x10240xi32, #tpu.memory_space<hbm>> -> memref<10240xi32, #tpu.memory_space<hbm>>
      tpu.wait_dma2 semaphore(%run_scoped3A : memref<!tpu.dma_semaphore, #tpu.memory_space<semaphore_mem>>) src(%dma_wait3A_92 : memref<10240xi32, #tpu.memory_space<hbm>>) dst(%arg8 : memref<10240xi32, #tpu.memory_space<vmem>>)
      tpu.yield
    }) : () -> ()
    %add3A_5 = arith.constant 0 : i32
    %add3A_6 = arith.addi %mul3A_2, %add3A_5 : i32
    %dma_start3A = arith.constant 0 : i32
    %dma_start3A_7 = arith.constant 0 : i32
    %dma_start3A_8 = tpu.memref_slice %arg9[%dma_start3A, %dma_start3A_7] : memref<4x64xi32, #tpu.memory_space<vmem>> -> memref<1x64xi32, #tpu.memory_space<vmem>>
    %dma_start3A_9 = tpu.memref_squeeze %dma_start3A_8 : memref<1x64xi32, #tpu.memory_space<vmem>> -> memref<64xi32, #tpu.memory_space<vmem>>
    %dma_start3A_10 = tpu.memref_slice %arg4[%add3A_6] : memref<327680xi32, #tpu.memory_space<hbm>> -> memref<64xi32, #tpu.memory_space<hbm>>
    %dma_start3A_11 = arith.constant 0 : i32
    %dma_start3A_12 = tpu.memref_slice %arg9[%dma_start3A, %dma_start3A_11] : memref<4x64xi32, #tpu.memory_space<vmem>> -> memref<1x64xi32, #tpu.memory_space<vmem>>
    %dma_start3A_13 = tpu.memref_squeeze %dma_start3A_12 : memref<1x64xi32, #tpu.memory_space<vmem>> -> memref<64xi32, #tpu.memory_space<vmem>>
    %dma_start3A_14 = tpu.memref_slice %arg4[%add3A_6] : memref<327680xi32, #tpu.memory_space<hbm>> -> memref<64xi32, #tpu.memory_space<hbm>>
    tpu.enqueue_dma source(%dma_start3A_14 : memref<64xi32, #tpu.memory_space<hbm>>) target(%dma_start3A_13 : memref<64xi32, #tpu.memory_space<vmem>>) target_semaphore(%arg18 : memref<!tpu.dma_semaphore, #tpu.memory_space<semaphore_mem>>)
    %dma_start3A_15 = arith.constant 0 : i32
    %dma_start3A_16 = tpu.memref_slice %arg8[%dma_start3A_15] : memref<10240xi32, #tpu.memory_space<vmem>> -> memref<64xi32, #tpu.memory_space<vmem>>
    %dma_start3A_17 = arith.constant 0 : i32
    %dma_start3A_18 = arith.constant 0 : i32
    %dma_start3A_19 = tpu.memref_slice %arg2[%dma_start3A_17, %dma_start3A_18] : memref<10240x128xf32, #tpu.memory_space<hbm>> -> memref<10240x128xf32, #tpu.memory_space<hbm>>
    tpu.enqueue_indirect_dma source(%dma_start3A_19 : memref<10240x128xf32, #tpu.memory_space<hbm>>) target(%arg10 : memref<64x128xf32, #tpu.memory_space<vmem>>) offsets(%dma_start3A_16 : memref<64xi32, #tpu.memory_space<vmem>>) semaphore(%arg14 : memref<!tpu.dma_semaphore, #tpu.memory_space<semaphore_mem>>)
    %add3A_20 = arith.constant 64 : i32
    %add3A_21 = arith.addi %mul3A_2, %add3A_20 : i32
    %dma_start3A_22 = arith.constant 1 : i32
    %dma_start3A_23 = arith.constant 0 : i32
    %dma_start3A_24 = tpu.memref_slice %arg9[%dma_start3A_22, %dma_start3A_23] : memref<4x64xi32, #tpu.memory_space<vmem>> -> memref<1x64xi32, #tpu.memory_space<vmem>>
    %dma_start3A_25 = tpu.memref_squeeze %dma_start3A_24 : memref<1x64xi32, #tpu.memory_space<vmem>> -> memref<64xi32, #tpu.memory_space<vmem>>
    %dma_start3A_26 = tpu.memref_slice %arg4[%add3A_21] : memref<327680xi32, #tpu.memory_space<hbm>> -> memref<64xi32, #tpu.memory_space<hbm>>
    %dma_start3A_27 = arith.constant 0 : i32
    %dma_start3A_28 = tpu.memref_slice %arg9[%dma_start3A_22, %dma_start3A_27] : memref<4x64xi32, #tpu.memory_space<vmem>> -> memref<1x64xi32, #tpu.memory_space<vmem>>
    %dma_start3A_29 = tpu.memref_squeeze %dma_start3A_28 : memref<1x64xi32, #tpu.memory_space<vmem>> -> memref<64xi32, #tpu.memory_space<vmem>>
    %dma_start3A_30 = tpu.memref_slice %arg4[%add3A_21] : memref<327680xi32, #tpu.memory_space<hbm>> -> memref<64xi32, #tpu.memory_space<hbm>>
    tpu.enqueue_dma source(%dma_start3A_30 : memref<64xi32, #tpu.memory_space<hbm>>) target(%dma_start3A_29 : memref<64xi32, #tpu.memory_space<vmem>>) target_semaphore(%arg19 : memref<!tpu.dma_semaphore, #tpu.memory_space<semaphore_mem>>)
    %dma_start3A_31 = arith.constant 64 : i32
    %dma_start3A_32 = tpu.memref_slice %arg8[%dma_start3A_31] : memref<10240xi32, #tpu.memory_space<vmem>> -> memref<64xi32, #tpu.memory_space<vmem>>
    %dma_start3A_33 = arith.constant 0 : i32
    %dma_start3A_34 = arith.constant 0 : i32
    %dma_start3A_35 = tpu.memref_slice %arg2[%dma_start3A_33, %dma_start3A_34] : memref<10240x128xf32, #tpu.memory_space<hbm>> -> memref<10240x128xf32, #tpu.memory_space<hbm>>
    tpu.enqueue_indirect_dma source(%dma_start3A_35 : memref<10240x128xf32, #tpu.memory_space<hbm>>) target(%arg11 : memref<64x128xf32, #tpu.memory_space<vmem>>) offsets(%dma_start3A_32 : memref<64xi32, #tpu.memory_space<vmem>>) semaphore(%arg15 : memref<!tpu.dma_semaphore, #tpu.memory_space<semaphore_mem>>)
    %add3A_36 = arith.constant 128 : i32
    %add3A_37 = arith.addi %mul3A_2, %add3A_36 : i32
    %dma_start3A_38 = arith.constant 2 : i32
    %dma_start3A_39 = arith.constant 0 : i32
    %dma_start3A_40 = tpu.memref_slice %arg9[%dma_start3A_38, %dma_start3A_39] : memref<4x64xi32, #tpu.memory_space<vmem>> -> memref<1x64xi32, #tpu.memory_space<vmem>>
    %dma_start3A_41 = tpu.memref_squeeze %dma_start3A_40 : memref<1x64xi32, #tpu.memory_space<vmem>> -> memref<64xi32, #tpu.memory_space<vmem>>
    %dma_start3A_42 = tpu.memref_slice %arg4[%add3A_37] : memref<327680xi32, #tpu.memory_space<hbm>> -> memref<64xi32, #tpu.memory_space<hbm>>
    %dma_start3A_43 = arith.constant 0 : i32
    %dma_start3A_44 = tpu.memref_slice %arg9[%dma_start3A_38, %dma_start3A_43] : memref<4x64xi32, #tpu.memory_space<vmem>> -> memref<1x64xi32, #tpu.memory_space<vmem>>
    %dma_start3A_45 = tpu.memref_squeeze %dma_start3A_44 : memref<1x64xi32, #tpu.memory_space<vmem>> -> memref<64xi32, #tpu.memory_space<vmem>>
    %dma_start3A_46 = tpu.memref_slice %arg4[%add3A_37] : memref<327680xi32, #tpu.memory_space<hbm>> -> memref<64xi32, #tpu.memory_space<hbm>>
    tpu.enqueue_dma source(%dma_start3A_46 : memref<64xi32, #tpu.memory_space<hbm>>) target(%dma_start3A_45 : memref<64xi32, #tpu.memory_space<vmem>>) target_semaphore(%arg20 : memref<!tpu.dma_semaphore, #tpu.memory_space<semaphore_mem>>)
    %dma_start3A_47 = arith.constant 128 : i32
    %dma_start3A_48 = tpu.memref_slice %arg8[%dma_start3A_47] : memref<10240xi32, #tpu.memory_space<vmem>> -> memref<64xi32, #tpu.memory_space<vmem>>
    %dma_start3A_49 = arith.constant 0 : i32
    %dma_start3A_50 = arith.constant 0 : i32
    %dma_start3A_51 = tpu.memref_slice %arg2[%dma_start3A_49, %dma_start3A_50] : memref<10240x128xf32, #tpu.memory_space<hbm>> -> memref<10240x128xf32, #tpu.memory_space<hbm>>
    tpu.enqueue_indirect_dma source(%dma_start3A_51 : memref<10240x128xf32, #tpu.memory_space<hbm>>) target(%arg12 : memref<64x128xf32, #tpu.memory_space<vmem>>) offsets(%dma_start3A_48 : memref<64xi32, #tpu.memory_space<vmem>>) semaphore(%arg16 : memref<!tpu.dma_semaphore, #tpu.memory_space<semaphore_mem>>)
    %add3A_52 = arith.constant 192 : i32
    %add3A_53 = arith.addi %mul3A_2, %add3A_52 : i32
    %dma_start3A_54 = arith.constant 3 : i32
    %dma_start3A_55 = arith.constant 0 : i32
    %dma_start3A_56 = tpu.memref_slice %arg9[%dma_start3A_54, %dma_start3A_55] : memref<4x64xi32, #tpu.memory_space<vmem>> -> memref<1x64xi32, #tpu.memory_space<vmem>>
    %dma_start3A_57 = tpu.memref_squeeze %dma_start3A_56 : memref<1x64xi32, #tpu.memory_space<vmem>> -> memref<64xi32, #tpu.memory_space<vmem>>
    %dma_start3A_58 = tpu.memref_slice %arg4[%add3A_53] : memref<327680xi32, #tpu.memory_space<hbm>> -> memref<64xi32, #tpu.memory_space<hbm>>
    %dma_start3A_59 = arith.constant 0 : i32
    %dma_start3A_60 = tpu.memref_slice %arg9[%dma_start3A_54, %dma_start3A_59] : memref<4x64xi32, #tpu.memory_space<vmem>> -> memref<1x64xi32, #tpu.memory_space<vmem>>
    %dma_start3A_61 = tpu.memref_squeeze %dma_start3A_60 : memref<1x64xi32, #tpu.memory_space<vmem>> -> memref<64xi32, #tpu.memory_space<vmem>>
    %dma_start3A_62 = tpu.memref_slice %arg4[%add3A_53] : memref<327680xi32, #tpu.memory_space<hbm>> -> memref<64xi32, #tpu.memory_space<hbm>>
    tpu.enqueue_dma source(%dma_start3A_62 : memref<64xi32, #tpu.memory_space<hbm>>) target(%dma_start3A_61 : memref<64xi32, #tpu.memory_space<vmem>>) target_semaphore(%arg21 : memref<!tpu.dma_semaphore, #tpu.memory_space<semaphore_mem>>)
    %dma_start3A_63 = arith.constant 192 : i32
    %dma_start3A_64 = tpu.memref_slice %arg8[%dma_start3A_63] : memref<10240xi32, #tpu.memory_space<vmem>> -> memref<64xi32, #tpu.memory_space<vmem>>
    %dma_start3A_65 = arith.constant 0 : i32
    %dma_start3A_66 = arith.constant 0 : i32
    %dma_start3A_67 = tpu.memref_slice %arg2[%dma_start3A_65, %dma_start3A_66] : memref<10240x128xf32, #tpu.memory_space<hbm>> -> memref<10240x128xf32, #tpu.memory_space<hbm>>
    tpu.enqueue_indirect_dma source(%dma_start3A_67 : memref<10240x128xf32, #tpu.memory_space<hbm>>) target(%arg13 : memref<64x128xf32, #tpu.memory_space<vmem>>) offsets(%dma_start3A_64 : memref<64xi32, #tpu.memory_space<vmem>>) semaphore(%arg17 : memref<!tpu.dma_semaphore, #tpu.memory_space<semaphore_mem>>)
    %scan3A = arith.constant 0 : i32
    %scan3A_68 = arith.constant 0 : i32
    %scan3A_69 = arith.constant 40 : i32
    %scan3A_70 = arith.addi %scan3A_68, %scan3A_69 : i32
    %scan3A_71 = arith.constant 1 : i32
    %scan3A_72 = scf.for %scan3A_82 = %scan3A_68 to %scan3A_70 step %scan3A_71 iter_args(%scan3A_83 = %scan3A) -> (i32)  : i32 {
      %mul3A_84 = arith.constant 4 : i32
      %mul3A_85 = arith.muli %mul3A_84, %scan3A_82 : i32
      %add3A_86 = arith.constant 0 : i32
      %add3A_87 = arith.addi %mul3A_85, %add3A_86 : i32
      %mul3A_88 = arith.constant 64 : i32
      %mul3A_89 = arith.muli %add3A_87, %mul3A_88 : i32
      %dma_wait3A = tpu.memref_slice %arg8[%mul3A_89] : memref<10240xi32, #tpu.memory_space<vmem>> -> memref<64xi32, #tpu.memory_space<vmem>>
      %dma_wait3A_90 = arith.constant 0 : i32
      %dma_wait3A_91 = arith.constant 0 : i32
      %dma_wait3A_92 = tpu.memref_slice %arg2[%dma_wait3A_90, %dma_wait3A_91] : memref<10240x128xf32, #tpu.memory_space<hbm>> -> memref<10240x128xf32, #tpu.memory_space<hbm>>
      tpu.wait_indirect_dma semaphore(%arg14 : memref<!tpu.dma_semaphore, #tpu.memory_space<semaphore_mem>>) src(%dma_wait3A_92 : memref<10240x128xf32, #tpu.memory_space<hbm>>) dst(%arg10 : memref<64x128xf32, #tpu.memory_space<vmem>>)
      %mul3A_93 = arith.constant 64 : i32
      %mul3A_94 = arith.muli %add3A_87, %mul3A_93 : i32
      %add3A_95 = arith.addi %mul3A_2, %mul3A_94 : i32
      %dma_wait3A_96 = arith.constant 0 : i32
      %dma_wait3A_97 = arith.constant 0 : i32
      %dma_wait3A_98 = tpu.memref_slice %arg9[%dma_wait3A_96, %dma_wait3A_97] : memref<4x64xi32, #tpu.memory_space<vmem>> -> memref<1x64xi32, #tpu.memory_space<vmem>>
      %dma_wait3A_99 = tpu.memref_squeeze %dma_wait3A_98 : memref<1x64xi32, #tpu.memory_space<vmem>> -> memref<64xi32, #tpu.memory_space<vmem>>
      %dma_wait3A_100 = tpu.memref_slice %arg4[%add3A_95] : memref<327680xi32, #tpu.memory_space<hbm>> -> memref<64xi32, #tpu.memory_space<hbm>>
      %dma_wait3A_101 = arith.constant 0 : i32
      %dma_wait3A_102 = tpu.memref_slice %arg9[%dma_wait3A_96, %dma_wait3A_101] : memref<4x64xi32, #tpu.memory_space<vmem>> -> memref<1x64xi32, #tpu.memory_space<vmem>>
      %dma_wait3A_103 = tpu.memref_squeeze %dma_wait3A_102 : memref<1x64xi32, #tpu.memory_space<vmem>> -> memref<64xi32, #tpu.memory_space<vmem>>
      %dma_wait3A_104 = tpu.memref_slice %arg4[%add3A_95] : memref<327680xi32, #tpu.memory_space<hbm>> -> memref<64xi32, #tpu.memory_space<hbm>>
      tpu.wait_dma2 semaphore(%arg18 : memref<!tpu.dma_semaphore, #tpu.memory_space<semaphore_mem>>) src(%dma_wait3A_104 : memref<64xi32, #tpu.memory_space<hbm>>) dst(%dma_wait3A_103 : memref<64xi32, #tpu.memory_space<vmem>>)
      %run_scoped3A = arith.constant 0 : i32
      "tpu.region"() ({
        %run_scoped3A_200 = tpu.sem_alloc : memref<!tpu.dma_semaphore, #tpu.memory_space<semaphore_mem>>
        %dma_start3A_201 = arith.constant 0 : i32
        %dma_start3A_202 = tpu.memref_slice %arg9[%run_scoped3A, %dma_start3A_201] : memref<4x64xi32, #tpu.memory_space<vmem>> -> memref<1x64xi32, #tpu.memory_space<vmem>>
        %dma_start3A_203 = tpu.memref_squeeze %dma_start3A_202 : memref<1x64xi32, #tpu.memory_space<vmem>> -> memref<64xi32, #tpu.memory_space<vmem>>
        %dma_start3A_204 = arith.constant 0 : i32
        %dma_start3A_205 = arith.constant 0 : i32
        %dma_start3A_206 = tpu.memref_slice %arg7[%dma_start3A_204, %dma_start3A_205] : memref<10240x128xf32, #tpu.memory_space<vmem_shared>> -> memref<10240x128xf32, #tpu.memory_space<vmem_shared>>
        tpu.enqueue_indirect_dma source(%arg10 : memref<64x128xf32, #tpu.memory_space<vmem>>) target(%dma_start3A_206 : memref<10240x128xf32, #tpu.memory_space<vmem_shared>>) offsets(%dma_start3A_203 : memref<64xi32, #tpu.memory_space<vmem>>) semaphore(%run_scoped3A_200 : memref<!tpu.dma_semaphore, #tpu.memory_space<semaphore_mem>>) {add = true}
        %dma_wait3A_207 = arith.constant 0 : i32
        %dma_wait3A_208 = tpu.memref_slice %arg9[%run_scoped3A, %dma_wait3A_207] : memref<4x64xi32, #tpu.memory_space<vmem>> -> memref<1x64xi32, #tpu.memory_space<vmem>>
        %dma_wait3A_209 = tpu.memref_squeeze %dma_wait3A_208 : memref<1x64xi32, #tpu.memory_space<vmem>> -> memref<64xi32, #tpu.memory_space<vmem>>
        %dma_wait3A_210 = arith.constant 0 : i32
        %dma_wait3A_211 = arith.constant 0 : i32
        %dma_wait3A_212 = tpu.memref_slice %arg7[%dma_wait3A_210, %dma_wait3A_211] : memref<10240x128xf32, #tpu.memory_space<vmem_shared>> -> memref<10240x128xf32, #tpu.memory_space<vmem_shared>>
        tpu.wait_indirect_dma semaphore(%run_scoped3A_200 : memref<!tpu.dma_semaphore, #tpu.memory_space<semaphore_mem>>) src(%arg10 : memref<64x128xf32, #tpu.memory_space<vmem>>) dst(%dma_wait3A_212 : memref<10240x128xf32, #tpu.memory_space<vmem_shared>>)
        tpu.yield
      }) : () -> ()
      %add3A_105 = arith.constant 4 : i32
      %add3A_106 = arith.addi %add3A_87, %add3A_105 : i32
      %lt3A = arith.constant 160 : i32
      %lt3A_107 = arith.cmpi slt, %add3A_106, %lt3A : i32
      %convert_element_type3A = arith.extui %lt3A_107 : i1 to i32
      %cond3A = arith.constant 0 : i32
      %cond3A_108 = arith.cmpi ne, %convert_element_type3A, %cond3A : i32
      scf.if %cond3A_108 {
        %add3A_200 = arith.constant 4 : i32
        %add3A_201 = arith.addi %add3A_87, %add3A_200 : i32
        %mul3A_202 = arith.constant 64 : i32
        %mul3A_203 = arith.muli %add3A_201, %mul3A_202 : i32
        %add3A_204 = arith.addi %mul3A_2, %mul3A_203 : i32
        %dma_start3A_205 = arith.constant 0 : i32
        %dma_start3A_206 = arith.constant 0 : i32
        %dma_start3A_207 = tpu.memref_slice %arg9[%dma_start3A_205, %dma_start3A_206] : memref<4x64xi32, #tpu.memory_space<vmem>> -> memref<1x64xi32, #tpu.memory_space<vmem>>
        %dma_start3A_208 = tpu.memref_squeeze %dma_start3A_207 : memref<1x64xi32, #tpu.memory_space<vmem>> -> memref<64xi32, #tpu.memory_space<vmem>>
        %dma_start3A_209 = tpu.memref_slice %arg4[%add3A_204] : memref<327680xi32, #tpu.memory_space<hbm>> -> memref<64xi32, #tpu.memory_space<hbm>>
        %dma_start3A_210 = arith.constant 0 : i32
        %dma_start3A_211 = tpu.memref_slice %arg9[%dma_start3A_205, %dma_start3A_210] : memref<4x64xi32, #tpu.memory_space<vmem>> -> memref<1x64xi32, #tpu.memory_space<vmem>>
        %dma_start3A_212 = tpu.memref_squeeze %dma_start3A_211 : memref<1x64xi32, #tpu.memory_space<vmem>> -> memref<64xi32, #tpu.memory_space<vmem>>
        %dma_start3A_213 = tpu.memref_slice %arg4[%add3A_204] : memref<327680xi32, #tpu.memory_space<hbm>> -> memref<64xi32, #tpu.memory_space<hbm>>
        tpu.enqueue_dma source(%dma_start3A_213 : memref<64xi32, #tpu.memory_space<hbm>>) target(%dma_start3A_212 : memref<64xi32, #tpu.memory_space<vmem>>) target_semaphore(%arg18 : memref<!tpu.dma_semaphore, #tpu.memory_space<semaphore_mem>>)
        %add3A_214 = arith.constant 4 : i32
        %add3A_215 = arith.addi %add3A_87, %add3A_214 : i32
        %mul3A_216 = arith.constant 64 : i32
        %mul3A_217 = arith.muli %add3A_215, %mul3A_216 : i32
        %dma_start3A_218 = tpu.memref_slice %arg8[%mul3A_217] : memref<10240xi32, #tpu.memory_space<vmem>> -> memref<64xi32, #tpu.memory_space<vmem>>
        %dma_start3A_219 = arith.constant 0 : i32
        %dma_start3A_220 = arith.constant 0 : i32
        %dma_start3A_221 = tpu.memref_slice %arg2[%dma_start3A_219, %dma_start3A_220] : memref<10240x128xf32, #tpu.memory_space<hbm>> -> memref<10240x128xf32, #tpu.memory_space<hbm>>
        tpu.enqueue_indirect_dma source(%dma_start3A_221 : memref<10240x128xf32, #tpu.memory_space<hbm>>) target(%arg10 : memref<64x128xf32, #tpu.memory_space<vmem>>) offsets(%dma_start3A_218 : memref<64xi32, #tpu.memory_space<vmem>>) semaphore(%arg14 : memref<!tpu.dma_semaphore, #tpu.memory_space<semaphore_mem>>)
      } else {
      }
      %mul3A_109 = arith.constant 4 : i32
      %mul3A_110 = arith.muli %mul3A_109, %scan3A_82 : i32
      %add3A_111 = arith.constant 1 : i32
      %add3A_112 = arith.addi %mul3A_110, %add3A_111 : i32
      %mul3A_113 = arith.constant 64 : i32
      %mul3A_114 = arith.muli %add3A_112, %mul3A_113 : i32
      %dma_wait3A_115 = tpu.memref_slice %arg8[%mul3A_114] : memref<10240xi32, #tpu.memory_space<vmem>> -> memref<64xi32, #tpu.memory_space<vmem>>
      %dma_wait3A_116 = arith.constant 0 : i32
      %dma_wait3A_117 = arith.constant 0 : i32
      %dma_wait3A_118 = tpu.memref_slice %arg2[%dma_wait3A_116, %dma_wait3A_117] : memref<10240x128xf32, #tpu.memory_space<hbm>> -> memref<10240x128xf32, #tpu.memory_space<hbm>>
      tpu.wait_indirect_dma semaphore(%arg15 : memref<!tpu.dma_semaphore, #tpu.memory_space<semaphore_mem>>) src(%dma_wait3A_118 : memref<10240x128xf32, #tpu.memory_space<hbm>>) dst(%arg11 : memref<64x128xf32, #tpu.memory_space<vmem>>)
      %mul3A_119 = arith.constant 64 : i32
      %mul3A_120 = arith.muli %add3A_112, %mul3A_119 : i32
      %add3A_121 = arith.addi %mul3A_2, %mul3A_120 : i32
      %dma_wait3A_122 = arith.constant 1 : i32
      %dma_wait3A_123 = arith.constant 0 : i32
      %dma_wait3A_124 = tpu.memref_slice %arg9[%dma_wait3A_122, %dma_wait3A_123] : memref<4x64xi32, #tpu.memory_space<vmem>> -> memref<1x64xi32, #tpu.memory_space<vmem>>
      %dma_wait3A_125 = tpu.memref_squeeze %dma_wait3A_124 : memref<1x64xi32, #tpu.memory_space<vmem>> -> memref<64xi32, #tpu.memory_space<vmem>>
      %dma_wait3A_126 = tpu.memref_slice %arg4[%add3A_121] : memref<327680xi32, #tpu.memory_space<hbm>> -> memref<64xi32, #tpu.memory_space<hbm>>
      %dma_wait3A_127 = arith.constant 0 : i32
      %dma_wait3A_128 = tpu.memref_slice %arg9[%dma_wait3A_122, %dma_wait3A_127] : memref<4x64xi32, #tpu.memory_space<vmem>> -> memref<1x64xi32, #tpu.memory_space<vmem>>
      %dma_wait3A_129 = tpu.memref_squeeze %dma_wait3A_128 : memref<1x64xi32, #tpu.memory_space<vmem>> -> memref<64xi32, #tpu.memory_space<vmem>>
      %dma_wait3A_130 = tpu.memref_slice %arg4[%add3A_121] : memref<327680xi32, #tpu.memory_space<hbm>> -> memref<64xi32, #tpu.memory_space<hbm>>
      tpu.wait_dma2 semaphore(%arg19 : memref<!tpu.dma_semaphore, #tpu.memory_space<semaphore_mem>>) src(%dma_wait3A_130 : memref<64xi32, #tpu.memory_space<hbm>>) dst(%dma_wait3A_129 : memref<64xi32, #tpu.memory_space<vmem>>)
      %run_scoped3A_131 = arith.constant 1 : i32
      "tpu.region"() ({
        %run_scoped3A_200 = tpu.sem_alloc : memref<!tpu.dma_semaphore, #tpu.memory_space<semaphore_mem>>
        %dma_start3A_201 = arith.constant 0 : i32
        %dma_start3A_202 = tpu.memref_slice %arg9[%run_scoped3A_131, %dma_start3A_201] : memref<4x64xi32, #tpu.memory_space<vmem>> -> memref<1x64xi32, #tpu.memory_space<vmem>>
        %dma_start3A_203 = tpu.memref_squeeze %dma_start3A_202 : memref<1x64xi32, #tpu.memory_space<vmem>> -> memref<64xi32, #tpu.memory_space<vmem>>
        %dma_start3A_204 = arith.constant 0 : i32
        %dma_start3A_205 = arith.constant 0 : i32
        %dma_start3A_206 = tpu.memref_slice %arg7[%dma_start3A_204, %dma_start3A_205] : memref<10240x128xf32, #tpu.memory_space<vmem_shared>> -> memref<10240x128xf32, #tpu.memory_space<vmem_shared>>
        tpu.enqueue_indirect_dma source(%arg11 : memref<64x128xf32, #tpu.memory_space<vmem>>) target(%dma_start3A_206 : memref<10240x128xf32, #tpu.memory_space<vmem_shared>>) offsets(%dma_start3A_203 : memref<64xi32, #tpu.memory_space<vmem>>) semaphore(%run_scoped3A_200 : memref<!tpu.dma_semaphore, #tpu.memory_space<semaphore_mem>>) {add = true}
        %dma_wait3A_207 = arith.constant 0 : i32
        %dma_wait3A_208 = tpu.memref_slice %arg9[%run_scoped3A_131, %dma_wait3A_207] : memref<4x64xi32, #tpu.memory_space<vmem>> -> memref<1x64xi32, #tpu.memory_space<vmem>>
        %dma_wait3A_209 = tpu.memref_squeeze %dma_wait3A_208 : memref<1x64xi32, #tpu.memory_space<vmem>> -> memref<64xi32, #tpu.memory_space<vmem>>
        %dma_wait3A_210 = arith.constant 0 : i32
        %dma_wait3A_211 = arith.constant 0 : i32
        %dma_wait3A_212 = tpu.memref_slice %arg7[%dma_wait3A_210, %dma_wait3A_211] : memref<10240x128xf32, #tpu.memory_space<vmem_shared>> -> memref<10240x128xf32, #tpu.memory_space<vmem_shared>>
        tpu.wait_indirect_dma semaphore(%run_scoped3A_200 : memref<!tpu.dma_semaphore, #tpu.memory_space<semaphore_mem>>) src(%arg11 : memref<64x128xf32, #tpu.memory_space<vmem>>) dst(%dma_wait3A_212 : memref<10240x128xf32, #tpu.memory_space<vmem_shared>>)
        tpu.yield
      }) : () -> ()
      %add3A_132 = arith.constant 4 : i32
      %add3A_133 = arith.addi %add3A_112, %add3A_132 : i32
      %lt3A_134 = arith.constant 160 : i32
      %lt3A_135 = arith.cmpi slt, %add3A_133, %lt3A_134 : i32
      %convert_element_type3A_136 = arith.extui %lt3A_135 : i1 to i32
      %cond3A_137 = arith.constant 0 : i32
      %cond3A_138 = arith.cmpi ne, %convert_element_type3A_136, %cond3A_137 : i32
      scf.if %cond3A_138 {
        %add3A_200 = arith.constant 4 : i32
        %add3A_201 = arith.addi %add3A_112, %add3A_200 : i32
        %mul3A_202 = arith.constant 64 : i32
        %mul3A_203 = arith.muli %add3A_201, %mul3A_202 : i32
        %add3A_204 = arith.addi %mul3A_2, %mul3A_203 : i32
        %dma_start3A_205 = arith.constant 1 : i32
        %dma_start3A_206 = arith.constant 0 : i32
        %dma_start3A_207 = tpu.memref_slice %arg9[%dma_start3A_205, %dma_start3A_206] : memref<4x64xi32, #tpu.memory_space<vmem>> -> memref<1x64xi32, #tpu.memory_space<vmem>>
        %dma_start3A_208 = tpu.memref_squeeze %dma_start3A_207 : memref<1x64xi32, #tpu.memory_space<vmem>> -> memref<64xi32, #tpu.memory_space<vmem>>
        %dma_start3A_209 = tpu.memref_slice %arg4[%add3A_204] : memref<327680xi32, #tpu.memory_space<hbm>> -> memref<64xi32, #tpu.memory_space<hbm>>
        %dma_start3A_210 = arith.constant 0 : i32
        %dma_start3A_211 = tpu.memref_slice %arg9[%dma_start3A_205, %dma_start3A_210] : memref<4x64xi32, #tpu.memory_space<vmem>> -> memref<1x64xi32, #tpu.memory_space<vmem>>
        %dma_start3A_212 = tpu.memref_squeeze %dma_start3A_211 : memref<1x64xi32, #tpu.memory_space<vmem>> -> memref<64xi32, #tpu.memory_space<vmem>>
        %dma_start3A_213 = tpu.memref_slice %arg4[%add3A_204] : memref<327680xi32, #tpu.memory_space<hbm>> -> memref<64xi32, #tpu.memory_space<hbm>>
        tpu.enqueue_dma source(%dma_start3A_213 : memref<64xi32, #tpu.memory_space<hbm>>) target(%dma_start3A_212 : memref<64xi32, #tpu.memory_space<vmem>>) target_semaphore(%arg19 : memref<!tpu.dma_semaphore, #tpu.memory_space<semaphore_mem>>)
        %add3A_214 = arith.constant 4 : i32
        %add3A_215 = arith.addi %add3A_112, %add3A_214 : i32
        %mul3A_216 = arith.constant 64 : i32
        %mul3A_217 = arith.muli %add3A_215, %mul3A_216 : i32
        %dma_start3A_218 = tpu.memref_slice %arg8[%mul3A_217] : memref<10240xi32, #tpu.memory_space<vmem>> -> memref<64xi32, #tpu.memory_space<vmem>>
        %dma_start3A_219 = arith.constant 0 : i32
        %dma_start3A_220 = arith.constant 0 : i32
        %dma_start3A_221 = tpu.memref_slice %arg2[%dma_start3A_219, %dma_start3A_220] : memref<10240x128xf32, #tpu.memory_space<hbm>> -> memref<10240x128xf32, #tpu.memory_space<hbm>>
        tpu.enqueue_indirect_dma source(%dma_start3A_221 : memref<10240x128xf32, #tpu.memory_space<hbm>>) target(%arg11 : memref<64x128xf32, #tpu.memory_space<vmem>>) offsets(%dma_start3A_218 : memref<64xi32, #tpu.memory_space<vmem>>) semaphore(%arg15 : memref<!tpu.dma_semaphore, #tpu.memory_space<semaphore_mem>>)
      } else {
      }
      %mul3A_139 = arith.constant 4 : i32
      %mul3A_140 = arith.muli %mul3A_139, %scan3A_82 : i32
      %add3A_141 = arith.constant 2 : i32
      %add3A_142 = arith.addi %mul3A_140, %add3A_141 : i32
      %mul3A_143 = arith.constant 64 : i32
      %mul3A_144 = arith.muli %add3A_142, %mul3A_143 : i32
      %dma_wait3A_145 = tpu.memref_slice %arg8[%mul3A_144] : memref<10240xi32, #tpu.memory_space<vmem>> -> memref<64xi32, #tpu.memory_space<vmem>>
      %dma_wait3A_146 = arith.constant 0 : i32
      %dma_wait3A_147 = arith.constant 0 : i32
      %dma_wait3A_148 = tpu.memref_slice %arg2[%dma_wait3A_146, %dma_wait3A_147] : memref<10240x128xf32, #tpu.memory_space<hbm>> -> memref<10240x128xf32, #tpu.memory_space<hbm>>
      tpu.wait_indirect_dma semaphore(%arg16 : memref<!tpu.dma_semaphore, #tpu.memory_space<semaphore_mem>>) src(%dma_wait3A_148 : memref<10240x128xf32, #tpu.memory_space<hbm>>) dst(%arg12 : memref<64x128xf32, #tpu.memory_space<vmem>>)
      %mul3A_149 = arith.constant 64 : i32
      %mul3A_150 = arith.muli %add3A_142, %mul3A_149 : i32
      %add3A_151 = arith.addi %mul3A_2, %mul3A_150 : i32
      %dma_wait3A_152 = arith.constant 2 : i32
      %dma_wait3A_153 = arith.constant 0 : i32
      %dma_wait3A_154 = tpu.memref_slice %arg9[%dma_wait3A_152, %dma_wait3A_153] : memref<4x64xi32, #tpu.memory_space<vmem>> -> memref<1x64xi32, #tpu.memory_space<vmem>>
      %dma_wait3A_155 = tpu.memref_squeeze %dma_wait3A_154 : memref<1x64xi32, #tpu.memory_space<vmem>> -> memref<64xi32, #tpu.memory_space<vmem>>
      %dma_wait3A_156 = tpu.memref_slice %arg4[%add3A_151] : memref<327680xi32, #tpu.memory_space<hbm>> -> memref<64xi32, #tpu.memory_space<hbm>>
      %dma_wait3A_157 = arith.constant 0 : i32
      %dma_wait3A_158 = tpu.memref_slice %arg9[%dma_wait3A_152, %dma_wait3A_157] : memref<4x64xi32, #tpu.memory_space<vmem>> -> memref<1x64xi32, #tpu.memory_space<vmem>>
      %dma_wait3A_159 = tpu.memref_squeeze %dma_wait3A_158 : memref<1x64xi32, #tpu.memory_space<vmem>> -> memref<64xi32, #tpu.memory_space<vmem>>
      %dma_wait3A_160 = tpu.memref_slice %arg4[%add3A_151] : memref<327680xi32, #tpu.memory_space<hbm>> -> memref<64xi32, #tpu.memory_space<hbm>>
      tpu.wait_dma2 semaphore(%arg20 : memref<!tpu.dma_semaphore, #tpu.memory_space<semaphore_mem>>) src(%dma_wait3A_160 : memref<64xi32, #tpu.memory_space<hbm>>) dst(%dma_wait3A_159 : memref<64xi32, #tpu.memory_space<vmem>>)
      %run_scoped3A_161 = arith.constant 2 : i32
      "tpu.region"() ({
        %run_scoped3A_200 = tpu.sem_alloc : memref<!tpu.dma_semaphore, #tpu.memory_space<semaphore_mem>>
        %dma_start3A_201 = arith.constant 0 : i32
        %dma_start3A_202 = tpu.memref_slice %arg9[%run_scoped3A_161, %dma_start3A_201] : memref<4x64xi32, #tpu.memory_space<vmem>> -> memref<1x64xi32, #tpu.memory_space<vmem>>
        %dma_start3A_203 = tpu.memref_squeeze %dma_start3A_202 : memref<1x64xi32, #tpu.memory_space<vmem>> -> memref<64xi32, #tpu.memory_space<vmem>>
        %dma_start3A_204 = arith.constant 0 : i32
        %dma_start3A_205 = arith.constant 0 : i32
        %dma_start3A_206 = tpu.memref_slice %arg7[%dma_start3A_204, %dma_start3A_205] : memref<10240x128xf32, #tpu.memory_space<vmem_shared>> -> memref<10240x128xf32, #tpu.memory_space<vmem_shared>>
        tpu.enqueue_indirect_dma source(%arg12 : memref<64x128xf32, #tpu.memory_space<vmem>>) target(%dma_start3A_206 : memref<10240x128xf32, #tpu.memory_space<vmem_shared>>) offsets(%dma_start3A_203 : memref<64xi32, #tpu.memory_space<vmem>>) semaphore(%run_scoped3A_200 : memref<!tpu.dma_semaphore, #tpu.memory_space<semaphore_mem>>) {add = true}
        %dma_wait3A_207 = arith.constant 0 : i32
        %dma_wait3A_208 = tpu.memref_slice %arg9[%run_scoped3A_161, %dma_wait3A_207] : memref<4x64xi32, #tpu.memory_space<vmem>> -> memref<1x64xi32, #tpu.memory_space<vmem>>
        %dma_wait3A_209 = tpu.memref_squeeze %dma_wait3A_208 : memref<1x64xi32, #tpu.memory_space<vmem>> -> memref<64xi32, #tpu.memory_space<vmem>>
        %dma_wait3A_210 = arith.constant 0 : i32
        %dma_wait3A_211 = arith.constant 0 : i32
        %dma_wait3A_212 = tpu.memref_slice %arg7[%dma_wait3A_210, %dma_wait3A_211] : memref<10240x128xf32, #tpu.memory_space<vmem_shared>> -> memref<10240x128xf32, #tpu.memory_space<vmem_shared>>
        tpu.wait_indirect_dma semaphore(%run_scoped3A_200 : memref<!tpu.dma_semaphore, #tpu.memory_space<semaphore_mem>>) src(%arg12 : memref<64x128xf32, #tpu.memory_space<vmem>>) dst(%dma_wait3A_212 : memref<10240x128xf32, #tpu.memory_space<vmem_shared>>)
        tpu.yield
      }) : () -> ()
      %add3A_162 = arith.constant 4 : i32
      %add3A_163 = arith.addi %add3A_142, %add3A_162 : i32
      %lt3A_164 = arith.constant 160 : i32
      %lt3A_165 = arith.cmpi slt, %add3A_163, %lt3A_164 : i32
      %convert_element_type3A_166 = arith.extui %lt3A_165 : i1 to i32
      %cond3A_167 = arith.constant 0 : i32
      %cond3A_168 = arith.cmpi ne, %convert_element_type3A_166, %cond3A_167 : i32
      scf.if %cond3A_168 {
        %add3A_200 = arith.constant 4 : i32
        %add3A_201 = arith.addi %add3A_142, %add3A_200 : i32
        %mul3A_202 = arith.constant 64 : i32
        %mul3A_203 = arith.muli %add3A_201, %mul3A_202 : i32
        %add3A_204 = arith.addi %mul3A_2, %mul3A_203 : i32
        %dma_start3A_205 = arith.constant 2 : i32
        %dma_start3A_206 = arith.constant 0 : i32
        %dma_start3A_207 = tpu.memref_slice %arg9[%dma_start3A_205, %dma_start3A_206] : memref<4x64xi32, #tpu.memory_space<vmem>> -> memref<1x64xi32, #tpu.memory_space<vmem>>
        %dma_start3A_208 = tpu.memref_squeeze %dma_start3A_207 : memref<1x64xi32, #tpu.memory_space<vmem>> -> memref<64xi32, #tpu.memory_space<vmem>>
        %dma_start3A_209 = tpu.memref_slice %arg4[%add3A_204] : memref<327680xi32, #tpu.memory_space<hbm>> -> memref<64xi32, #tpu.memory_space<hbm>>
        %dma_start3A_210 = arith.constant 0 : i32
        %dma_start3A_211 = tpu.memref_slice %arg9[%dma_start3A_205, %dma_start3A_210] : memref<4x64xi32, #tpu.memory_space<vmem>> -> memref<1x64xi32, #tpu.memory_space<vmem>>
        %dma_start3A_212 = tpu.memref_squeeze %dma_start3A_211 : memref<1x64xi32, #tpu.memory_space<vmem>> -> memref<64xi32, #tpu.memory_space<vmem>>
        %dma_start3A_213 = tpu.memref_slice %arg4[%add3A_204] : memref<327680xi32, #tpu.memory_space<hbm>> -> memref<64xi32, #tpu.memory_space<hbm>>
        tpu.enqueue_dma source(%dma_start3A_213 : memref<64xi32, #tpu.memory_space<hbm>>) target(%dma_start3A_212 : memref<64xi32, #tpu.memory_space<vmem>>) target_semaphore(%arg20 : memref<!tpu.dma_semaphore, #tpu.memory_space<semaphore_mem>>)
        %add3A_214 = arith.constant 4 : i32
        %add3A_215 = arith.addi %add3A_142, %add3A_214 : i32
        %mul3A_216 = arith.constant 64 : i32
        %mul3A_217 = arith.muli %add3A_215, %mul3A_216 : i32
        %dma_start3A_218 = tpu.memref_slice %arg8[%mul3A_217] : memref<10240xi32, #tpu.memory_space<vmem>> -> memref<64xi32, #tpu.memory_space<vmem>>
        %dma_start3A_219 = arith.constant 0 : i32
        %dma_start3A_220 = arith.constant 0 : i32
        %dma_start3A_221 = tpu.memref_slice %arg2[%dma_start3A_219, %dma_start3A_220] : memref<10240x128xf32, #tpu.memory_space<hbm>> -> memref<10240x128xf32, #tpu.memory_space<hbm>>
        tpu.enqueue_indirect_dma source(%dma_start3A_221 : memref<10240x128xf32, #tpu.memory_space<hbm>>) target(%arg12 : memref<64x128xf32, #tpu.memory_space<vmem>>) offsets(%dma_start3A_218 : memref<64xi32, #tpu.memory_space<vmem>>) semaphore(%arg16 : memref<!tpu.dma_semaphore, #tpu.memory_space<semaphore_mem>>)
      } else {
      }
      %mul3A_169 = arith.constant 4 : i32
      %mul3A_170 = arith.muli %mul3A_169, %scan3A_82 : i32
      %add3A_171 = arith.constant 3 : i32
      %add3A_172 = arith.addi %mul3A_170, %add3A_171 : i32
      %mul3A_173 = arith.constant 64 : i32
      %mul3A_174 = arith.muli %add3A_172, %mul3A_173 : i32
      %dma_wait3A_175 = tpu.memref_slice %arg8[%mul3A_174] : memref<10240xi32, #tpu.memory_space<vmem>> -> memref<64xi32, #tpu.memory_space<vmem>>
      %dma_wait3A_176 = arith.constant 0 : i32
      %dma_wait3A_177 = arith.constant 0 : i32
      %dma_wait3A_178 = tpu.memref_slice %arg2[%dma_wait3A_176, %dma_wait3A_177] : memref<10240x128xf32, #tpu.memory_space<hbm>> -> memref<10240x128xf32, #tpu.memory_space<hbm>>
      tpu.wait_indirect_dma semaphore(%arg17 : memref<!tpu.dma_semaphore, #tpu.memory_space<semaphore_mem>>) src(%dma_wait3A_178 : memref<10240x128xf32, #tpu.memory_space<hbm>>) dst(%arg13 : memref<64x128xf32, #tpu.memory_space<vmem>>)
      %mul3A_179 = arith.constant 64 : i32
      %mul3A_180 = arith.muli %add3A_172, %mul3A_179 : i32
      %add3A_181 = arith.addi %mul3A_2, %mul3A_180 : i32
      %dma_wait3A_182 = arith.constant 3 : i32
      %dma_wait3A_183 = arith.constant 0 : i32
      %dma_wait3A_184 = tpu.memref_slice %arg9[%dma_wait3A_182, %dma_wait3A_183] : memref<4x64xi32, #tpu.memory_space<vmem>> -> memref<1x64xi32, #tpu.memory_space<vmem>>
      %dma_wait3A_185 = tpu.memref_squeeze %dma_wait3A_184 : memref<1x64xi32, #tpu.memory_space<vmem>> -> memref<64xi32, #tpu.memory_space<vmem>>
      %dma_wait3A_186 = tpu.memref_slice %arg4[%add3A_181] : memref<327680xi32, #tpu.memory_space<hbm>> -> memref<64xi32, #tpu.memory_space<hbm>>
      %dma_wait3A_187 = arith.constant 0 : i32
      %dma_wait3A_188 = tpu.memref_slice %arg9[%dma_wait3A_182, %dma_wait3A_187] : memref<4x64xi32, #tpu.memory_space<vmem>> -> memref<1x64xi32, #tpu.memory_space<vmem>>
      %dma_wait3A_189 = tpu.memref_squeeze %dma_wait3A_188 : memref<1x64xi32, #tpu.memory_space<vmem>> -> memref<64xi32, #tpu.memory_space<vmem>>
      %dma_wait3A_190 = tpu.memref_slice %arg4[%add3A_181] : memref<327680xi32, #tpu.memory_space<hbm>> -> memref<64xi32, #tpu.memory_space<hbm>>
      tpu.wait_dma2 semaphore(%arg21 : memref<!tpu.dma_semaphore, #tpu.memory_space<semaphore_mem>>) src(%dma_wait3A_190 : memref<64xi32, #tpu.memory_space<hbm>>) dst(%dma_wait3A_189 : memref<64xi32, #tpu.memory_space<vmem>>)
      %run_scoped3A_191 = arith.constant 3 : i32
      "tpu.region"() ({
        %run_scoped3A_200 = tpu.sem_alloc : memref<!tpu.dma_semaphore, #tpu.memory_space<semaphore_mem>>
        %dma_start3A_201 = arith.constant 0 : i32
        %dma_start3A_202 = tpu.memref_slice %arg9[%run_scoped3A_191, %dma_start3A_201] : memref<4x64xi32, #tpu.memory_space<vmem>> -> memref<1x64xi32, #tpu.memory_space<vmem>>
        %dma_start3A_203 = tpu.memref_squeeze %dma_start3A_202 : memref<1x64xi32, #tpu.memory_space<vmem>> -> memref<64xi32, #tpu.memory_space<vmem>>
        %dma_start3A_204 = arith.constant 0 : i32
        %dma_start3A_205 = arith.constant 0 : i32
        %dma_start3A_206 = tpu.memref_slice %arg7[%dma_start3A_204, %dma_start3A_205] : memref<10240x128xf32, #tpu.memory_space<vmem_shared>> -> memref<10240x128xf32, #tpu.memory_space<vmem_shared>>
        tpu.enqueue_indirect_dma source(%arg13 : memref<64x128xf32, #tpu.memory_space<vmem>>) target(%dma_start3A_206 : memref<10240x128xf32, #tpu.memory_space<vmem_shared>>) offsets(%dma_start3A_203 : memref<64xi32, #tpu.memory_space<vmem>>) semaphore(%run_scoped3A_200 : memref<!tpu.dma_semaphore, #tpu.memory_space<semaphore_mem>>) {add = true}
        %dma_wait3A_207 = arith.constant 0 : i32
        %dma_wait3A_208 = tpu.memref_slice %arg9[%run_scoped3A_191, %dma_wait3A_207] : memref<4x64xi32, #tpu.memory_space<vmem>> -> memref<1x64xi32, #tpu.memory_space<vmem>>
        %dma_wait3A_209 = tpu.memref_squeeze %dma_wait3A_208 : memref<1x64xi32, #tpu.memory_space<vmem>> -> memref<64xi32, #tpu.memory_space<vmem>>
        %dma_wait3A_210 = arith.constant 0 : i32
        %dma_wait3A_211 = arith.constant 0 : i32
        %dma_wait3A_212 = tpu.memref_slice %arg7[%dma_wait3A_210, %dma_wait3A_211] : memref<10240x128xf32, #tpu.memory_space<vmem_shared>> -> memref<10240x128xf32, #tpu.memory_space<vmem_shared>>
        tpu.wait_indirect_dma semaphore(%run_scoped3A_200 : memref<!tpu.dma_semaphore, #tpu.memory_space<semaphore_mem>>) src(%arg13 : memref<64x128xf32, #tpu.memory_space<vmem>>) dst(%dma_wait3A_212 : memref<10240x128xf32, #tpu.memory_space<vmem_shared>>)
        tpu.yield
      }) : () -> ()
      %add3A_192 = arith.constant 4 : i32
      %add3A_193 = arith.addi %add3A_172, %add3A_192 : i32
      %lt3A_194 = arith.constant 160 : i32
      %lt3A_195 = arith.cmpi slt, %add3A_193, %lt3A_194 : i32
      %convert_element_type3A_196 = arith.extui %lt3A_195 : i1 to i32
      %cond3A_197 = arith.constant 0 : i32
      %cond3A_198 = arith.cmpi ne, %convert_element_type3A_196, %cond3A_197 : i32
      scf.if %cond3A_198 {
        %add3A_200 = arith.constant 4 : i32
        %add3A_201 = arith.addi %add3A_172, %add3A_200 : i32
        %mul3A_202 = arith.constant 64 : i32
        %mul3A_203 = arith.muli %add3A_201, %mul3A_202 : i32
        %add3A_204 = arith.addi %mul3A_2, %mul3A_203 : i32
        %dma_start3A_205 = arith.constant 3 : i32
        %dma_start3A_206 = arith.constant 0 : i32
        %dma_start3A_207 = tpu.memref_slice %arg9[%dma_start3A_205, %dma_start3A_206] : memref<4x64xi32, #tpu.memory_space<vmem>> -> memref<1x64xi32, #tpu.memory_space<vmem>>
        %dma_start3A_208 = tpu.memref_squeeze %dma_start3A_207 : memref<1x64xi32, #tpu.memory_space<vmem>> -> memref<64xi32, #tpu.memory_space<vmem>>
        %dma_start3A_209 = tpu.memref_slice %arg4[%add3A_204] : memref<327680xi32, #tpu.memory_space<hbm>> -> memref<64xi32, #tpu.memory_space<hbm>>
        %dma_start3A_210 = arith.constant 0 : i32
        %dma_start3A_211 = tpu.memref_slice %arg9[%dma_start3A_205, %dma_start3A_210] : memref<4x64xi32, #tpu.memory_space<vmem>> -> memref<1x64xi32, #tpu.memory_space<vmem>>
        %dma_start3A_212 = tpu.memref_squeeze %dma_start3A_211 : memref<1x64xi32, #tpu.memory_space<vmem>> -> memref<64xi32, #tpu.memory_space<vmem>>
        %dma_start3A_213 = tpu.memref_slice %arg4[%add3A_204] : memref<327680xi32, #tpu.memory_space<hbm>> -> memref<64xi32, #tpu.memory_space<hbm>>
        tpu.enqueue_dma source(%dma_start3A_213 : memref<64xi32, #tpu.memory_space<hbm>>) target(%dma_start3A_212 : memref<64xi32, #tpu.memory_space<vmem>>) target_semaphore(%arg21 : memref<!tpu.dma_semaphore, #tpu.memory_space<semaphore_mem>>)
        %add3A_214 = arith.constant 4 : i32
        %add3A_215 = arith.addi %add3A_172, %add3A_214 : i32
        %mul3A_216 = arith.constant 64 : i32
        %mul3A_217 = arith.muli %add3A_215, %mul3A_216 : i32
        %dma_start3A_218 = tpu.memref_slice %arg8[%mul3A_217] : memref<10240xi32, #tpu.memory_space<vmem>> -> memref<64xi32, #tpu.memory_space<vmem>>
        %dma_start3A_219 = arith.constant 0 : i32
        %dma_start3A_220 = arith.constant 0 : i32
        %dma_start3A_221 = tpu.memref_slice %arg2[%dma_start3A_219, %dma_start3A_220] : memref<10240x128xf32, #tpu.memory_space<hbm>> -> memref<10240x128xf32, #tpu.memory_space<hbm>>
        tpu.enqueue_indirect_dma source(%dma_start3A_221 : memref<10240x128xf32, #tpu.memory_space<hbm>>) target(%arg13 : memref<64x128xf32, #tpu.memory_space<vmem>>) offsets(%dma_start3A_218 : memref<64xi32, #tpu.memory_space<vmem>>) semaphore(%arg17 : memref<!tpu.dma_semaphore, #tpu.memory_space<semaphore_mem>>)
      } else {
      }
      %scan3A_199 = arith.constant 0 : i32
      scf.yield %scan3A_199 : i32
    }
    %scan3A_73 = arith.constant 40 : i32
    %barrier3A_74 = arith.constant 0 : index
    tpu.barrier barrier_id(%barrier3A_74)
    %mul3A_75 = arith.constant 640 : i32
    %mul3A_76 = arith.muli %arg1, %mul3A_75 : i32
    %mul3A_77 = arith.constant 10240 : i32
    %mul3A_78 = arith.muli %arg0, %mul3A_77 : i32
    %mul3A_79 = arith.constant 640 : i32
    %mul3A_80 = arith.muli %arg1, %mul3A_79 : i32
    %add3A_81 = arith.addi %mul3A_78, %mul3A_80 : i32
    "tpu.region"() ({
      %run_scoped3A = tpu.sem_alloc : memref<!tpu.dma_semaphore, #tpu.memory_space<semaphore_mem>>
      %dma_start3A_82 = arith.constant 0 : i32
      %dma_start3A_83 = tpu.memref_slice %arg6[%add3A_81, %dma_start3A_82] : memref<20480x128xf32, #tpu.memory_space<hbm>> -> memref<640x128xf32, #tpu.memory_space<hbm>>
      %dma_start3A_84 = arith.constant 0 : i32
      %dma_start3A_85 = tpu.memref_slice %arg7[%mul3A_76, %dma_start3A_84] : memref<10240x128xf32, #tpu.memory_space<vmem_shared>> -> memref<640x128xf32, #tpu.memory_space<vmem_shared>>
      tpu.enqueue_dma source(%dma_start3A_85 : memref<640x128xf32, #tpu.memory_space<vmem_shared>>) target(%dma_start3A_83 : memref<640x128xf32, #tpu.memory_space<hbm>>) target_semaphore(%run_scoped3A : memref<!tpu.dma_semaphore, #tpu.memory_space<semaphore_mem>>)
      %dma_wait3A = arith.constant 0 : i32
      %dma_wait3A_86 = tpu.memref_slice %arg6[%add3A_81, %dma_wait3A] : memref<20480x128xf32, #tpu.memory_space<hbm>> -> memref<640x128xf32, #tpu.memory_space<hbm>>
      %dma_wait3A_87 = arith.constant 0 : i32
      %dma_wait3A_88 = tpu.memref_slice %arg7[%mul3A_76, %dma_wait3A_87] : memref<10240x128xf32, #tpu.memory_space<vmem_shared>> -> memref<640x128xf32, #tpu.memory_space<vmem_shared>>
      tpu.wait_dma2 semaphore(%run_scoped3A : memref<!tpu.dma_semaphore, #tpu.memory_space<semaphore_mem>>) src(%dma_wait3A_88 : memref<640x128xf32, #tpu.memory_space<vmem_shared>>) dst(%dma_wait3A_86 : memref<640x128xf32, #tpu.memory_space<hbm>>)
      tpu.yield
    }) : () -> ()
    return
  }
}

#map = affine_map<(d0, d1) -> (0, 0)>
#map1 = affine_map<(d0, d1) -> (0)>
module attributes {stable_mosaic.version = 14 : i64} {
  func.func @_scatter_body(%arg0: i32, %arg1: i32, %arg2: memref<10240x128xf32, #tpu.memory_space<hbm>>, %arg3: memref<32x10240xi32, #tpu.memory_space<hbm>>, %arg4: memref<327680xi32, #tpu.memory_space<hbm>>, %arg5: memref<640x128xf32, #tpu.memory_space<hbm>>, %arg6: memref<20480x128xf32, #tpu.memory_space<hbm>>, %arg7: memref<10240x128xf32, #tpu.memory_space<vmem_shared>>, %arg8: memref<10240xi32, #tpu.memory_space<vmem>>, %arg9: memref<4x64xi32, #tpu.memory_space<vmem>>, %arg10: memref<64x128xf32, #tpu.memory_space<vmem>>, %arg11: memref<64x128xf32, #tpu.memory_space<vmem>>, %arg12: memref<64x128xf32, #tpu.memory_space<vmem>>, %arg13: memref<64x128xf32, #tpu.memory_space<vmem>>, %arg14: memref<!tpu.dma_semaphore, #tpu.memory_space<semaphore_mem>>, %arg15: memref<!tpu.dma_semaphore, #tpu.memory_space<semaphore_mem>>, %arg16: memref<!tpu.dma_semaphore, #tpu.memory_space<semaphore_mem>>, %arg17: memref<!tpu.dma_semaphore, #tpu.memory_space<semaphore_mem>>, %arg18: memref<!tpu.dma_semaphore, #tpu.memory_space<semaphore_mem>>, %arg19: memref<!tpu.dma_semaphore, #tpu.memory_space<semaphore_mem>>, %arg20: memref<!tpu.dma_semaphore, #tpu.memory_space<semaphore_mem>>, %arg21: memref<!tpu.dma_semaphore, #tpu.memory_space<semaphore_mem>>) attributes {dimension_semantics = [#tpu.dimension_semantics<core_parallel>, #tpu.dimension_semantics<subcore_parallel>], iteration_bounds = array<i64: 2, 16>, scalar_prefetch = 0 : i64, scratch_operands = 15 : i64, tpu.core_type = #tpu.core_type<sc_vector_subcore>, window_params = [{transform_indices = #map}, {transform_indices = #map}, {transform_indices = #map1}, {transform_indices = #map}, {transform_indices = #map}]} {
    %mul3A = arith.constant 2 : i32
    %mul3A_0 = arith.muli %arg1, %mul3A : i32
    %add3A = arith.addi %mul3A_0, %arg0 : i32
    %mul3A_1 = arith.constant 10240 : i32
    %mul3A_2 = arith.muli %add3A, %mul3A_1 : i32
    %mul3A_3 = arith.constant 640 : i32
    %mul3A_4 = arith.muli %arg1, %mul3A_3 : i32
    "tpu.region"() ({
      %run_scoped3A = tpu.sem_alloc : memref<!tpu.dma_semaphore, #tpu.memory_space<semaphore_mem>>
      %dma_start3A_82 = arith.constant 0 : i32
      %dma_start3A_83 = tpu.memref_slice %arg7[%mul3A_4, %dma_start3A_82] : memref<10240x128xf32, #tpu.memory_space<vmem_shared>> -> memref<640x128xf32, #tpu.memory_space<vmem_shared>>
      tpu.enqueue_dma source(%arg5 : memref<640x128xf32, #tpu.memory_space<hbm>>) target(%dma_start3A_83 : memref<640x128xf32, #tpu.memory_space<vmem_shared>>) target_semaphore(%run_scoped3A : memref<!tpu.dma_semaphore, #tpu.memory_space<semaphore_mem>>)
      %dma_wait3A = arith.constant 0 : i32
      %dma_wait3A_84 = tpu.memref_slice %arg7[%mul3A_4, %dma_wait3A] : memref<10240x128xf32, #tpu.memory_space<vmem_shared>> -> memref<640x128xf32, #tpu.memory_space<vmem_shared>>
      tpu.wait_dma2 semaphore(%run_scoped3A : memref<!tpu.dma_semaphore, #tpu.memory_space<semaphore_mem>>) src(%arg5 : memref<640x128xf32, #tpu.memory_space<hbm>>) dst(%dma_wait3A_84 : memref<640x128xf32, #tpu.memory_space<vmem_shared>>)
      tpu.yield
    }) : () -> ()
    %barrier3A = arith.constant 0 : index
    tpu.barrier barrier_id(%barrier3A)
    "tpu.region"() ({
      %run_scoped3A = tpu.sem_alloc : memref<!tpu.dma_semaphore, #tpu.memory_space<semaphore_mem>>
      %dma_start3A_82 = arith.constant 0 : i32
      %dma_start3A_83 = tpu.memref_slice %arg3[%add3A, %dma_start3A_82] : memref<32x10240xi32, #tpu.memory_space<hbm>> -> memref<1x10240xi32, #tpu.memory_space<hbm>>
      %dma_start3A_84 = tpu.memref_squeeze %dma_start3A_83 : memref<1x10240xi32, #tpu.memory_space<hbm>> -> memref<10240xi32, #tpu.memory_space<hbm>>
      %dma_start3A_85 = arith.constant 0 : i32
      %dma_start3A_86 = tpu.memref_slice %arg3[%add3A, %dma_start3A_85] : memref<32x10240xi32, #tpu.memory_space<hbm>> -> memref<1x10240xi32, #tpu.memory_space<hbm>>
      %dma_start3A_87 = tpu.memref_squeeze %dma_start3A_86 : memref<1x10240xi32, #tpu.memory_space<hbm>> -> memref<10240xi32, #tpu.memory_space<hbm>>
      tpu.enqueue_dma source(%dma_start3A_87 : memref<10240xi32, #tpu.memory_space<hbm>>) target(%arg8 : memref<10240xi32, #tpu.memory_space<vmem>>) target_semaphore(%run_scoped3A : memref<!tpu.dma_semaphore, #tpu.memory_space<semaphore_mem>>)
      %dma_wait3A = arith.constant 0 : i32
      %dma_wait3A_88 = tpu.memref_slice %arg3[%add3A, %dma_wait3A] : memref<32x10240xi32, #tpu.memory_space<hbm>> -> memref<1x10240xi32, #tpu.memory_space<hbm>>
      %dma_wait3A_89 = tpu.memref_squeeze %dma_wait3A_88 : memref<1x10240xi32, #tpu.memory_space<hbm>> -> memref<10240xi32, #tpu.memory_space<hbm>>
      %dma_wait3A_90 = arith.constant 0 : i32
      %dma_wait3A_91 = tpu.memref_slice %arg3[%add3A, %dma_wait3A_90] : memref<32x10240xi32, #tpu.memory_space<hbm>> -> memref<1x10240xi32, #tpu.memory_space<hbm>>
      %dma_wait3A_92 = tpu.memref_squeeze %dma_wait3A_91 : memref<1x10240xi32, #tpu.memory_space<hbm>> -> memref<10240xi32, #tpu.memory_space<hbm>>
      tpu.wait_dma2 semaphore(%run_scoped3A : memref<!tpu.dma_semaphore, #tpu.memory_space<semaphore_mem>>) src(%dma_wait3A_92 : memref<10240xi32, #tpu.memory_space<hbm>>) dst(%arg8 : memref<10240xi32, #tpu.memory_space<vmem>>)
      tpu.yield
    }) : () -> ()
    %add3A_5 = arith.constant 0 : i32
    %add3A_6 = arith.addi %mul3A_2, %add3A_5 : i32
    %dma_start3A = arith.constant 0 : i32
    %dma_start3A_7 = arith.constant 0 : i32
    %dma_start3A_8 = tpu.memref_slice %arg9[%dma_start3A, %dma_start3A_7] : memref<4x64xi32, #tpu.memory_space<vmem>> -> memref<1x64xi32, #tpu.memory_space<vmem>>
    %dma_start3A_9 = tpu.memref_squeeze %dma_start3A_8 : memref<1x64xi32, #tpu.memory_space<vmem>> -> memref<64xi32, #tpu.memory_space<vmem>>
    %dma_start3A_10 = tpu.memref_slice %arg4[%add3A_6] : memref<327680xi32, #tpu.memory_space<hbm>> -> memref<64xi32, #tpu.memory_space<hbm>>
    %dma_start3A_11 = arith.constant 0 : i32
    %dma_start3A_12 = tpu.memref_slice %arg9[%dma_start3A, %dma_start3A_11] : memref<4x64xi32, #tpu.memory_space<vmem>> -> memref<1x64xi32, #tpu.memory_space<vmem>>
    %dma_start3A_13 = tpu.memref_squeeze %dma_start3A_12 : memref<1x64xi32, #tpu.memory_space<vmem>> -> memref<64xi32, #tpu.memory_space<vmem>>
    %dma_start3A_14 = tpu.memref_slice %arg4[%add3A_6] : memref<327680xi32, #tpu.memory_space<hbm>> -> memref<64xi32, #tpu.memory_space<hbm>>
    tpu.enqueue_dma source(%dma_start3A_14 : memref<64xi32, #tpu.memory_space<hbm>>) target(%dma_start3A_13 : memref<64xi32, #tpu.memory_space<vmem>>) target_semaphore(%arg18 : memref<!tpu.dma_semaphore, #tpu.memory_space<semaphore_mem>>)
    %dma_start3A_15 = arith.constant 0 : i32
    %dma_start3A_16 = tpu.memref_slice %arg8[%dma_start3A_15] : memref<10240xi32, #tpu.memory_space<vmem>> -> memref<64xi32, #tpu.memory_space<vmem>>
    %dma_start3A_17 = arith.constant 0 : i32
    %dma_start3A_18 = arith.constant 0 : i32
    %dma_start3A_19 = tpu.memref_slice %arg2[%dma_start3A_17, %dma_start3A_18] : memref<10240x128xf32, #tpu.memory_space<hbm>> -> memref<10240x128xf32, #tpu.memory_space<hbm>>
    tpu.enqueue_indirect_dma source(%dma_start3A_19 : memref<10240x128xf32, #tpu.memory_space<hbm>>) target(%arg10 : memref<64x128xf32, #tpu.memory_space<vmem>>) offsets(%dma_start3A_16 : memref<64xi32, #tpu.memory_space<vmem>>) semaphore(%arg14 : memref<!tpu.dma_semaphore, #tpu.memory_space<semaphore_mem>>)
    %add3A_20 = arith.constant 64 : i32
    %add3A_21 = arith.addi %mul3A_2, %add3A_20 : i32
    %dma_start3A_22 = arith.constant 1 : i32
    %dma_start3A_23 = arith.constant 0 : i32
    %dma_start3A_24 = tpu.memref_slice %arg9[%dma_start3A_22, %dma_start3A_23] : memref<4x64xi32, #tpu.memory_space<vmem>> -> memref<1x64xi32, #tpu.memory_space<vmem>>
    %dma_start3A_25 = tpu.memref_squeeze %dma_start3A_24 : memref<1x64xi32, #tpu.memory_space<vmem>> -> memref<64xi32, #tpu.memory_space<vmem>>
    %dma_start3A_26 = tpu.memref_slice %arg4[%add3A_21] : memref<327680xi32, #tpu.memory_space<hbm>> -> memref<64xi32, #tpu.memory_space<hbm>>
    %dma_start3A_27 = arith.constant 0 : i32
    %dma_start3A_28 = tpu.memref_slice %arg9[%dma_start3A_22, %dma_start3A_27] : memref<4x64xi32, #tpu.memory_space<vmem>> -> memref<1x64xi32, #tpu.memory_space<vmem>>
    %dma_start3A_29 = tpu.memref_squeeze %dma_start3A_28 : memref<1x64xi32, #tpu.memory_space<vmem>> -> memref<64xi32, #tpu.memory_space<vmem>>
    %dma_start3A_30 = tpu.memref_slice %arg4[%add3A_21] : memref<327680xi32, #tpu.memory_space<hbm>> -> memref<64xi32, #tpu.memory_space<hbm>>
    tpu.enqueue_dma source(%dma_start3A_30 : memref<64xi32, #tpu.memory_space<hbm>>) target(%dma_start3A_29 : memref<64xi32, #tpu.memory_space<vmem>>) target_semaphore(%arg19 : memref<!tpu.dma_semaphore, #tpu.memory_space<semaphore_mem>>)
    %dma_start3A_31 = arith.constant 64 : i32
    %dma_start3A_32 = tpu.memref_slice %arg8[%dma_start3A_31] : memref<10240xi32, #tpu.memory_space<vmem>> -> memref<64xi32, #tpu.memory_space<vmem>>
    %dma_start3A_33 = arith.constant 0 : i32
    %dma_start3A_34 = arith.constant 0 : i32
    %dma_start3A_35 = tpu.memref_slice %arg2[%dma_start3A_33, %dma_start3A_34] : memref<10240x128xf32, #tpu.memory_space<hbm>> -> memref<10240x128xf32, #tpu.memory_space<hbm>>
    tpu.enqueue_indirect_dma source(%dma_start3A_35 : memref<10240x128xf32, #tpu.memory_space<hbm>>) target(%arg11 : memref<64x128xf32, #tpu.memory_space<vmem>>) offsets(%dma_start3A_32 : memref<64xi32, #tpu.memory_space<vmem>>) semaphore(%arg15 : memref<!tpu.dma_semaphore, #tpu.memory_space<semaphore_mem>>)
    %add3A_36 = arith.constant 128 : i32
    %add3A_37 = arith.addi %mul3A_2, %add3A_36 : i32
    %dma_start3A_38 = arith.constant 2 : i32
    %dma_start3A_39 = arith.constant 0 : i32
    %dma_start3A_40 = tpu.memref_slice %arg9[%dma_start3A_38, %dma_start3A_39] : memref<4x64xi32, #tpu.memory_space<vmem>> -> memref<1x64xi32, #tpu.memory_space<vmem>>
    %dma_start3A_41 = tpu.memref_squeeze %dma_start3A_40 : memref<1x64xi32, #tpu.memory_space<vmem>> -> memref<64xi32, #tpu.memory_space<vmem>>
    %dma_start3A_42 = tpu.memref_slice %arg4[%add3A_37] : memref<327680xi32, #tpu.memory_space<hbm>> -> memref<64xi32, #tpu.memory_space<hbm>>
    %dma_start3A_43 = arith.constant 0 : i32
    %dma_start3A_44 = tpu.memref_slice %arg9[%dma_start3A_38, %dma_start3A_43] : memref<4x64xi32, #tpu.memory_space<vmem>> -> memref<1x64xi32, #tpu.memory_space<vmem>>
    %dma_start3A_45 = tpu.memref_squeeze %dma_start3A_44 : memref<1x64xi32, #tpu.memory_space<vmem>> -> memref<64xi32, #tpu.memory_space<vmem>>
    %dma_start3A_46 = tpu.memref_slice %arg4[%add3A_37] : memref<327680xi32, #tpu.memory_space<hbm>> -> memref<64xi32, #tpu.memory_space<hbm>>
    tpu.enqueue_dma source(%dma_start3A_46 : memref<64xi32, #tpu.memory_space<hbm>>) target(%dma_start3A_45 : memref<64xi32, #tpu.memory_space<vmem>>) target_semaphore(%arg20 : memref<!tpu.dma_semaphore, #tpu.memory_space<semaphore_mem>>)
    %dma_start3A_47 = arith.constant 128 : i32
    %dma_start3A_48 = tpu.memref_slice %arg8[%dma_start3A_47] : memref<10240xi32, #tpu.memory_space<vmem>> -> memref<64xi32, #tpu.memory_space<vmem>>
    %dma_start3A_49 = arith.constant 0 : i32
    %dma_start3A_50 = arith.constant 0 : i32
    %dma_start3A_51 = tpu.memref_slice %arg2[%dma_start3A_49, %dma_start3A_50] : memref<10240x128xf32, #tpu.memory_space<hbm>> -> memref<10240x128xf32, #tpu.memory_space<hbm>>
    tpu.enqueue_indirect_dma source(%dma_start3A_51 : memref<10240x128xf32, #tpu.memory_space<hbm>>) target(%arg12 : memref<64x128xf32, #tpu.memory_space<vmem>>) offsets(%dma_start3A_48 : memref<64xi32, #tpu.memory_space<vmem>>) semaphore(%arg16 : memref<!tpu.dma_semaphore, #tpu.memory_space<semaphore_mem>>)
    %add3A_52 = arith.constant 192 : i32
    %add3A_53 = arith.addi %mul3A_2, %add3A_52 : i32
    %dma_start3A_54 = arith.constant 3 : i32
    %dma_start3A_55 = arith.constant 0 : i32
    %dma_start3A_56 = tpu.memref_slice %arg9[%dma_start3A_54, %dma_start3A_55] : memref<4x64xi32, #tpu.memory_space<vmem>> -> memref<1x64xi32, #tpu.memory_space<vmem>>
    %dma_start3A_57 = tpu.memref_squeeze %dma_start3A_56 : memref<1x64xi32, #tpu.memory_space<vmem>> -> memref<64xi32, #tpu.memory_space<vmem>>
    %dma_start3A_58 = tpu.memref_slice %arg4[%add3A_53] : memref<327680xi32, #tpu.memory_space<hbm>> -> memref<64xi32, #tpu.memory_space<hbm>>
    %dma_start3A_59 = arith.constant 0 : i32
    %dma_start3A_60 = tpu.memref_slice %arg9[%dma_start3A_54, %dma_start3A_59] : memref<4x64xi32, #tpu.memory_space<vmem>> -> memref<1x64xi32, #tpu.memory_space<vmem>>
    %dma_start3A_61 = tpu.memref_squeeze %dma_start3A_60 : memref<1x64xi32, #tpu.memory_space<vmem>> -> memref<64xi32, #tpu.memory_space<vmem>>
    %dma_start3A_62 = tpu.memref_slice %arg4[%add3A_53] : memref<327680xi32, #tpu.memory_space<hbm>> -> memref<64xi32, #tpu.memory_space<hbm>>
    tpu.enqueue_dma source(%dma_start3A_62 : memref<64xi32, #tpu.memory_space<hbm>>) target(%dma_start3A_61 : memref<64xi32, #tpu.memory_space<vmem>>) target_semaphore(%arg21 : memref<!tpu.dma_semaphore, #tpu.memory_space<semaphore_mem>>)
    %dma_start3A_63 = arith.constant 192 : i32
    %dma_start3A_64 = tpu.memref_slice %arg8[%dma_start3A_63] : memref<10240xi32, #tpu.memory_space<vmem>> -> memref<64xi32, #tpu.memory_space<vmem>>
    %dma_start3A_65 = arith.constant 0 : i32
    %dma_start3A_66 = arith.constant 0 : i32
    %dma_start3A_67 = tpu.memref_slice %arg2[%dma_start3A_65, %dma_start3A_66] : memref<10240x128xf32, #tpu.memory_space<hbm>> -> memref<10240x128xf32, #tpu.memory_space<hbm>>
    tpu.enqueue_indirect_dma source(%dma_start3A_67 : memref<10240x128xf32, #tpu.memory_space<hbm>>) target(%arg13 : memref<64x128xf32, #tpu.memory_space<vmem>>) offsets(%dma_start3A_64 : memref<64xi32, #tpu.memory_space<vmem>>) semaphore(%arg17 : memref<!tpu.dma_semaphore, #tpu.memory_space<semaphore_mem>>)
    %scan3A = arith.constant 0 : i32
    %scan3A_68 = arith.constant 0 : i32
    %scan3A_69 = arith.constant 40 : i32
    %scan3A_70 = arith.addi %scan3A_68, %scan3A_69 : i32
    %scan3A_71 = arith.constant 1 : i32
    %scan3A_72 = scf.for %scan3A_82 = %scan3A_68 to %scan3A_70 step %scan3A_71 iter_args(%scan3A_83 = %scan3A) -> (i32)  : i32 {
      %mul3A_84 = arith.constant 4 : i32
      %mul3A_85 = arith.muli %mul3A_84, %scan3A_82 : i32
      %add3A_86 = arith.constant 0 : i32
      %add3A_87 = arith.addi %mul3A_85, %add3A_86 : i32
      %mul3A_88 = arith.constant 64 : i32
      %mul3A_89 = arith.muli %add3A_87, %mul3A_88 : i32
      %dma_wait3A = tpu.memref_slice %arg8[%mul3A_89] : memref<10240xi32, #tpu.memory_space<vmem>> -> memref<64xi32, #tpu.memory_space<vmem>>
      %dma_wait3A_90 = arith.constant 0 : i32
      %dma_wait3A_91 = arith.constant 0 : i32
      %dma_wait3A_92 = tpu.memref_slice %arg2[%dma_wait3A_90, %dma_wait3A_91] : memref<10240x128xf32, #tpu.memory_space<hbm>> -> memref<10240x128xf32, #tpu.memory_space<hbm>>
      tpu.wait_indirect_dma semaphore(%arg14 : memref<!tpu.dma_semaphore, #tpu.memory_space<semaphore_mem>>) src(%dma_wait3A_92 : memref<10240x128xf32, #tpu.memory_space<hbm>>) dst(%arg10 : memref<64x128xf32, #tpu.memory_space<vmem>>)
      %mul3A_93 = arith.constant 64 : i32
      %mul3A_94 = arith.muli %add3A_87, %mul3A_93 : i32
      %add3A_95 = arith.addi %mul3A_2, %mul3A_94 : i32
      %dma_wait3A_96 = arith.constant 0 : i32
      %dma_wait3A_97 = arith.constant 0 : i32
      %dma_wait3A_98 = tpu.memref_slice %arg9[%dma_wait3A_96, %dma_wait3A_97] : memref<4x64xi32, #tpu.memory_space<vmem>> -> memref<1x64xi32, #tpu.memory_space<vmem>>
      %dma_wait3A_99 = tpu.memref_squeeze %dma_wait3A_98 : memref<1x64xi32, #tpu.memory_space<vmem>> -> memref<64xi32, #tpu.memory_space<vmem>>
      %dma_wait3A_100 = tpu.memref_slice %arg4[%add3A_95] : memref<327680xi32, #tpu.memory_space<hbm>> -> memref<64xi32, #tpu.memory_space<hbm>>
      %dma_wait3A_101 = arith.constant 0 : i32
      %dma_wait3A_102 = tpu.memref_slice %arg9[%dma_wait3A_96, %dma_wait3A_101] : memref<4x64xi32, #tpu.memory_space<vmem>> -> memref<1x64xi32, #tpu.memory_space<vmem>>
      %dma_wait3A_103 = tpu.memref_squeeze %dma_wait3A_102 : memref<1x64xi32, #tpu.memory_space<vmem>> -> memref<64xi32, #tpu.memory_space<vmem>>
      %dma_wait3A_104 = tpu.memref_slice %arg4[%add3A_95] : memref<327680xi32, #tpu.memory_space<hbm>> -> memref<64xi32, #tpu.memory_space<hbm>>
      tpu.wait_dma2 semaphore(%arg18 : memref<!tpu.dma_semaphore, #tpu.memory_space<semaphore_mem>>) src(%dma_wait3A_104 : memref<64xi32, #tpu.memory_space<hbm>>) dst(%dma_wait3A_103 : memref<64xi32, #tpu.memory_space<vmem>>)
      %run_scoped3A = arith.constant 0 : i32
      "tpu.region"() ({
        %run_scoped3A_200 = tpu.sem_alloc : memref<!tpu.dma_semaphore, #tpu.memory_space<semaphore_mem>>
        %dma_start3A_201 = arith.constant 0 : i32
        %dma_start3A_202 = tpu.memref_slice %arg9[%run_scoped3A, %dma_start3A_201] : memref<4x64xi32, #tpu.memory_space<vmem>> -> memref<1x64xi32, #tpu.memory_space<vmem>>
        %dma_start3A_203 = tpu.memref_squeeze %dma_start3A_202 : memref<1x64xi32, #tpu.memory_space<vmem>> -> memref<64xi32, #tpu.memory_space<vmem>>
        %dma_start3A_204 = arith.constant 0 : i32
        %dma_start3A_205 = arith.constant 0 : i32
        %dma_start3A_206 = tpu.memref_slice %arg7[%dma_start3A_204, %dma_start3A_205] : memref<10240x128xf32, #tpu.memory_space<vmem_shared>> -> memref<10240x128xf32, #tpu.memory_space<vmem_shared>>
        tpu.enqueue_indirect_dma source(%arg10 : memref<64x128xf32, #tpu.memory_space<vmem>>) target(%dma_start3A_206 : memref<10240x128xf32, #tpu.memory_space<vmem_shared>>) offsets(%dma_start3A_203 : memref<64xi32, #tpu.memory_space<vmem>>) semaphore(%run_scoped3A_200 : memref<!tpu.dma_semaphore, #tpu.memory_space<semaphore_mem>>) {add = true}
        %dma_wait3A_207 = arith.constant 0 : i32
        %dma_wait3A_208 = tpu.memref_slice %arg9[%run_scoped3A, %dma_wait3A_207] : memref<4x64xi32, #tpu.memory_space<vmem>> -> memref<1x64xi32, #tpu.memory_space<vmem>>
        %dma_wait3A_209 = tpu.memref_squeeze %dma_wait3A_208 : memref<1x64xi32, #tpu.memory_space<vmem>> -> memref<64xi32, #tpu.memory_space<vmem>>
        %dma_wait3A_210 = arith.constant 0 : i32
        %dma_wait3A_211 = arith.constant 0 : i32
        %dma_wait3A_212 = tpu.memref_slice %arg7[%dma_wait3A_210, %dma_wait3A_211] : memref<10240x128xf32, #tpu.memory_space<vmem_shared>> -> memref<10240x128xf32, #tpu.memory_space<vmem_shared>>
        tpu.wait_indirect_dma semaphore(%run_scoped3A_200 : memref<!tpu.dma_semaphore, #tpu.memory_space<semaphore_mem>>) src(%arg10 : memref<64x128xf32, #tpu.memory_space<vmem>>) dst(%dma_wait3A_212 : memref<10240x128xf32, #tpu.memory_space<vmem_shared>>)
        tpu.yield
      }) : () -> ()
      %add3A_105 = arith.constant 4 : i32
      %add3A_106 = arith.addi %add3A_87, %add3A_105 : i32
      %lt3A = arith.constant 160 : i32
      %lt3A_107 = arith.cmpi slt, %add3A_106, %lt3A : i32
      %convert_element_type3A = arith.extui %lt3A_107 : i1 to i32
      %cond3A = arith.constant 0 : i32
      %cond3A_108 = arith.cmpi ne, %convert_element_type3A, %cond3A : i32
      scf.if %cond3A_108 {
        %add3A_200 = arith.constant 4 : i32
        %add3A_201 = arith.addi %add3A_87, %add3A_200 : i32
        %mul3A_202 = arith.constant 64 : i32
        %mul3A_203 = arith.muli %add3A_201, %mul3A_202 : i32
        %add3A_204 = arith.addi %mul3A_2, %mul3A_203 : i32
        %dma_start3A_205 = arith.constant 0 : i32
        %dma_start3A_206 = arith.constant 0 : i32
        %dma_start3A_207 = tpu.memref_slice %arg9[%dma_start3A_205, %dma_start3A_206] : memref<4x64xi32, #tpu.memory_space<vmem>> -> memref<1x64xi32, #tpu.memory_space<vmem>>
        %dma_start3A_208 = tpu.memref_squeeze %dma_start3A_207 : memref<1x64xi32, #tpu.memory_space<vmem>> -> memref<64xi32, #tpu.memory_space<vmem>>
        %dma_start3A_209 = tpu.memref_slice %arg4[%add3A_204] : memref<327680xi32, #tpu.memory_space<hbm>> -> memref<64xi32, #tpu.memory_space<hbm>>
        %dma_start3A_210 = arith.constant 0 : i32
        %dma_start3A_211 = tpu.memref_slice %arg9[%dma_start3A_205, %dma_start3A_210] : memref<4x64xi32, #tpu.memory_space<vmem>> -> memref<1x64xi32, #tpu.memory_space<vmem>>
        %dma_start3A_212 = tpu.memref_squeeze %dma_start3A_211 : memref<1x64xi32, #tpu.memory_space<vmem>> -> memref<64xi32, #tpu.memory_space<vmem>>
        %dma_start3A_213 = tpu.memref_slice %arg4[%add3A_204] : memref<327680xi32, #tpu.memory_space<hbm>> -> memref<64xi32, #tpu.memory_space<hbm>>
        tpu.enqueue_dma source(%dma_start3A_213 : memref<64xi32, #tpu.memory_space<hbm>>) target(%dma_start3A_212 : memref<64xi32, #tpu.memory_space<vmem>>) target_semaphore(%arg18 : memref<!tpu.dma_semaphore, #tpu.memory_space<semaphore_mem>>)
        %add3A_214 = arith.constant 4 : i32
        %add3A_215 = arith.addi %add3A_87, %add3A_214 : i32
        %mul3A_216 = arith.constant 64 : i32
        %mul3A_217 = arith.muli %add3A_215, %mul3A_216 : i32
        %dma_start3A_218 = tpu.memref_slice %arg8[%mul3A_217] : memref<10240xi32, #tpu.memory_space<vmem>> -> memref<64xi32, #tpu.memory_space<vmem>>
        %dma_start3A_219 = arith.constant 0 : i32
        %dma_start3A_220 = arith.constant 0 : i32
        %dma_start3A_221 = tpu.memref_slice %arg2[%dma_start3A_219, %dma_start3A_220] : memref<10240x128xf32, #tpu.memory_space<hbm>> -> memref<10240x128xf32, #tpu.memory_space<hbm>>
        tpu.enqueue_indirect_dma source(%dma_start3A_221 : memref<10240x128xf32, #tpu.memory_space<hbm>>) target(%arg10 : memref<64x128xf32, #tpu.memory_space<vmem>>) offsets(%dma_start3A_218 : memref<64xi32, #tpu.memory_space<vmem>>) semaphore(%arg14 : memref<!tpu.dma_semaphore, #tpu.memory_space<semaphore_mem>>)
      } else {
      }
      %mul3A_109 = arith.constant 4 : i32
      %mul3A_110 = arith.muli %mul3A_109, %scan3A_82 : i32
      %add3A_111 = arith.constant 1 : i32
      %add3A_112 = arith.addi %mul3A_110, %add3A_111 : i32
      %mul3A_113 = arith.constant 64 : i32
      %mul3A_114 = arith.muli %add3A_112, %mul3A_113 : i32
      %dma_wait3A_115 = tpu.memref_slice %arg8[%mul3A_114] : memref<10240xi32, #tpu.memory_space<vmem>> -> memref<64xi32, #tpu.memory_space<vmem>>
      %dma_wait3A_116 = arith.constant 0 : i32
      %dma_wait3A_117 = arith.constant 0 : i32
      %dma_wait3A_118 = tpu.memref_slice %arg2[%dma_wait3A_116, %dma_wait3A_117] : memref<10240x128xf32, #tpu.memory_space<hbm>> -> memref<10240x128xf32, #tpu.memory_space<hbm>>
      tpu.wait_indirect_dma semaphore(%arg15 : memref<!tpu.dma_semaphore, #tpu.memory_space<semaphore_mem>>) src(%dma_wait3A_118 : memref<10240x128xf32, #tpu.memory_space<hbm>>) dst(%arg11 : memref<64x128xf32, #tpu.memory_space<vmem>>)
      %mul3A_119 = arith.constant 64 : i32
      %mul3A_120 = arith.muli %add3A_112, %mul3A_119 : i32
      %add3A_121 = arith.addi %mul3A_2, %mul3A_120 : i32
      %dma_wait3A_122 = arith.constant 1 : i32
      %dma_wait3A_123 = arith.constant 0 : i32
      %dma_wait3A_124 = tpu.memref_slice %arg9[%dma_wait3A_122, %dma_wait3A_123] : memref<4x64xi32, #tpu.memory_space<vmem>> -> memref<1x64xi32, #tpu.memory_space<vmem>>
      %dma_wait3A_125 = tpu.memref_squeeze %dma_wait3A_124 : memref<1x64xi32, #tpu.memory_space<vmem>> -> memref<64xi32, #tpu.memory_space<vmem>>
      %dma_wait3A_126 = tpu.memref_slice %arg4[%add3A_121] : memref<327680xi32, #tpu.memory_space<hbm>> -> memref<64xi32, #tpu.memory_space<hbm>>
      %dma_wait3A_127 = arith.constant 0 : i32
      %dma_wait3A_128 = tpu.memref_slice %arg9[%dma_wait3A_122, %dma_wait3A_127] : memref<4x64xi32, #tpu.memory_space<vmem>> -> memref<1x64xi32, #tpu.memory_space<vmem>>
      %dma_wait3A_129 = tpu.memref_squeeze %dma_wait3A_128 : memref<1x64xi32, #tpu.memory_space<vmem>> -> memref<64xi32, #tpu.memory_space<vmem>>
      %dma_wait3A_130 = tpu.memref_slice %arg4[%add3A_121] : memref<327680xi32, #tpu.memory_space<hbm>> -> memref<64xi32, #tpu.memory_space<hbm>>
      tpu.wait_dma2 semaphore(%arg19 : memref<!tpu.dma_semaphore, #tpu.memory_space<semaphore_mem>>) src(%dma_wait3A_130 : memref<64xi32, #tpu.memory_space<hbm>>) dst(%dma_wait3A_129 : memref<64xi32, #tpu.memory_space<vmem>>)
      %run_scoped3A_131 = arith.constant 1 : i32
      "tpu.region"() ({
        %run_scoped3A_200 = tpu.sem_alloc : memref<!tpu.dma_semaphore, #tpu.memory_space<semaphore_mem>>
        %dma_start3A_201 = arith.constant 0 : i32
        %dma_start3A_202 = tpu.memref_slice %arg9[%run_scoped3A_131, %dma_start3A_201] : memref<4x64xi32, #tpu.memory_space<vmem>> -> memref<1x64xi32, #tpu.memory_space<vmem>>
        %dma_start3A_203 = tpu.memref_squeeze %dma_start3A_202 : memref<1x64xi32, #tpu.memory_space<vmem>> -> memref<64xi32, #tpu.memory_space<vmem>>
        %dma_start3A_204 = arith.constant 0 : i32
        %dma_start3A_205 = arith.constant 0 : i32
        %dma_start3A_206 = tpu.memref_slice %arg7[%dma_start3A_204, %dma_start3A_205] : memref<10240x128xf32, #tpu.memory_space<vmem_shared>> -> memref<10240x128xf32, #tpu.memory_space<vmem_shared>>
        tpu.enqueue_indirect_dma source(%arg11 : memref<64x128xf32, #tpu.memory_space<vmem>>) target(%dma_start3A_206 : memref<10240x128xf32, #tpu.memory_space<vmem_shared>>) offsets(%dma_start3A_203 : memref<64xi32, #tpu.memory_space<vmem>>) semaphore(%run_scoped3A_200 : memref<!tpu.dma_semaphore, #tpu.memory_space<semaphore_mem>>) {add = true}
        %dma_wait3A_207 = arith.constant 0 : i32
        %dma_wait3A_208 = tpu.memref_slice %arg9[%run_scoped3A_131, %dma_wait3A_207] : memref<4x64xi32, #tpu.memory_space<vmem>> -> memref<1x64xi32, #tpu.memory_space<vmem>>
        %dma_wait3A_209 = tpu.memref_squeeze %dma_wait3A_208 : memref<1x64xi32, #tpu.memory_space<vmem>> -> memref<64xi32, #tpu.memory_space<vmem>>
        %dma_wait3A_210 = arith.constant 0 : i32
        %dma_wait3A_211 = arith.constant 0 : i32
        %dma_wait3A_212 = tpu.memref_slice %arg7[%dma_wait3A_210, %dma_wait3A_211] : memref<10240x128xf32, #tpu.memory_space<vmem_shared>> -> memref<10240x128xf32, #tpu.memory_space<vmem_shared>>
        tpu.wait_indirect_dma semaphore(%run_scoped3A_200 : memref<!tpu.dma_semaphore, #tpu.memory_space<semaphore_mem>>) src(%arg11 : memref<64x128xf32, #tpu.memory_space<vmem>>) dst(%dma_wait3A_212 : memref<10240x128xf32, #tpu.memory_space<vmem_shared>>)
        tpu.yield
      }) : () -> ()
      %add3A_132 = arith.constant 4 : i32
      %add3A_133 = arith.addi %add3A_112, %add3A_132 : i32
      %lt3A_134 = arith.constant 160 : i32
      %lt3A_135 = arith.cmpi slt, %add3A_133, %lt3A_134 : i32
      %convert_element_type3A_136 = arith.extui %lt3A_135 : i1 to i32
      %cond3A_137 = arith.constant 0 : i32
      %cond3A_138 = arith.cmpi ne, %convert_element_type3A_136, %cond3A_137 : i32
      scf.if %cond3A_138 {
        %add3A_200 = arith.constant 4 : i32
        %add3A_201 = arith.addi %add3A_112, %add3A_200 : i32
        %mul3A_202 = arith.constant 64 : i32
        %mul3A_203 = arith.muli %add3A_201, %mul3A_202 : i32
        %add3A_204 = arith.addi %mul3A_2, %mul3A_203 : i32
        %dma_start3A_205 = arith.constant 1 : i32
        %dma_start3A_206 = arith.constant 0 : i32
        %dma_start3A_207 = tpu.memref_slice %arg9[%dma_start3A_205, %dma_start3A_206] : memref<4x64xi32, #tpu.memory_space<vmem>> -> memref<1x64xi32, #tpu.memory_space<vmem>>
        %dma_start3A_208 = tpu.memref_squeeze %dma_start3A_207 : memref<1x64xi32, #tpu.memory_space<vmem>> -> memref<64xi32, #tpu.memory_space<vmem>>
        %dma_start3A_209 = tpu.memref_slice %arg4[%add3A_204] : memref<327680xi32, #tpu.memory_space<hbm>> -> memref<64xi32, #tpu.memory_space<hbm>>
        %dma_start3A_210 = arith.constant 0 : i32
        %dma_start3A_211 = tpu.memref_slice %arg9[%dma_start3A_205, %dma_start3A_210] : memref<4x64xi32, #tpu.memory_space<vmem>> -> memref<1x64xi32, #tpu.memory_space<vmem>>
        %dma_start3A_212 = tpu.memref_squeeze %dma_start3A_211 : memref<1x64xi32, #tpu.memory_space<vmem>> -> memref<64xi32, #tpu.memory_space<vmem>>
        %dma_start3A_213 = tpu.memref_slice %arg4[%add3A_204] : memref<327680xi32, #tpu.memory_space<hbm>> -> memref<64xi32, #tpu.memory_space<hbm>>
        tpu.enqueue_dma source(%dma_start3A_213 : memref<64xi32, #tpu.memory_space<hbm>>) target(%dma_start3A_212 : memref<64xi32, #tpu.memory_space<vmem>>) target_semaphore(%arg19 : memref<!tpu.dma_semaphore, #tpu.memory_space<semaphore_mem>>)
        %add3A_214 = arith.constant 4 : i32
        %add3A_215 = arith.addi %add3A_112, %add3A_214 : i32
        %mul3A_216 = arith.constant 64 : i32
        %mul3A_217 = arith.muli %add3A_215, %mul3A_216 : i32
        %dma_start3A_218 = tpu.memref_slice %arg8[%mul3A_217] : memref<10240xi32, #tpu.memory_space<vmem>> -> memref<64xi32, #tpu.memory_space<vmem>>
        %dma_start3A_219 = arith.constant 0 : i32
        %dma_start3A_220 = arith.constant 0 : i32
        %dma_start3A_221 = tpu.memref_slice %arg2[%dma_start3A_219, %dma_start3A_220] : memref<10240x128xf32, #tpu.memory_space<hbm>> -> memref<10240x128xf32, #tpu.memory_space<hbm>>
        tpu.enqueue_indirect_dma source(%dma_start3A_221 : memref<10240x128xf32, #tpu.memory_space<hbm>>) target(%arg11 : memref<64x128xf32, #tpu.memory_space<vmem>>) offsets(%dma_start3A_218 : memref<64xi32, #tpu.memory_space<vmem>>) semaphore(%arg15 : memref<!tpu.dma_semaphore, #tpu.memory_space<semaphore_mem>>)
      } else {
      }
      %mul3A_139 = arith.constant 4 : i32
      %mul3A_140 = arith.muli %mul3A_139, %scan3A_82 : i32
      %add3A_141 = arith.constant 2 : i32
      %add3A_142 = arith.addi %mul3A_140, %add3A_141 : i32
      %mul3A_143 = arith.constant 64 : i32
      %mul3A_144 = arith.muli %add3A_142, %mul3A_143 : i32
      %dma_wait3A_145 = tpu.memref_slice %arg8[%mul3A_144] : memref<10240xi32, #tpu.memory_space<vmem>> -> memref<64xi32, #tpu.memory_space<vmem>>
      %dma_wait3A_146 = arith.constant 0 : i32
      %dma_wait3A_147 = arith.constant 0 : i32
      %dma_wait3A_148 = tpu.memref_slice %arg2[%dma_wait3A_146, %dma_wait3A_147] : memref<10240x128xf32, #tpu.memory_space<hbm>> -> memref<10240x128xf32, #tpu.memory_space<hbm>>
      tpu.wait_indirect_dma semaphore(%arg16 : memref<!tpu.dma_semaphore, #tpu.memory_space<semaphore_mem>>) src(%dma_wait3A_148 : memref<10240x128xf32, #tpu.memory_space<hbm>>) dst(%arg12 : memref<64x128xf32, #tpu.memory_space<vmem>>)
      %mul3A_149 = arith.constant 64 : i32
      %mul3A_150 = arith.muli %add3A_142, %mul3A_149 : i32
      %add3A_151 = arith.addi %mul3A_2, %mul3A_150 : i32
      %dma_wait3A_152 = arith.constant 2 : i32
      %dma_wait3A_153 = arith.constant 0 : i32
      %dma_wait3A_154 = tpu.memref_slice %arg9[%dma_wait3A_152, %dma_wait3A_153] : memref<4x64xi32, #tpu.memory_space<vmem>> -> memref<1x64xi32, #tpu.memory_space<vmem>>
      %dma_wait3A_155 = tpu.memref_squeeze %dma_wait3A_154 : memref<1x64xi32, #tpu.memory_space<vmem>> -> memref<64xi32, #tpu.memory_space<vmem>>
      %dma_wait3A_156 = tpu.memref_slice %arg4[%add3A_151] : memref<327680xi32, #tpu.memory_space<hbm>> -> memref<64xi32, #tpu.memory_space<hbm>>
      %dma_wait3A_157 = arith.constant 0 : i32
      %dma_wait3A_158 = tpu.memref_slice %arg9[%dma_wait3A_152, %dma_wait3A_157] : memref<4x64xi32, #tpu.memory_space<vmem>> -> memref<1x64xi32, #tpu.memory_space<vmem>>
      %dma_wait3A_159 = tpu.memref_squeeze %dma_wait3A_158 : memref<1x64xi32, #tpu.memory_space<vmem>> -> memref<64xi32, #tpu.memory_space<vmem>>
      %dma_wait3A_160 = tpu.memref_slice %arg4[%add3A_151] : memref<327680xi32, #tpu.memory_space<hbm>> -> memref<64xi32, #tpu.memory_space<hbm>>
      tpu.wait_dma2 semaphore(%arg20 : memref<!tpu.dma_semaphore, #tpu.memory_space<semaphore_mem>>) src(%dma_wait3A_160 : memref<64xi32, #tpu.memory_space<hbm>>) dst(%dma_wait3A_159 : memref<64xi32, #tpu.memory_space<vmem>>)
      %run_scoped3A_161 = arith.constant 2 : i32
      "tpu.region"() ({
        %run_scoped3A_200 = tpu.sem_alloc : memref<!tpu.dma_semaphore, #tpu.memory_space<semaphore_mem>>
        %dma_start3A_201 = arith.constant 0 : i32
        %dma_start3A_202 = tpu.memref_slice %arg9[%run_scoped3A_161, %dma_start3A_201] : memref<4x64xi32, #tpu.memory_space<vmem>> -> memref<1x64xi32, #tpu.memory_space<vmem>>
        %dma_start3A_203 = tpu.memref_squeeze %dma_start3A_202 : memref<1x64xi32, #tpu.memory_space<vmem>> -> memref<64xi32, #tpu.memory_space<vmem>>
        %dma_start3A_204 = arith.constant 0 : i32
        %dma_start3A_205 = arith.constant 0 : i32
        %dma_start3A_206 = tpu.memref_slice %arg7[%dma_start3A_204, %dma_start3A_205] : memref<10240x128xf32, #tpu.memory_space<vmem_shared>> -> memref<10240x128xf32, #tpu.memory_space<vmem_shared>>
        tpu.enqueue_indirect_dma source(%arg12 : memref<64x128xf32, #tpu.memory_space<vmem>>) target(%dma_start3A_206 : memref<10240x128xf32, #tpu.memory_space<vmem_shared>>) offsets(%dma_start3A_203 : memref<64xi32, #tpu.memory_space<vmem>>) semaphore(%run_scoped3A_200 : memref<!tpu.dma_semaphore, #tpu.memory_space<semaphore_mem>>) {add = true}
        %dma_wait3A_207 = arith.constant 0 : i32
        %dma_wait3A_208 = tpu.memref_slice %arg9[%run_scoped3A_161, %dma_wait3A_207] : memref<4x64xi32, #tpu.memory_space<vmem>> -> memref<1x64xi32, #tpu.memory_space<vmem>>
        %dma_wait3A_209 = tpu.memref_squeeze %dma_wait3A_208 : memref<1x64xi32, #tpu.memory_space<vmem>> -> memref<64xi32, #tpu.memory_space<vmem>>
        %dma_wait3A_210 = arith.constant 0 : i32
        %dma_wait3A_211 = arith.constant 0 : i32
        %dma_wait3A_212 = tpu.memref_slice %arg7[%dma_wait3A_210, %dma_wait3A_211] : memref<10240x128xf32, #tpu.memory_space<vmem_shared>> -> memref<10240x128xf32, #tpu.memory_space<vmem_shared>>
        tpu.wait_indirect_dma semaphore(%run_scoped3A_200 : memref<!tpu.dma_semaphore, #tpu.memory_space<semaphore_mem>>) src(%arg12 : memref<64x128xf32, #tpu.memory_space<vmem>>) dst(%dma_wait3A_212 : memref<10240x128xf32, #tpu.memory_space<vmem_shared>>)
        tpu.yield
      }) : () -> ()
      %add3A_162 = arith.constant 4 : i32
      %add3A_163 = arith.addi %add3A_142, %add3A_162 : i32
      %lt3A_164 = arith.constant 160 : i32
      %lt3A_165 = arith.cmpi slt, %add3A_163, %lt3A_164 : i32
      %convert_element_type3A_166 = arith.extui %lt3A_165 : i1 to i32
      %cond3A_167 = arith.constant 0 : i32
      %cond3A_168 = arith.cmpi ne, %convert_element_type3A_166, %cond3A_167 : i32
      scf.if %cond3A_168 {
        %add3A_200 = arith.constant 4 : i32
        %add3A_201 = arith.addi %add3A_142, %add3A_200 : i32
        %mul3A_202 = arith.constant 64 : i32
        %mul3A_203 = arith.muli %add3A_201, %mul3A_202 : i32
        %add3A_204 = arith.addi %mul3A_2, %mul3A_203 : i32
        %dma_start3A_205 = arith.constant 2 : i32
        %dma_start3A_206 = arith.constant 0 : i32
        %dma_start3A_207 = tpu.memref_slice %arg9[%dma_start3A_205, %dma_start3A_206] : memref<4x64xi32, #tpu.memory_space<vmem>> -> memref<1x64xi32, #tpu.memory_space<vmem>>
        %dma_start3A_208 = tpu.memref_squeeze %dma_start3A_207 : memref<1x64xi32, #tpu.memory_space<vmem>> -> memref<64xi32, #tpu.memory_space<vmem>>
        %dma_start3A_209 = tpu.memref_slice %arg4[%add3A_204] : memref<327680xi32, #tpu.memory_space<hbm>> -> memref<64xi32, #tpu.memory_space<hbm>>
        %dma_start3A_210 = arith.constant 0 : i32
        %dma_start3A_211 = tpu.memref_slice %arg9[%dma_start3A_205, %dma_start3A_210] : memref<4x64xi32, #tpu.memory_space<vmem>> -> memref<1x64xi32, #tpu.memory_space<vmem>>
        %dma_start3A_212 = tpu.memref_squeeze %dma_start3A_211 : memref<1x64xi32, #tpu.memory_space<vmem>> -> memref<64xi32, #tpu.memory_space<vmem>>
        %dma_start3A_213 = tpu.memref_slice %arg4[%add3A_204] : memref<327680xi32, #tpu.memory_space<hbm>> -> memref<64xi32, #tpu.memory_space<hbm>>
        tpu.enqueue_dma source(%dma_start3A_213 : memref<64xi32, #tpu.memory_space<hbm>>) target(%dma_start3A_212 : memref<64xi32, #tpu.memory_space<vmem>>) target_semaphore(%arg20 : memref<!tpu.dma_semaphore, #tpu.memory_space<semaphore_mem>>)
        %add3A_214 = arith.constant 4 : i32
        %add3A_215 = arith.addi %add3A_142, %add3A_214 : i32
        %mul3A_216 = arith.constant 64 : i32
        %mul3A_217 = arith.muli %add3A_215, %mul3A_216 : i32
        %dma_start3A_218 = tpu.memref_slice %arg8[%mul3A_217] : memref<10240xi32, #tpu.memory_space<vmem>> -> memref<64xi32, #tpu.memory_space<vmem>>
        %dma_start3A_219 = arith.constant 0 : i32
        %dma_start3A_220 = arith.constant 0 : i32
        %dma_start3A_221 = tpu.memref_slice %arg2[%dma_start3A_219, %dma_start3A_220] : memref<10240x128xf32, #tpu.memory_space<hbm>> -> memref<10240x128xf32, #tpu.memory_space<hbm>>
        tpu.enqueue_indirect_dma source(%dma_start3A_221 : memref<10240x128xf32, #tpu.memory_space<hbm>>) target(%arg12 : memref<64x128xf32, #tpu.memory_space<vmem>>) offsets(%dma_start3A_218 : memref<64xi32, #tpu.memory_space<vmem>>) semaphore(%arg16 : memref<!tpu.dma_semaphore, #tpu.memory_space<semaphore_mem>>)
      } else {
      }
      %mul3A_169 = arith.constant 4 : i32
      %mul3A_170 = arith.muli %mul3A_169, %scan3A_82 : i32
      %add3A_171 = arith.constant 3 : i32
      %add3A_172 = arith.addi %mul3A_170, %add3A_171 : i32
      %mul3A_173 = arith.constant 64 : i32
      %mul3A_174 = arith.muli %add3A_172, %mul3A_173 : i32
      %dma_wait3A_175 = tpu.memref_slice %arg8[%mul3A_174] : memref<10240xi32, #tpu.memory_space<vmem>> -> memref<64xi32, #tpu.memory_space<vmem>>
      %dma_wait3A_176 = arith.constant 0 : i32
      %dma_wait3A_177 = arith.constant 0 : i32
      %dma_wait3A_178 = tpu.memref_slice %arg2[%dma_wait3A_176, %dma_wait3A_177] : memref<10240x128xf32, #tpu.memory_space<hbm>> -> memref<10240x128xf32, #tpu.memory_space<hbm>>
      tpu.wait_indirect_dma semaphore(%arg17 : memref<!tpu.dma_semaphore, #tpu.memory_space<semaphore_mem>>) src(%dma_wait3A_178 : memref<10240x128xf32, #tpu.memory_space<hbm>>) dst(%arg13 : memref<64x128xf32, #tpu.memory_space<vmem>>)
      %mul3A_179 = arith.constant 64 : i32
      %mul3A_180 = arith.muli %add3A_172, %mul3A_179 : i32
      %add3A_181 = arith.addi %mul3A_2, %mul3A_180 : i32
      %dma_wait3A_182 = arith.constant 3 : i32
      %dma_wait3A_183 = arith.constant 0 : i32
      %dma_wait3A_184 = tpu.memref_slice %arg9[%dma_wait3A_182, %dma_wait3A_183] : memref<4x64xi32, #tpu.memory_space<vmem>> -> memref<1x64xi32, #tpu.memory_space<vmem>>
      %dma_wait3A_185 = tpu.memref_squeeze %dma_wait3A_184 : memref<1x64xi32, #tpu.memory_space<vmem>> -> memref<64xi32, #tpu.memory_space<vmem>>
      %dma_wait3A_186 = tpu.memref_slice %arg4[%add3A_181] : memref<327680xi32, #tpu.memory_space<hbm>> -> memref<64xi32, #tpu.memory_space<hbm>>
      %dma_wait3A_187 = arith.constant 0 : i32
      %dma_wait3A_188 = tpu.memref_slice %arg9[%dma_wait3A_182, %dma_wait3A_187] : memref<4x64xi32, #tpu.memory_space<vmem>> -> memref<1x64xi32, #tpu.memory_space<vmem>>
      %dma_wait3A_189 = tpu.memref_squeeze %dma_wait3A_188 : memref<1x64xi32, #tpu.memory_space<vmem>> -> memref<64xi32, #tpu.memory_space<vmem>>
      %dma_wait3A_190 = tpu.memref_slice %arg4[%add3A_181] : memref<327680xi32, #tpu.memory_space<hbm>> -> memref<64xi32, #tpu.memory_space<hbm>>
      tpu.wait_dma2 semaphore(%arg21 : memref<!tpu.dma_semaphore, #tpu.memory_space<semaphore_mem>>) src(%dma_wait3A_190 : memref<64xi32, #tpu.memory_space<hbm>>) dst(%dma_wait3A_189 : memref<64xi32, #tpu.memory_space<vmem>>)
      %run_scoped3A_191 = arith.constant 3 : i32
      "tpu.region"() ({
        %run_scoped3A_200 = tpu.sem_alloc : memref<!tpu.dma_semaphore, #tpu.memory_space<semaphore_mem>>
        %dma_start3A_201 = arith.constant 0 : i32
        %dma_start3A_202 = tpu.memref_slice %arg9[%run_scoped3A_191, %dma_start3A_201] : memref<4x64xi32, #tpu.memory_space<vmem>> -> memref<1x64xi32, #tpu.memory_space<vmem>>
        %dma_start3A_203 = tpu.memref_squeeze %dma_start3A_202 : memref<1x64xi32, #tpu.memory_space<vmem>> -> memref<64xi32, #tpu.memory_space<vmem>>
        %dma_start3A_204 = arith.constant 0 : i32
        %dma_start3A_205 = arith.constant 0 : i32
        %dma_start3A_206 = tpu.memref_slice %arg7[%dma_start3A_204, %dma_start3A_205] : memref<10240x128xf32, #tpu.memory_space<vmem_shared>> -> memref<10240x128xf32, #tpu.memory_space<vmem_shared>>
        tpu.enqueue_indirect_dma source(%arg13 : memref<64x128xf32, #tpu.memory_space<vmem>>) target(%dma_start3A_206 : memref<10240x128xf32, #tpu.memory_space<vmem_shared>>) offsets(%dma_start3A_203 : memref<64xi32, #tpu.memory_space<vmem>>) semaphore(%run_scoped3A_200 : memref<!tpu.dma_semaphore, #tpu.memory_space<semaphore_mem>>) {add = true}
        %dma_wait3A_207 = arith.constant 0 : i32
        %dma_wait3A_208 = tpu.memref_slice %arg9[%run_scoped3A_191, %dma_wait3A_207] : memref<4x64xi32, #tpu.memory_space<vmem>> -> memref<1x64xi32, #tpu.memory_space<vmem>>
        %dma_wait3A_209 = tpu.memref_squeeze %dma_wait3A_208 : memref<1x64xi32, #tpu.memory_space<vmem>> -> memref<64xi32, #tpu.memory_space<vmem>>
        %dma_wait3A_210 = arith.constant 0 : i32
        %dma_wait3A_211 = arith.constant 0 : i32
        %dma_wait3A_212 = tpu.memref_slice %arg7[%dma_wait3A_210, %dma_wait3A_211] : memref<10240x128xf32, #tpu.memory_space<vmem_shared>> -> memref<10240x128xf32, #tpu.memory_space<vmem_shared>>
        tpu.wait_indirect_dma semaphore(%run_scoped3A_200 : memref<!tpu.dma_semaphore, #tpu.memory_space<semaphore_mem>>) src(%arg13 : memref<64x128xf32, #tpu.memory_space<vmem>>) dst(%dma_wait3A_212 : memref<10240x128xf32, #tpu.memory_space<vmem_shared>>)
        tpu.yield
      }) : () -> ()
      %add3A_192 = arith.constant 4 : i32
      %add3A_193 = arith.addi %add3A_172, %add3A_192 : i32
      %lt3A_194 = arith.constant 160 : i32
      %lt3A_195 = arith.cmpi slt, %add3A_193, %lt3A_194 : i32
      %convert_element_type3A_196 = arith.extui %lt3A_195 : i1 to i32
      %cond3A_197 = arith.constant 0 : i32
      %cond3A_198 = arith.cmpi ne, %convert_element_type3A_196, %cond3A_197 : i32
      scf.if %cond3A_198 {
        %add3A_200 = arith.constant 4 : i32
        %add3A_201 = arith.addi %add3A_172, %add3A_200 : i32
        %mul3A_202 = arith.constant 64 : i32
        %mul3A_203 = arith.muli %add3A_201, %mul3A_202 : i32
        %add3A_204 = arith.addi %mul3A_2, %mul3A_203 : i32
        %dma_start3A_205 = arith.constant 3 : i32
        %dma_start3A_206 = arith.constant 0 : i32
        %dma_start3A_207 = tpu.memref_slice %arg9[%dma_start3A_205, %dma_start3A_206] : memref<4x64xi32, #tpu.memory_space<vmem>> -> memref<1x64xi32, #tpu.memory_space<vmem>>
        %dma_start3A_208 = tpu.memref_squeeze %dma_start3A_207 : memref<1x64xi32, #tpu.memory_space<vmem>> -> memref<64xi32, #tpu.memory_space<vmem>>
        %dma_start3A_209 = tpu.memref_slice %arg4[%add3A_204] : memref<327680xi32, #tpu.memory_space<hbm>> -> memref<64xi32, #tpu.memory_space<hbm>>
        %dma_start3A_210 = arith.constant 0 : i32
        %dma_start3A_211 = tpu.memref_slice %arg9[%dma_start3A_205, %dma_start3A_210] : memref<4x64xi32, #tpu.memory_space<vmem>> -> memref<1x64xi32, #tpu.memory_space<vmem>>
        %dma_start3A_212 = tpu.memref_squeeze %dma_start3A_211 : memref<1x64xi32, #tpu.memory_space<vmem>> -> memref<64xi32, #tpu.memory_space<vmem>>
        %dma_start3A_213 = tpu.memref_slice %arg4[%add3A_204] : memref<327680xi32, #tpu.memory_space<hbm>> -> memref<64xi32, #tpu.memory_space<hbm>>
        tpu.enqueue_dma source(%dma_start3A_213 : memref<64xi32, #tpu.memory_space<hbm>>) target(%dma_start3A_212 : memref<64xi32, #tpu.memory_space<vmem>>) target_semaphore(%arg21 : memref<!tpu.dma_semaphore, #tpu.memory_space<semaphore_mem>>)
        %add3A_214 = arith.constant 4 : i32
        %add3A_215 = arith.addi %add3A_172, %add3A_214 : i32
        %mul3A_216 = arith.constant 64 : i32
        %mul3A_217 = arith.muli %add3A_215, %mul3A_216 : i32
        %dma_start3A_218 = tpu.memref_slice %arg8[%mul3A_217] : memref<10240xi32, #tpu.memory_space<vmem>> -> memref<64xi32, #tpu.memory_space<vmem>>
        %dma_start3A_219 = arith.constant 0 : i32
        %dma_start3A_220 = arith.constant 0 : i32
        %dma_start3A_221 = tpu.memref_slice %arg2[%dma_start3A_219, %dma_start3A_220] : memref<10240x128xf32, #tpu.memory_space<hbm>> -> memref<10240x128xf32, #tpu.memory_space<hbm>>
        tpu.enqueue_indirect_dma source(%dma_start3A_221 : memref<10240x128xf32, #tpu.memory_space<hbm>>) target(%arg13 : memref<64x128xf32, #tpu.memory_space<vmem>>) offsets(%dma_start3A_218 : memref<64xi32, #tpu.memory_space<vmem>>) semaphore(%arg17 : memref<!tpu.dma_semaphore, #tpu.memory_space<semaphore_mem>>)
      } else {
      }
      %scan3A_199 = arith.constant 0 : i32
      scf.yield %scan3A_199 : i32
    }
    %scan3A_73 = arith.constant 40 : i32
    %barrier3A_74 = arith.constant 0 : index
    tpu.barrier barrier_id(%barrier3A_74)
    %mul3A_75 = arith.constant 640 : i32
    %mul3A_76 = arith.muli %arg1, %mul3A_75 : i32
    %mul3A_77 = arith.constant 10240 : i32
    %mul3A_78 = arith.muli %arg0, %mul3A_77 : i32
    %mul3A_79 = arith.constant 640 : i32
    %mul3A_80 = arith.muli %arg1, %mul3A_79 : i32
    %add3A_81 = arith.addi %mul3A_78, %mul3A_80 : i32
    "tpu.region"() ({
      %run_scoped3A = tpu.sem_alloc : memref<!tpu.dma_semaphore, #tpu.memory_space<semaphore_mem>>
      %dma_start3A_82 = arith.constant 0 : i32
      %dma_start3A_83 = tpu.memref_slice %arg6[%add3A_81, %dma_start3A_82] : memref<20480x128xf32, #tpu.memory_space<hbm>> -> memref<640x128xf32, #tpu.memory_space<hbm>>
      %dma_start3A_84 = arith.constant 0 : i32
      %dma_start3A_85 = tpu.memref_slice %arg7[%mul3A_76, %dma_start3A_84] : memref<10240x128xf32, #tpu.memory_space<vmem_shared>> -> memref<640x128xf32, #tpu.memory_space<vmem_shared>>
      tpu.enqueue_dma source(%dma_start3A_85 : memref<640x128xf32, #tpu.memory_space<vmem_shared>>) target(%dma_start3A_83 : memref<640x128xf32, #tpu.memory_space<hbm>>) target_semaphore(%run_scoped3A : memref<!tpu.dma_semaphore, #tpu.memory_space<semaphore_mem>>)
      %dma_wait3A = arith.constant 0 : i32
      %dma_wait3A_86 = tpu.memref_slice %arg6[%add3A_81, %dma_wait3A] : memref<20480x128xf32, #tpu.memory_space<hbm>> -> memref<640x128xf32, #tpu.memory_space<hbm>>
      %dma_wait3A_87 = arith.constant 0 : i32
      %dma_wait3A_88 = tpu.memref_slice %arg7[%mul3A_76, %dma_wait3A_87] : memref<10240x128xf32, #tpu.memory_space<vmem_shared>> -> memref<640x128xf32, #tpu.memory_space<vmem_shared>>
      tpu.wait_dma2 semaphore(%run_scoped3A : memref<!tpu.dma_semaphore, #tpu.memory_space<semaphore_mem>>) src(%dma_wait3A_88 : memref<640x128xf32, #tpu.memory_space<vmem_shared>>) dst(%dma_wait3A_86 : memref<640x128xf32, #tpu.memory_space<hbm>>)
      tpu.yield
    }) : () -> ()
    return
  }
}

module attributes {stable_mosaic.version = 14 : i64} {
  func.func @_dense_body(%arg0: i32, %arg1: memref<2x640x128xf32, #tpu.memory_space<vmem>>, %arg2: memref<640x128xf32, #tpu.memory_space<vmem>>, %arg3: memref<128x128xf32, #tpu.memory_space<vmem>>, %arg4: memref<128x128xf32, #tpu.memory_space<vmem>>, %arg5: memref<1x128xf32, #tpu.memory_space<vmem>>, %arg6: memref<640x128xf32, #tpu.memory_space<vmem>>) attributes {dimension_semantics = [#tpu.dimension_semantics<arbitrary>], iteration_bounds = array<i64: 16>, scalar_prefetch = 0 : i64, scratch_operands = 0 : i64, tpu.core_type = #tpu.core_type<tc>, window_params = [{transform_indices = @transform_0, window_bounds = array<i64: 2, 640, 128>}, {transform_indices = @transform_1, window_bounds = array<i64: 640, 128>}, {pipeline_mode = #tpu.pipeline_mode<synchronous>, transform_indices = @transform_2, window_bounds = array<i64: 128, 128>}, {pipeline_mode = #tpu.pipeline_mode<synchronous>, transform_indices = @transform_3, window_bounds = array<i64: 128, 128>}, {pipeline_mode = #tpu.pipeline_mode<synchronous>, transform_indices = @transform_4, window_bounds = array<i64: 1, 128>}, {transform_indices = @transform_5, window_bounds = array<i64: 640, 128>}]} {
    %get3A = arith.constant 0 : index
    %get3A_0 = arith.constant 0 : index
    %get3A_1 = arith.constant 0 : index
    %get3A_2 = vector.load %arg1[%get3A, %get3A_0, %get3A_1] : memref<2x640x128xf32, #tpu.memory_space<vmem>>, vector<1x640x128xf32>
    %get3A_3 = vector.shape_cast %get3A_2 : vector<1x640x128xf32> to vector<640x128xf32>
    %get3A_4 = arith.constant 1 : index
    %get3A_5 = arith.constant 0 : index
    %get3A_6 = arith.constant 0 : index
    %get3A_7 = vector.load %arg1[%get3A_4, %get3A_5, %get3A_6] : memref<2x640x128xf32, #tpu.memory_space<vmem>>, vector<1x640x128xf32>
    %get3A_8 = vector.shape_cast %get3A_7 : vector<1x640x128xf32> to vector<640x128xf32>
    %add3A = arith.addf %get3A_3, %get3A_8 : vector<640x128xf32>
    %get3A_9 = arith.constant 0 : index
    %get3A_10 = arith.constant 0 : index
    %get3A_11 = vector.load %arg3[%get3A_9, %get3A_10] : memref<128x128xf32, #tpu.memory_space<vmem>>, vector<128x128xf32>
    %dot_general3A = arith.constant dense<0.000000e+00> : vector<640x128xf32>
    %dot_general3A_12 = tpu.matmul %add3A, %get3A_11, %dot_general3A {dimension_numbers = #tpu.dot_dimension_numbers<[1], [0], [0], [1], [0, 0, 1, 1], [], []>, transpose_lhs_hint = false} : vector<640x128xf32>, vector<128x128xf32>, vector<640x128xf32> -> vector<640x128xf32>
    %get3A_13 = arith.constant 0 : index
    %get3A_14 = arith.constant 0 : index
    %get3A_15 = vector.load %arg2[%get3A_13, %get3A_14] : memref<640x128xf32, #tpu.memory_space<vmem>>, vector<640x128xf32>
    %get3A_16 = arith.constant 0 : index
    %get3A_17 = arith.constant 0 : index
    %get3A_18 = vector.load %arg4[%get3A_16, %get3A_17] : memref<128x128xf32, #tpu.memory_space<vmem>>, vector<128x128xf32>
    %dot_general3A_19 = arith.constant dense<0.000000e+00> : vector<640x128xf32>
    %dot_general3A_20 = tpu.matmul %get3A_15, %get3A_18, %dot_general3A_19 {dimension_numbers = #tpu.dot_dimension_numbers<[1], [0], [0], [1], [0, 0, 1, 1], [], []>, transpose_lhs_hint = false} : vector<640x128xf32>, vector<128x128xf32>, vector<640x128xf32> -> vector<640x128xf32>
    %add3A_21 = arith.addf %dot_general3A_12, %dot_general3A_20 : vector<640x128xf32>
    %get3A_22 = arith.constant 0 : index
    %get3A_23 = arith.constant 0 : index
    %get3A_24 = vector.load %arg5[%get3A_22, %get3A_23] : memref<1x128xf32, #tpu.memory_space<vmem>>, vector<1x128xf32>
    %add3A_25 = vector.broadcast %get3A_24 : vector<1x128xf32> to vector<640x128xf32>
    %add3A_26 = arith.addf %add3A_21, %add3A_25 : vector<640x128xf32>
    %max3A = arith.constant 0.000000e+00 : f32
    %max3A_27 = vector.broadcast %max3A : f32 to vector<640x128xf32>
    %max3A_28 = arith.maximumf %add3A_26, %max3A_27 : vector<640x128xf32>
    %swap3A = arith.constant 0 : index
    %swap3A_29 = arith.constant 0 : index
    %swap3A_30 = vector.load %arg6[%swap3A, %swap3A_29] : memref<640x128xf32, #tpu.memory_space<vmem>>, vector<640x128xf32>
    tpu.vector_store %arg6[%swap3A, %swap3A_29], %max3A_28 {strides = array<i32>} : memref<640x128xf32, #tpu.memory_space<vmem>>, vector<640x128xf32>,
    return
  }
  func.func @transform_0(%arg0: i32) -> (i32, i32, i32) {
    %c0_i32 = arith.constant 0 : i32
    %c0_i32_0 = arith.constant 0 : i32
    %c0_i32_1 = arith.constant 0 : i32
    return %c0_i32, %arg0, %c0_i32_0 : i32, i32, i32
  }
  func.func @transform_1(%arg0: i32) -> (i32, i32) {
    %c0_i32 = arith.constant 0 : i32
    %c0_i32_0 = arith.constant 0 : i32
    return %arg0, %c0_i32 : i32, i32
  }
  func.func @transform_2(%arg0: i32) -> (i32, i32) {
    %c0_i32 = arith.constant 0 : i32
    %c0_i32_0 = arith.constant 0 : i32
    %c0_i32_1 = arith.constant 0 : i32
    return %c0_i32, %c0_i32_0 : i32, i32
  }
  func.func @transform_3(%arg0: i32) -> (i32, i32) {
    %c0_i32 = arith.constant 0 : i32
    %c0_i32_0 = arith.constant 0 : i32
    %c0_i32_1 = arith.constant 0 : i32
    return %c0_i32, %c0_i32_0 : i32, i32
  }
  func.func @transform_4(%arg0: i32) -> (i32, i32) {
    %c0_i32 = arith.constant 0 : i32
    %c0_i32_0 = arith.constant 0 : i32
    %c0_i32_1 = arith.constant 0 : i32
    return %c0_i32, %c0_i32_0 : i32, i32
  }
  func.func @transform_5(%arg0: i32) -> (i32, i32) {
    %c0_i32 = arith.constant 0 : i32
    %c0_i32_0 = arith.constant 0 : i32
    return %arg0, %c0_i32 : i32, i32
  }
}

module attributes {stable_mosaic.version = 14 : i64} {
  func.func @_fold_body(%arg0: memref<127x2xf32, #tpu.memory_space<smem>>, %arg1: memref<127xf32, #tpu.memory_space<smem>>, %arg2: memref<128x128xf32, #tpu.memory_space<vmem>>, %arg3: memref<128x128xf32, #tpu.memory_space<vmem>>, %arg4: memref<1x128xf32, #tpu.memory_space<vmem>>, %arg5: memref<1x128xf32, #tpu.memory_space<vmem>>, %arg6: memref<1x128xf32, #tpu.memory_space<vmem>>, %arg7: memref<1x1xf32, #tpu.memory_space<smem>>) attributes {dimension_semantics = [], scalar_prefetch = 0 : i64, scratch_operands = 0 : i64, tpu.core_type = #tpu.core_type<tc>} {
    %iota3A = tpu.iota {dimensions = array<i32: 1>} : vector<1x128xi32>
    %eq3A = arith.constant 0 : i32
    %eq3A_0 = vector.broadcast %eq3A : i32 to vector<1x128xi32>
    %eq3A_1 = arith.cmpi eq, %iota3A, %eq3A_0 : vector<1x128xi32>
    %jit3A = arith.constant 1.000000e+00 : f32
    %jit3A_2 = arith.constant 0.000000e+00 : f32
    %broadcast_in_dim3A = vector.broadcast %jit3A : f32 to vector<1x128xf32>
    %broadcast_in_dim3A_3 = vector.broadcast %jit3A_2 : f32 to vector<1x128xf32>
    %select_n3A = arith.select %eq3A_1, %broadcast_in_dim3A, %broadcast_in_dim3A_3 : vector<1x128xi1>, vector<1x128xf32>
    %scan3A = arith.constant 0 : i32
    %scan3A_4 = arith.constant 127 : i32
    %scan3A_5 = arith.addi %scan3A, %scan3A_4 : i32
    %scan3A_6 = arith.constant 1 : i32
    %scan3A_7 = scf.for %scan3A_39 = %scan3A to %scan3A_5 step %scan3A_6 iter_args(%scan3A_40 = %select_n3A) -> (vector<1x128xf32>)  : i32 {
      %sub3A = arith.constant 126 : i32
      %sub3A_41 = arith.subi %sub3A, %scan3A_39 : i32
      %get3A_42 = arith.index_cast %sub3A_41 : i32 to index
      %get3A_43 = arith.constant 0 : index
      %get3A_44 = memref.load %arg0[%get3A_42, %get3A_43] : memref<127x2xf32, #tpu.memory_space<smem>>
      %get3A_45 = arith.index_cast %sub3A_41 : i32 to index
      %get3A_46 = arith.constant 1 : index
      %get3A_47 = memref.load %arg0[%get3A_45, %get3A_46] : memref<127x2xf32, #tpu.memory_space<smem>>
      %roll3A = arith.constant 1 : i32
      %roll3A_48 = tpu.dynamic_rotate %scan3A_40 by %roll3A dim 1 : vector<1x128xf32>, i32 -> vector<1x128xf32>
      %iota3A_49 = tpu.iota {dimensions = array<i32: 1>} : vector<1x128xi32>
      %mul3A_50 = vector.broadcast %get3A_44 : f32 to vector<1x128xf32>
      %mul3A_51 = arith.mulf %mul3A_50, %scan3A_40 : vector<1x128xf32>
      %ge3A = arith.constant 1 : i32
      %ge3A_52 = vector.broadcast %ge3A : i32 to vector<1x128xi32>
      %ge3A_53 = arith.cmpi sge, %iota3A_49, %ge3A_52 : vector<1x128xi32>
      %jit3A_54 = arith.constant 0.000000e+00 : f32
      %broadcast_in_dim3A_55 = vector.broadcast %jit3A_54 : f32 to vector<1x128xf32>
      %select_n3A_56 = arith.select %ge3A_53, %roll3A_48, %broadcast_in_dim3A_55 : vector<1x128xi1>, vector<1x128xf32>
      %mul3A_57 = vector.broadcast %get3A_47 : f32 to vector<1x128xf32>
      %mul3A_58 = arith.mulf %mul3A_57, %select_n3A_56 : vector<1x128xf32>
      %add3A_59 = arith.addf %mul3A_51, %mul3A_58 : vector<1x128xf32>
      scf.yield %add3A_59 : vector<1x128xf32>
    }
    %scan3A_8 = arith.constant 127 : i32
    %scan3A_9 = arith.constant 0.000000e+00 : f32
    %scan3A_10 = arith.constant 0 : i32
    %scan3A_11 = arith.constant 127 : i32
    %scan3A_12 = arith.addi %scan3A_10, %scan3A_11 : i32
    %scan3A_13 = arith.constant 1 : i32
    %scan3A_14 = scf.for %scan3A_39 = %scan3A_10 to %scan3A_12 step %scan3A_13 iter_args(%scan3A_40 = %scan3A_9) -> (f32)  : i32 {
      %get3A_41 = arith.index_cast %scan3A_39 : i32 to index
      %get3A_42 = arith.constant 0 : index
      %get3A_43 = memref.load %arg0[%get3A_41, %get3A_42] : memref<127x2xf32, #tpu.memory_space<smem>>
      %mul3A_44 = arith.mulf %scan3A_40, %get3A_43 : f32
      %get3A_45 = arith.index_cast %scan3A_39 : i32 to index
      %get3A_46 = arith.constant 1 : index
      %get3A_47 = memref.load %arg0[%get3A_45, %get3A_46] : memref<127x2xf32, #tpu.memory_space<smem>>
      %mul3A_48 = arith.mulf %scan3A_40, %get3A_47 : f32
      %add3A_49 = arith.addf %mul3A_44, %mul3A_48 : f32
      %get3A_50 = arith.index_cast %scan3A_39 : i32 to index
      %get3A_51 = memref.load %arg1[%get3A_50] : memref<127xf32, #tpu.memory_space<smem>>
      %add3A_52 = arith.addf %add3A_49, %get3A_51 : f32
      scf.yield %add3A_52 : f32
    }
    %scan3A_15 = arith.constant 127 : i32
    %get3A = arith.constant 0 : index
    %get3A_16 = arith.constant 0 : index
    %get3A_17 = vector.load %arg2[%get3A, %get3A_16] : memref<128x128xf32, #tpu.memory_space<vmem>>, vector<128x128xf32>
    %dot_general3A = arith.constant dense<0.000000e+00> : vector<1x128xf32>
    %dot_general3A_18 = tpu.matmul %scan3A_7, %get3A_17, %dot_general3A {dimension_numbers = #tpu.dot_dimension_numbers<[1], [0], [0], [1], [0, 0, 1, 1], [], []>, transpose_lhs_hint = false} : vector<1x128xf32>, vector<128x128xf32>, vector<1x128xf32> -> vector<1x128xf32>
    %swap3A = arith.constant 0 : index
    %swap3A_19 = arith.constant 0 : index
    %swap3A_20 = vector.load %arg5[%swap3A, %swap3A_19] : memref<1x128xf32, #tpu.memory_space<vmem>>, vector<1x128xf32>
    tpu.vector_store %arg5[%swap3A, %swap3A_19], %dot_general3A_18 {strides = array<i32>} : memref<1x128xf32, #tpu.memory_space<vmem>>, vector<1x128xf32>,
    %get3A_21 = arith.constant 0 : index
    %get3A_22 = arith.constant 0 : index
    %get3A_23 = vector.load %arg3[%get3A_21, %get3A_22] : memref<128x128xf32, #tpu.memory_space<vmem>>, vector<128x128xf32>
    %dot_general3A_24 = arith.constant dense<0.000000e+00> : vector<1x128xf32>
    %dot_general3A_25 = tpu.matmul %scan3A_7, %get3A_23, %dot_general3A_24 {dimension_numbers = #tpu.dot_dimension_numbers<[1], [0], [0], [1], [0, 0, 1, 1], [], []>, transpose_lhs_hint = false} : vector<1x128xf32>, vector<128x128xf32>, vector<1x128xf32> -> vector<1x128xf32>
    %swap3A_26 = arith.constant 0 : index
    %swap3A_27 = arith.constant 0 : index
    %swap3A_28 = vector.load %arg6[%swap3A_26, %swap3A_27] : memref<1x128xf32, #tpu.memory_space<vmem>>, vector<1x128xf32>
    tpu.vector_store %arg6[%swap3A_26, %swap3A_27], %dot_general3A_25 {strides = array<i32>} : memref<1x128xf32, #tpu.memory_space<vmem>>, vector<1x128xf32>,
    %get3A_29 = arith.constant 0 : index
    %get3A_30 = arith.constant 0 : index
    %get3A_31 = vector.load %arg4[%get3A_29, %get3A_30] : memref<1x128xf32, #tpu.memory_space<vmem>>, vector<1x128xf32>
    %mul3A = arith.mulf %scan3A_7, %get3A_31 : vector<1x128xf32>
    %reduce_sum3A = vector.shape_cast %mul3A : vector<1x128xf32> to vector<1x1x128xf32>
    %reduce_sum3A_32 = arith.constant dense<0.000000e+00> : vector<1xf32>
    %reduce_sum3A_33 = vector.multi_reduction <add>, %reduce_sum3A, %reduce_sum3A_32 [1, 2] : vector<1x1x128xf32> to vector<1xf32>
    %reduce_sum3A_34 = vector.shape_cast %reduce_sum3A_33 : vector<1xf32> to vector<1x1x1xf32>
    %reduce_sum3A_35 = vector.extract %reduce_sum3A_34[0, 0, 0] : f32 from vector<1x1x1xf32>
    %add3A = arith.addf %reduce_sum3A_35, %scan3A_14 : f32
    %swap3A_36 = arith.constant 0 : index
    %swap3A_37 = arith.constant 0 : index
    %swap3A_38 = memref.load %arg7[%swap3A_36, %swap3A_37] : memref<1x1xf32, #tpu.memory_space<smem>>
    memref.store %add3A, %arg7[%swap3A_36, %swap3A_37] : memref<1x1xf32, #tpu.memory_space<smem>>
    return
  }
}

module attributes {stable_mosaic.version = 14 : i64} {
  func.func @_dense_tail_body(%arg0: i32, %arg1: memref<2x640x128xf32, #tpu.memory_space<vmem>>, %arg2: memref<640x128xf32, #tpu.memory_space<vmem>>, %arg3: memref<128x128xf32, #tpu.memory_space<vmem>>, %arg4: memref<128x128xf32, #tpu.memory_space<vmem>>, %arg5: memref<1x128xf32, #tpu.memory_space<vmem>>, %arg6: memref<1x128xf32, #tpu.memory_space<vmem>>, %arg7: memref<1x128xf32, #tpu.memory_space<vmem>>, %arg8: memref<640x128xf32, #tpu.memory_space<vmem>>, %arg9: memref<640x2xf32, #tpu.memory_space<vmem>>) attributes {dimension_semantics = [#tpu.dimension_semantics<arbitrary>], iteration_bounds = array<i64: 16>, scalar_prefetch = 0 : i64, scratch_operands = 0 : i64, tpu.core_type = #tpu.core_type<tc>, window_params = [{transform_indices = @transform_0, window_bounds = array<i64: 2, 640, 128>}, {transform_indices = @transform_1, window_bounds = array<i64: 640, 128>}, {pipeline_mode = #tpu.pipeline_mode<synchronous>, transform_indices = @transform_2, window_bounds = array<i64: 128, 128>}, {pipeline_mode = #tpu.pipeline_mode<synchronous>, transform_indices = @transform_3, window_bounds = array<i64: 128, 128>}, {pipeline_mode = #tpu.pipeline_mode<synchronous>, transform_indices = @transform_4, window_bounds = array<i64: 1, 128>}, {pipeline_mode = #tpu.pipeline_mode<synchronous>, transform_indices = @transform_5, window_bounds = array<i64: 1, 128>}, {pipeline_mode = #tpu.pipeline_mode<synchronous>, transform_indices = @transform_6, window_bounds = array<i64: 1, 128>}, {transform_indices = @transform_7, window_bounds = array<i64: 640, 128>}, {transform_indices = @transform_8, window_bounds = array<i64: 640, 2>}]} {
    %get3A = arith.constant 0 : index
    %get3A_0 = arith.constant 0 : index
    %get3A_1 = arith.constant 0 : index
    %get3A_2 = vector.load %arg1[%get3A, %get3A_0, %get3A_1] : memref<2x640x128xf32, #tpu.memory_space<vmem>>, vector<1x640x128xf32>
    %get3A_3 = vector.shape_cast %get3A_2 : vector<1x640x128xf32> to vector<640x128xf32>
    %get3A_4 = arith.constant 1 : index
    %get3A_5 = arith.constant 0 : index
    %get3A_6 = arith.constant 0 : index
    %get3A_7 = vector.load %arg1[%get3A_4, %get3A_5, %get3A_6] : memref<2x640x128xf32, #tpu.memory_space<vmem>>, vector<1x640x128xf32>
    %get3A_8 = vector.shape_cast %get3A_7 : vector<1x640x128xf32> to vector<640x128xf32>
    %add3A = arith.addf %get3A_3, %get3A_8 : vector<640x128xf32>
    %get3A_9 = arith.constant 0 : index
    %get3A_10 = arith.constant 0 : index
    %get3A_11 = vector.load %arg3[%get3A_9, %get3A_10] : memref<128x128xf32, #tpu.memory_space<vmem>>, vector<128x128xf32>
    %dot_general3A = arith.constant dense<0.000000e+00> : vector<640x128xf32>
    %dot_general3A_12 = tpu.matmul %add3A, %get3A_11, %dot_general3A {dimension_numbers = #tpu.dot_dimension_numbers<[1], [0], [0], [1], [0, 0, 1, 1], [], []>, transpose_lhs_hint = false} : vector<640x128xf32>, vector<128x128xf32>, vector<640x128xf32> -> vector<640x128xf32>
    %get3A_13 = arith.constant 0 : index
    %get3A_14 = arith.constant 0 : index
    %get3A_15 = vector.load %arg2[%get3A_13, %get3A_14] : memref<640x128xf32, #tpu.memory_space<vmem>>, vector<640x128xf32>
    %get3A_16 = arith.constant 0 : index
    %get3A_17 = arith.constant 0 : index
    %get3A_18 = vector.load %arg4[%get3A_16, %get3A_17] : memref<128x128xf32, #tpu.memory_space<vmem>>, vector<128x128xf32>
    %dot_general3A_19 = arith.constant dense<0.000000e+00> : vector<640x128xf32>
    %dot_general3A_20 = tpu.matmul %get3A_15, %get3A_18, %dot_general3A_19 {dimension_numbers = #tpu.dot_dimension_numbers<[1], [0], [0], [1], [0, 0, 1, 1], [], []>, transpose_lhs_hint = false} : vector<640x128xf32>, vector<128x128xf32>, vector<640x128xf32> -> vector<640x128xf32>
    %add3A_21 = arith.addf %dot_general3A_12, %dot_general3A_20 : vector<640x128xf32>
    %get3A_22 = arith.constant 0 : index
    %get3A_23 = arith.constant 0 : index
    %get3A_24 = vector.load %arg5[%get3A_22, %get3A_23] : memref<1x128xf32, #tpu.memory_space<vmem>>, vector<1x128xf32>
    %add3A_25 = vector.broadcast %get3A_24 : vector<1x128xf32> to vector<640x128xf32>
    %add3A_26 = arith.addf %add3A_21, %add3A_25 : vector<640x128xf32>
    %max3A = arith.constant 0.000000e+00 : f32
    %max3A_27 = vector.broadcast %max3A : f32 to vector<640x128xf32>
    %max3A_28 = arith.maximumf %add3A_26, %max3A_27 : vector<640x128xf32>
    %swap3A = arith.constant 0 : index
    %swap3A_29 = arith.constant 0 : index
    %swap3A_30 = vector.load %arg8[%swap3A, %swap3A_29] : memref<640x128xf32, #tpu.memory_space<vmem>>, vector<640x128xf32>
    tpu.vector_store %arg8[%swap3A, %swap3A_29], %max3A_28 {strides = array<i32>} : memref<640x128xf32, #tpu.memory_space<vmem>>, vector<640x128xf32>,
    %get3A_31 = arith.constant 0 : index
    %get3A_32 = arith.constant 0 : index
    %get3A_33 = vector.load %arg6[%get3A_31, %get3A_32] : memref<1x128xf32, #tpu.memory_space<vmem>>, vector<1x128xf32>
    %mul3A = vector.broadcast %get3A_33 : vector<1x128xf32> to vector<640x128xf32>
    %mul3A_34 = arith.mulf %max3A_28, %mul3A : vector<640x128xf32>
    %reduce_sum3A = arith.constant dense<0.000000e+00> : vector<640xf32>
    %reduce_sum3A_35 = vector.multi_reduction <add>, %mul3A_34, %reduce_sum3A [1] : vector<640x128xf32> to vector<640xf32>
    %broadcast_in_dim3A = vector.shape_cast %reduce_sum3A_35 : vector<640xf32> to vector<640x1xf32>
    %get3A_36 = arith.constant 0 : index
    %get3A_37 = arith.constant 0 : index
    %get3A_38 = vector.load %arg7[%get3A_36, %get3A_37] : memref<1x128xf32, #tpu.memory_space<vmem>>, vector<1x128xf32>
    %mul3A_39 = vector.broadcast %get3A_38 : vector<1x128xf32> to vector<640x128xf32>
    %mul3A_40 = arith.mulf %max3A_28, %mul3A_39 : vector<640x128xf32>
    %reduce_sum3A_41 = arith.constant dense<0.000000e+00> : vector<640xf32>
    %reduce_sum3A_42 = vector.multi_reduction <add>, %mul3A_40, %reduce_sum3A_41 [1] : vector<640x128xf32> to vector<640xf32>
    %broadcast_in_dim3A_43 = vector.shape_cast %reduce_sum3A_42 : vector<640xf32> to vector<640x1xf32>
    %concatenate3A = tpu.concatenate %broadcast_in_dim3A, %broadcast_in_dim3A_43 in 1 : vector<640x1xf32>, vector<640x1xf32> -> vector<640x2xf32>
    %swap3A_44 = arith.constant 0 : index
    %swap3A_45 = arith.constant 0 : index
    %swap3A_46 = vector.load %arg9[%swap3A_44, %swap3A_45] : memref<640x2xf32, #tpu.memory_space<vmem>>, vector<640x2xf32>
    tpu.vector_store %arg9[%swap3A_44, %swap3A_45], %concatenate3A {strides = array<i32>} : memref<640x2xf32, #tpu.memory_space<vmem>>, vector<640x2xf32>,
    return
  }
  func.func @transform_0(%arg0: i32) -> (i32, i32, i32) {
    %c0_i32 = arith.constant 0 : i32
    %c0_i32_0 = arith.constant 0 : i32
    %c0_i32_1 = arith.constant 0 : i32
    return %c0_i32, %arg0, %c0_i32_0 : i32, i32, i32
  }
  func.func @transform_1(%arg0: i32) -> (i32, i32) {
    %c0_i32 = arith.constant 0 : i32
    %c0_i32_0 = arith.constant 0 : i32
    return %arg0, %c0_i32 : i32, i32
  }
  func.func @transform_2(%arg0: i32) -> (i32, i32) {
    %c0_i32 = arith.constant 0 : i32
    %c0_i32_0 = arith.constant 0 : i32
    %c0_i32_1 = arith.constant 0 : i32
    return %c0_i32, %c0_i32_0 : i32, i32
  }
  func.func @transform_3(%arg0: i32) -> (i32, i32) {
    %c0_i32 = arith.constant 0 : i32
    %c0_i32_0 = arith.constant 0 : i32
    %c0_i32_1 = arith.constant 0 : i32
    return %c0_i32, %c0_i32_0 : i32, i32
  }
  func.func @transform_4(%arg0: i32) -> (i32, i32) {
    %c0_i32 = arith.constant 0 : i32
    %c0_i32_0 = arith.constant 0 : i32
    %c0_i32_1 = arith.constant 0 : i32
    return %c0_i32, %c0_i32_0 : i32, i32
  }
  func.func @transform_5(%arg0: i32) -> (i32, i32) {
    %c0_i32 = arith.constant 0 : i32
    %c0_i32_0 = arith.constant 0 : i32
    %c0_i32_1 = arith.constant 0 : i32
    return %c0_i32, %c0_i32_0 : i32, i32
  }
  func.func @transform_6(%arg0: i32) -> (i32, i32) {
    %c0_i32 = arith.constant 0 : i32
    %c0_i32_0 = arith.constant 0 : i32
    %c0_i32_1 = arith.constant 0 : i32
    return %c0_i32, %c0_i32_0 : i32, i32
  }
  func.func @transform_7(%arg0: i32) -> (i32, i32) {
    %c0_i32 = arith.constant 0 : i32
    %c0_i32_0 = arith.constant 0 : i32
    return %arg0, %c0_i32 : i32, i32
  }
  func.func @transform_8(%arg0: i32) -> (i32, i32) {
    %c0_i32 = arith.constant 0 : i32
    %c0_i32_0 = arith.constant 0 : i32
    return %arg0, %c0_i32 : i32, i32
  }
}

module attributes {stable_mosaic.version = 14 : i64} {
  func.func @_combine_body(%arg0: memref<32x240xf32, #tpu.memory_space<vmem>>, %arg1: memref<1x1xf32, #tpu.memory_space<smem>>, %arg2: memref<1x64xf32, #tpu.memory_space<vmem>>) attributes {dimension_semantics = [], scalar_prefetch = 0 : i64, scratch_operands = 0 : i64, tpu.core_type = #tpu.core_type<tc>} {
    %get3A = arith.constant 0 : index
    %get3A_0 = arith.constant 0 : index
    %get3A_1 = vector.load %arg0[%get3A, %get3A_0] : memref<32x240xf32, #tpu.memory_space<vmem>>, vector<32x240xf32>
    %reduce_sum3A = arith.constant dense<0.000000e+00> : vector<240xf32>
    %reduce_sum3A_2 = vector.multi_reduction <add>, %get3A_1, %reduce_sum3A [0] : vector<32x240xf32> to vector<240xf32>
    %broadcast_in_dim3A = vector.shape_cast %reduce_sum3A_2 : vector<240xf32> to vector<1x240xf32>
    %slice3A = vector.extract_strided_slice %broadcast_in_dim3A {offsets = [0, 0], sizes = [1, 64], strides = [1, 1]} : vector<1x240xf32> to vector<1x64xf32>
    %slice3A_3 = vector.extract_strided_slice %broadcast_in_dim3A {offsets = [0, 80], sizes = [1, 64], strides = [1, 1]} : vector<1x240xf32> to vector<1x64xf32>
    %slice3A_4 = vector.extract_strided_slice %broadcast_in_dim3A {offsets = [0, 160], sizes = [1, 64], strides = [1, 1]} : vector<1x240xf32> to vector<1x64xf32>
    %add3A = arith.addf %slice3A, %slice3A_3 : vector<1x64xf32>
    %get3A_5 = arith.constant 0 : index
    %get3A_6 = arith.constant 0 : index
    %get3A_7 = memref.load %arg1[%get3A_5, %get3A_6] : memref<1x1xf32, #tpu.memory_space<smem>>
    %mul3A = vector.broadcast %get3A_7 : f32 to vector<1x64xf32>
    %mul3A_8 = arith.mulf %slice3A_4, %mul3A : vector<1x64xf32>
    %add3A_9 = arith.addf %add3A, %mul3A_8 : vector<1x64xf32>
    %max3A = arith.constant 1.000000e+00 : f32
    %max3A_10 = vector.broadcast %max3A : f32 to vector<1x64xf32>
    %max3A_11 = arith.maximumf %slice3A_4, %max3A_10 : vector<1x64xf32>
    %div3A = arith.divf %add3A_9, %max3A_11 : vector<1x64xf32>
    %swap3A = arith.constant 0 : index
    %swap3A_12 = arith.constant 0 : index
    %swap3A_13 = vector.load %arg2[%swap3A, %swap3A_12] : memref<1x64xf32, #tpu.memory_space<vmem>>, vector<1x64xf32>
    tpu.vector_store %arg2[%swap3A, %swap3A_12], %div3A {strides = array<i32>} : memref<1x64xf32, #tpu.memory_space<vmem>>, vector<1x64xf32>,
    return
  }
}

</mosaic_0001>

<sc_bundles>
// kernel: kernel.12.cloned.1.call-start
scs
__scs_entry_jumppad:
0x0: {  	(pc) =	sbr.rel $0x88, $3  }
0x1: {  	(tag) =	ssettag $0x0;
	lr =	simm.s32 $0x1  }
0x2: {  	[smem:$0x3F93] =	sst lr;
	_ =	strace $0xD0000000  }
0x3: {  	_ = 	snop  }
0x4: {  	_ = 	snop  }
0x5: {  	_ = 	snop  }
0x6: {  	_ = 	snop  }
0x7: {  	_ = 	snop  }
__scs_overlays_trampoline_lowered:
0x8: {  	[smem:$0x3FA2] =	sst s0  }
0x9: {  	[smem:$0x3FA3] =	sst s1  }
0xa: {  	[smem:$0x3FA4] =	sst s2  }
0xb: {  	[smem:$0x3FA5] =	sst s3  }
0xc: {  	[smem:$0x3FA6] =	sst s4  }
0xd: {  	[smem:$0x3FA7] =	sst s5  }
0xe: {  	[smem:$0x3FA8] =	sst s6  }
0xf: {  	[smem:$0x3FA9] =	sst s7  }
0x10: {  	[smem:$0x3FAA] =	sst s8  }
0x11: {  	[smem:$0x3FAB] =	sst s9;
	s0 =	simm.s32 @!p0 $0x0  }
0x12: {  	s1 =	sld [smem:$0x3F91];
	s0 =	simm.s32 @p0 $0x1  }
0x13: {  	[smem:$0x3FAC] =	sst s0;
	s0 =	simm.s32 @!p1 $0x0  }
0x14: {  	s2 =	sld [smem:$0x3F90];
	s0 =	simm.s32 @p1 $0x1  }
0x15: {  	[smem:$0x3FAD] =	sst s0;
	s0 =	simm.s32 @!p2 $0x0  }
0x16: {  	s3 =	sld [smem:$0x3FDB];
	s0 =	simm.s32 @p2 $0x1  }
0x17: {  	s4 =	simm.s32 $0x1BF5;
	[smem:$0x3FAF] =	sst s0  }
0x18: {  	s0 =	sld [smem:$0x3F92];
	_ =	swait.ge [sflag:s4], $0x0  }
0x19: {  	s7 =	sld [smem:$0x3F93]  }
0x1a: {  	s8 =	sadd.s32 $0xFFFFE003, lr  }
0x1b: {  	s9 =	sadd.s32 $0xFFFFFEF7, lr;
	s5 =	simm.s32 $0xFFFFFFFF;
	p2 =	slt.u32 s8, $0xFFFFF086  }
0x1c: {  	p1 =	slt.u32 s9, $0xF7A;
	s5 =	simm.s32 @!p2 $0x0  }
0x1d: {  	s5 =	simm.s32 @p1 $0x1;
	p0 =	seq.s32 s7, s2  }
0x1e: {  	s7 =	smul.u32 @!p0 $0xF7A, s2;
	p2 =	seq.s32 @!p0 s5, $0x0  }
0x1f: {  	s9 =	smul.u32 $0xF7A, s1;
	s8 =	simm.s32 @!p0 $0x1BF5;
	p2 =	por !p2, p0  }
0x20: {  	[sflag:s8] =	ssyncset.s32 @!p0 $0xFFFFF086;
	s6 =	sadd.s32 @!p0 s3, s7;
	s7 =	simm.s32 @!p0 $0x108  }
0x21: {  	s3 =	sadd.s32 s3, s9;
	s6 =	sadd.s32 @!p0 $0x88, s6;
	s7 =	simm.s32 @p2 $0x1082  }
0x22: {  	[simem:s7], [sflag:s8] =	dma.local @!p0 [hbm:s6], $0xF7A  }
0x23: {  	s9 =	sor.u32 $0xD0000000, s2;
	s6 =	simm.s32 $0x108;
	_ =	swait.ge @!p0 [sflag:s8], $0x0  }
0x24: {  	s3 =	sadd.s32 $0x88, s3;
	s6 =	simm.s32 @!p1 $0x1082;
	[sflag:s4] =	ssyncset.s32 $0xFFFFF086  }
0x25: {  	[simem:s6], [sflag:s4] =	dma.local [hbm:s3], $0xF7A  }
0x26: {  	[smem:$0x3F93] =	sst s1;
	(tag) =	ssettag s2;
	_ =	strace s9  }
0x27: {  	s1 =	sld [smem:$0x3FA3]  }
0x28: {  	s2 =	sld [smem:$0x3FA4]  }
0x29: {  	s4 =	sld [smem:$0x3FA6]  }
0x2a: {  	p0 =	seq.s32 s5, $0x0;
	s5 =	sld [smem:$0x3FA7]  }
0x2b: {  	s6 =	sld [smem:$0x3FA8]  }
0x2c: {  	s7 =	sld [smem:$0x3FA9]  }
0x2d: {  	s3 =	simm.s32 $0x108;
	s8 =	sld [smem:$0x3FAA]  }
0x2e: {  	s3 =	simm.s32 @!p0 $0x1082;
	s9 =	sld [smem:$0x3FAB]  }
0x2f: {  	lr =	sadd.s32 s0, s3;
	s0 =	sld [smem:$0x3FA2]  }
0x30: {  	s3 =	sld [smem:$0x3FA5]  }
0x31: {  	[smem:$0x3FAE] =	sst s10  }
0x32: {  	s10 =	sld [smem:$0x3FAC];
	_ =	sdelay $0x3  }
0x33: {  	p0 =	seq.s32 s10, $0x1;
	s10 =	sld [smem:$0x3FAE];
	_ =	sdelay $0x3  }
0x34: {  	[smem:$0x3FAE] =	sst s10  }
0x35: {  	s10 =	sld [smem:$0x3FAD];
	_ =	sdelay $0x3  }
0x36: {  	p1 =	seq.s32 s10, $0x1;
	s10 =	sld [smem:$0x3FAE];
	_ =	sdelay $0x3  }
0x37: {  	[smem:$0x3FAE] =	sst s10  }
0x38: {  	s10 =	sld [smem:$0x3FAF]  }
0x39: {  	_ = 	snop;
	(pc) =	sbr.ind lr, $3  }
0x3a: {  	_ = 	snop  }
0x3b: {  	_ = 	snop  }
0x3c: {  	p2 =	seq.s32 s10, $0x1;
	s10 =	sld [smem:$0x3FAE]  }
0x3d: {  	_ =	shalt  }
0x3e: {  	_ =	shalt  }
0x3f: {  	_ =	shalt  }
0x40: {  	_ =	shalt  }
0x41: {  	_ =	shalt  }
0x42: {  	_ =	shalt  }
0x43: {  	_ =	shalt  }
0x44: {  	_ =	shalt  }
0x45: {  	_ =	shalt  }
0x46: {  	_ =	shalt  }
0x47: {  	_ =	shalt  }
0x48: {  	_ =	shalt  }
0x49: {  	_ =	shalt  }
0x4a: {  	_ =	shalt  }
0x4b: {  	_ =	shalt  }
0x4c: {  	_ =	shalt  }
0x4d: {  	_ =	shalt  }
0x4e: {  	_ =	shalt  }
0x4f: {  	_ =	shalt  }
0x50: {  	_ =	shalt  }
0x51: {  	_ =	shalt  }
0x52: {  	_ =	shalt  }
0x53: {  	_ =	shalt  }
0x54: {  	_ =	shalt  }
0x55: {  	_ =	shalt  }
0x56: {  	_ =	shalt  }
0x57: {  	_ =	shalt  }
0x58: {  	_ =	shalt  }
0x59: {  	_ =	shalt  }
0x5a: {  	_ =	shalt  }
0x5b: {  	_ =	shalt  }
0x5c: {  	_ =	shalt  }
0x5d: {  	_ =	shalt  }
0x5e: {  	_ =	shalt  }
0x5f: {  	_ =	shalt  }
0x60: {  	_ =	shalt  }
0x61: {  	_ =	shalt  }
0x62: {  	_ =	shalt  }
0x63: {  	_ =	shalt  }
0x64: {  	_ =	shalt  }
0x65: {  	_ =	shalt  }
0x66: {  	_ =	shalt  }
0x67: {  	_ =	shalt  }
0x68: {  	_ =	shalt  }
0x69: {  	_ =	shalt  }
0x6a: {  	_ =	shalt  }
0x6b: {  	_ =	shalt  }
0x6c: {  	_ =	shalt  }
0x6d: {  	_ =	shalt  }
0x6e: {  	_ =	shalt  }
0x6f: {  	_ =	shalt  }
0x70: {  	_ =	shalt  }
0x71: {  	_ =	shalt  }
0x72: {  	_ =	shalt  }
0x73: {  	_ =	shalt  }
0x74: {  	_ =	shalt  }
0x75: {  	_ =	shalt  }
0x76: {  	_ =	shalt  }
0x77: {  	_ =	shalt  }
0x78: {  	_ =	shalt  }
0x79: {  	_ =	shalt  }
0x7a: {  	_ =	shalt  }
0x7b: {  	_ =	shalt  }
0x7c: {  	_ =	shalt  }
0x7d: {  	_ =	shalt  }
0x7e: {  	_ =	shalt  }
0x7f: {  	_ =	shalt  }
0x80: {  	_ =	shalt  }
0x81: {  	_ =	shalt  }
0x82: {  	_ =	shalt  }
0x83: {  	_ =	shalt  }
0x84: {  	_ =	shalt  }
0x85: {  	_ =	shalt  }
0x86: {  	_ =	shalt  }
0x87: {  	_ =	shalt  }
.Lfunc_end0:
.L_simem_size_0:
called_computation.1_lowered:
.L_overlay_start_0:
0x88: {  	s2 =	sld [smem:$0x3FD9]  }
0x89: {  	s3 =	sld [smem:$0x3FFE];
	_ =	sdelay $0x1  }
0x8a: {  	s1 =	srdreg.scid  }
0x8b: {  	s0 =	sand.u32 $0x1, s1  }
0x8c: {  	s16 =	sshll.u32 s0, $0xA;
	s2 =	sadd.s32 s3, s2  }
0x8d: {  	s2 =	sadd.s32 s2, s16  }
0x8e: {  	[smem:$0x3FBA] =	sst s2  }
0x8f: {  	_ = 	snop  }
0x90: {  	(tm) =	ssettm $0x1  }
0x91: {  	s17 =	sld [smem:$0x3FFB];
	_ =	sdelay $0x3  }
0x92: {  	_ =	strace s17  }
0x93: {  	s2 =	sld [smem:$0x3FFC];
	_ =	sdelay $0x3  }
0x94: {  	_ =	strace s2  }
0x95: {  	s2 =	sld [smem:$0x3FFD];
	_ =	sdelay $0x3  }
0x96: {  	_ =	strace s2  }
0x97: {  	_ =	strace $0x8FFFFFFF  }
0x98: {  	s18 =	sld [smem:$0x3FDB];
	_ =	sdelay $0x1  }
0x99: {  	s19 =	simm.s32 $_scs_section_size  }
0x9a: {  	s4 =	simm.s32 $_size__tile_overlayer_lowered;
	s5 =	simm.s32 $_tile_overlayer_lowered  }
0x9b: {  	s22 =	simm.s32 $0x1BFF;
	s21 =	sshll.u32 s5, $0x1;
	s2 =	sadd.s32 s19, s18  }
0x9c: {  	s6 =	simm.s32 $0x0;
	s20 =	sshll.u32 s4, $0x1;
	s4 =	sadd.s32 s21, s2  }
0x9d: {  	[timem:s6], [sflag:s22] =	dma.local [hbm:s4], s20  }
0x9e: {  	_ =	swait.ge [sflag:s22], s20  }
0x9f: {  	s3 =	ssub.s32 $0x0, s20;
	[sflag:s22] =	ssyncset.done $0x0  }
0xa0: {  	[sflag:s22] =	ssyncadd.s32 s3;
	_ =	sdelay $0x1  }
0xa1: {  	s23 =	simm.s32 $0x1B8B  }
0xa2: {  	_ =	swait.ge [sflag:s23], $0x1  }
0xa3: {  	[sflag:s23] =	ssyncset.done $0x0  }
0xa4: {  	s25 =	simm.s32 $0x1B8E;
	s24 =	sld [smem:$0x3FFE];
	[sflag:s23] =	ssyncadd.s32 $0xFFFFFFFF  }
0xa5: {  	s26 =	simm.s32 $execute0_lowered;
	[smem:$0x3FD2] =	sst s25  }
0xa6: {  	s4 =	sshll.u32 s26, $0x1;
	_ =	strace $0x80000049;
	[dreg:$0x1] =	wrdreg $0xFFFFFFFF  }
0xa7: {  	s28 =	simm.s32 $_size_execute0_lowered;
	s2 =	sadd.s32 s2, s4;
	[dreg:$0x0] =	wrdreg $0x0  }
0xa8: {  	s4 =	sshll.u32 s28, $0x1;
	[dreg:$0x2] =	wrdreg s2  }
0xa9: {  	[dreg:$0x3] =	wrdreg s4  }
0xaa: {  	[dreg:$0x4] =	wrdreg $0xC0  }
0xab: {  	_ =	task [dreg:s6], $0x5FFFF  }
0xac: {  	[dreg:$0x1] =	wrdreg $0xFFFFFFFF  }
0xad: {  	[dreg:$0x0] =	wrdreg $0x60  }
0xae: {  	[dreg:$0x2] =	wrdreg s24  }
0xaf: {  	[dreg:$0x3] =	wrdreg $0x0  }
0xb0: {  	[dreg:$0x4] =	wrdreg $0x9  }
0xb1: {  	_ =	task.clear_ibuf [dreg:s6], $0x5FFFF;
	_ =	strace $0x90000049  }
0xb2: {  	s29 =	simm.s32 $0x9;
	_ =	strace $0x8000004B  }
0xb3: {  	_ =	swait.ge [sflag:s29], $0x1  }
0xb4: {  	[sflag:s29] =	ssyncadd.s32 $0xFFFFFFFF  }
0xb5: {  	_ =	strace $0x9000004B  }
0xb6: {  	_ =	sfence  }
0xb7: {  	s30 =	sld [smem:$0x0];
	_ =	sdelay $0x2  }
0xb8: {  	s31 =	sshll.u32 s1, $0xD;
	s1 =	sshrl.u32 s1, $0x2  }
0xb9: {  	s3 =	sand.u32 $0x4000, s31;
	s1 =	sadd.s32 s1, s30  }
0xba: {  	s0 =	sor.u32 s3, s0;
	s1 =	sshll.u32 s1, $0x11  }
0xbb: {  	s0 =	sor.u32 s1, s0  }
0xbc: {  	s0 =	sadd.s32 $0x8F2B, s0  }
0xbd: {  	[sflag:s0] =	ssyncadd.remote.s32 $0x1  }
0xbe: {  	_ =	sfence.sel $0xFFFF  }
0xbf: {  	[dreg:$0x0] =	wrdreg $0xFFFFFFFF;
	(pc) =	sbr.abs _section_cstart, $3  }
0xc0: {  	[dreg:$0x1] =	wrdreg $0xFFFFFFFF  }
0xc1: {  	_ =	task.clear_ibuf [dreg:s6], $0x2FFFF;
	_ =	strace $0x9FFFFFFF  }
0xc2: {  	(tm) =	ssettm $0x7FFFFFFF  }
0xc3: {  	_ =	shalt  }
tec
execute0_lowered:
.L_overlay_start_1:
0x0: {  	(tag) =	ssettag $0x1  }
0x1: {  	s0 =	srdreg.scid;
	s5 =	rddreg [dreg:$0x0]  }
0x2: {  	s14 =	stileid.u32;
	s2 =	rddreg [dreg:$0x1]  }
0x3: {  	s30 =	simm.s32 $0x16900;
	s28 =	simm.s32 $0x5;
	s29 =	simm.s32 $0x3  }
0x4: {  	s31 =	simm.s32 $0x7;
	s0 =	sand.u32 $0x1, s0;
	s7 =	smul.u32 $0x2800, s14  }
0x5: {  	s1 =	sshll.u32 s14, $0x1;
	s3 =	sshrl.u32 s14, $0x2;
	s13 =	smul.u32 $0x50000, s14  }
0x6: {  	s9 =	sadd.s32 $0xCE00, s5;
	s10 =	sadd.s32 $0x3EE00, s5;
	s4 =	smul.u32 $0x14000, s3  }
0x7: {  	s17 =	sshll.u32 s14, $0x6;
	s1 =	sor.u32 s0, s1;
	s11 =	smul.u32 $0x28000, s0  }
0x8: {  	s3 =	simm.s32 $0x0;
	s12 =	ssub.s32 $0x2, s0;
	s0 =	smul.u32 $0x2800, s0  }
0x9: {  	s6 =	sshll.u32 s1, $0x7;
	[smem:$0x7FF] =	sst s3;
	s1 =	smul.u32 $0x2800, s1  }
0xa: {  	s15 =	sshrl.u32 s12, $0x1;
	s16 =	sshrl.u32 s13, $0x2;
	s6 =	sand.u32 $0x380, s6  }
0xb: {  	_ =	strace $0x8000004A;
	[dreg:$0x3] =	wrdreg s10;
	s12 =	ssub.s32 s12, s15  }
0xc: {  	s13 =	sadd.s32 s16, s2;
	s4 =	sor.u32 s4, s6;
	s1 =	sshrl.u32 s1, $0x3  }
0xd: {  	s23 =	smax.u32 s12, $0x1;
	s6 =	sshrl.u32 s4, $0x3;
	s4 =	sadd.s32 $0x16E00, s5  }
0xe: {  	s18 =	sadd.s32 s9, s1;
	[dreg:$0xa] =	wrdreg s23;
	s23 =	simm.s32 $0x16800  }
0xf: {  	s8 =	sadd.s32 s6, s5;
	s6 =	sadd.s32 s7, s11;
	s11 =	smul.u32 $0x5000, s14  }
0x10: {  	s20 =	sadd.s32 $0x8, s18;
	s22 =	sadd.s32 $0x10, s18;
	[dreg:$0x4] =	wrdreg s18  }
0x11: {  	s7 =	sadd.s32 $0x18, s18;
	s18 =	sshrl.u32 s13, $0x3;
	[dreg:$0x6] =	wrdreg s20  }
0x12: {  	s5 =	sadd.s32 s6, s5;
	s6 =	sor.u32 $0x1C09, s17;
	[dreg:$0x7] =	wrdreg s22  }
0x13: {  	s19 =	sadd.s32 $0x2E00, s8;
	[dreg:$0x8] =	wrdreg s7;
	s20 =	simm.s32 $0x4  }
0x14: {  	s8 =	simm.s32 $0x0;
	s0 =	sadd.s32 s0, s11;
	[dreg:$0x5] =	wrdreg s19  }
0x15: {  	s5 =	sadd.s32 $0x41600, s5;
	s19 =	simm.s32 $0x9;
	s21 =	sor.u32 $0x100, s0  }
0x16: {  	[dreg:$0x9] =	wrdreg s5;
	s24 =	sor.u32 $0x140, s0;
	s25 =	sor.u32 $0x180, s0  }
0x17: {  	s0 =	sor.u32 $0x1C0, s0;
	s1 =	sshrl.u32 s21, $0x3;
	s5 =	sshrl.u32 s25, $0x3  }
0x18: {  	s0 =	sshrl.u32 s0, $0x3;
	s25 =	simm.s32 $0x16A00;
	s1 =	sadd.s32 s1, s9  }
.Ltmp0:
0x19: {  	s26 =	sadd.s32 s5, s9;
	[dreg:$0xb] =	wrdreg s1;
	(pc) =	sbr.rel .LBB2_1-.Ltmp0, $4  }
0x1a: {  	s21 =	simm.s32 $0x1CA00;
	s0 =	sadd.s32 s0, s9;
	[dreg:$0xd] =	wrdreg s26  }
0x1b: {  	s5 =	simm.s32 $0x8;
	s1 =	sshrl.u32 s24, $0x3;
	[dreg:$0xe] =	wrdreg s0  }
0x1c: {  	s24 =	simm.s32 $0x40;
	s0 =	simm.s32 $0x16980;
	s1 =	sadd.s32 s1, s9  }
0x1d: {  	s26 =	simm.s32 $0x1;
	[dreg:$0xc] =	wrdreg s1;
	s1 =	simm.s32 $0x1AA00  }
.LBB2_4:
0x1e: {  	_ =	swait.ge [sflag:s20], $0x2000  }
0x1f: {  	[sflag:s20] =	ssyncset.done $0x0  }
0x20: {  	[sflag:s20] =	ssyncadd.s32 $0xFFFFE000  }
0x21: {  	_ =	swait.ge [sflag:s5], $0x40  }
0x22: {  	[sflag:s5] =	ssyncset.done $0x0  }
0x23: {  	[sflag:s5] =	ssyncadd.s32 $0xFFFFFFC0  }
0x24: {  	[spmem:s2] =	stream.indirect.scatter.add.f32 [tilespmem:s21], [sflag:$0x9], $0x80, s0, s24, $0xb8;
	[tilespmem:$0x1EA00] =	vst v63  }
0x25: {  	_ =	swait.ge [sflag:s19], $0x2000  }
0x26: {  	[sflag:s19] =	ssyncset.done $0x0  }
0x27: {  	[sflag:s19] =	ssyncadd.s32 $0xFFFFE000  }
0x28: {  	[bflag:$0x0] =	sbarrier.arrive $0xFFFF  }
0x29: {  	s7 =	rddreg [dreg:$0x9]  }
0x2a: {  	[hbm:s7], [sflag:s6] =	dma.local [spmem:s18], $0x2800  }
0x2b: {  	_ =	swait.ge [sflag:s19], $0x2800  }
0x2c: {  	s8 =	sadd.s32 $0x1, s8;
	s22 =	rddreg [dreg:$0xa]  }
0x2d: {  	p0 =	sne.s32 s8, s22  }
.Ltmp1:
0x2e: {  	_ = 	snop;
	(pc) =	sbr.rel @!p0 .LBB2_5-.Ltmp1, $3  }
0x2f: {  	_ =	sdelay $0x1  }
0x30: {  	[sflag:s19] =	ssyncset.done $0x0  }
0x31: {  	[sflag:s19] =	ssyncadd.s32 $0xFFFFD800  }
.LBB2_1:
0x32: {  	s7 =	rddreg [dreg:$0x3]  }
0x33: {  	[spmem:s18], [sflag:s6] =	dma.local [hbm:s7], $0x2800  }
0x34: {  	_ =	swait.ge [sflag:s19], $0x2800  }
0x35: {  	[sflag:s19] =	ssyncset.done $0x0  }
0x36: {  	[sflag:s19] =	ssyncadd.s32 $0xFFFFD800  }
0x37: {  	s9 =	simm.s32 $0x80;
	[bflag:$0x0] =	sbarrier.arrive $0xFFFF  }
0x38: {  	s10 =	simm.s32 $0x400;
	s11 =	simm.s32 $0x14000;
	s22 =	rddreg [dreg:$0x5]  }
0x39: {  	[tilespmem:s11], [sflag:$0x9] =	stream.strided.gather [hbm4b:s22+s9], $0x2800, s10, s9, $0x38;
	[tilespmem:$0x1EA00] =	vst v63  }
0x3a: {  	_ =	swait.ge [sflag:s19], $0x2800  }
0x3b: {  	[sflag:s19] =	ssyncset.done $0x0  }
0x3c: {  	s10 =	rddreg [dreg:$0x4];
	[sflag:s19] =	ssyncadd.s32 $0xFFFFD800  }
0x3d: {  	[tilespmem:s23], [sflag:$0x5] =	stream.linear.gather [hbm4b:s10+s3], $0x40, $0x38;
	[tilespmem:$0x1EA00] =	vst v63  }
0x3e: {  	s15 =	rddreg [dreg:$0x7]  }
0x3f: {  	[tilespmem:s25], [sflag:$0x1] =	stream.indirect.gather [hbm4b:s4+s24], $0x80, s11, s24, $0xb8;
	[tilespmem:$0x1EA00] =	vst v63  }
0x40: {  	s12 =	simm.s32 $0x16880;
	s11 =	rddreg [dreg:$0x6]  }
0x41: {  	[tilespmem:s12], [sflag:$0x6] =	stream.linear.gather [hbm4b:s11+s3], $0x40, $0x38;
	[tilespmem:$0x1EA00] =	vst v63  }
0x42: {  	s13 =	simm.s32 $0x14040;
	s14 =	simm.s32 $0x18A00;
	s17 =	rddreg [dreg:$0x8]  }
0x43: {  	[tilespmem:s14], [sflag:$0x2] =	stream.indirect.gather [hbm4b:s4+s24], $0x80, s13, s24, $0xb8;
	[tilespmem:$0x1EA00] =	vst v63  }
0x44: {  	s14 =	rddreg [dreg:$0xb]  }
0x45: {  	[tilespmem:s30], [sflag:$0x7] =	stream.linear.gather [hbm4b:s15+s3], $0x40, $0x38;
	[tilespmem:$0x1EA00] =	vst v63  }
0x46: {  	s16 =	simm.s32 $0x14080;
	s15 =	rddreg [dreg:$0xc]  }
0x47: {  	[tilespmem:s1], [sflag:$0x3] =	stream.indirect.gather [hbm4b:s4+s24], $0x80, s16, s24, $0xb8;
	[tilespmem:$0x1EA00] =	vst v63  }
0x48: {  	s16 =	rddreg [dreg:$0xd]  }
0x49: {  	[tilespmem:s0], [sflag:$0x8] =	stream.linear.gather [hbm4b:s17+s3], $0x40, $0x38;
	[tilespmem:$0x1EA00] =	vst v63  }
0x4a: {  	s22 =	simm.s32 $0x140C0;
	s13 =	simm.s32 $0x0;
	s17 =	rddreg [dreg:$0xe]  }
0x4b: {  	[tilespmem:s21], [sflag:$0x4] =	stream.indirect.gather [hbm4b:s4+s24], $0x80, s22, s24, $0xb8;
	[tilespmem:$0x1EA00] =	vst v63  }
.LBB2_2:
0x4c: {  	_ =	swait.ge [sflag:s26], $0x2000  }
0x4d: {  	[sflag:s26] =	ssyncset.done $0x0  }
0x4e: {  	[sflag:s26] =	ssyncadd.s32 $0xFFFFE000  }
0x4f: {  	_ =	swait.ge [sflag:s28], $0x40  }
0x50: {  	[sflag:s28] =	ssyncset.done $0x0  }
0x51: {  	[sflag:s28] =	ssyncadd.s32 $0xFFFFFFC0  }
0x52: {  	[spmem:s2] =	stream.indirect.scatter.add.f32 [tilespmem:s25], [sflag:$0x9], $0x80, s23, s24, $0xb8;
	[tilespmem:$0x1EA00] =	vst v63  }
0x53: {  	_ =	swait.ge [sflag:s19], $0x2000  }
0x54: {  	p0 =	seq.s32 s13, $0x9C00;
	[sflag:s19] =	ssyncset.done $0x0  }
0x55: {  	s12 =	simm.s32 @p0 $0x2;
	[sflag:s19] =	ssyncadd.s32 $0xFFFFE000  }
0x56: {  	_ =	swait.ge @p0 [sflag:s12], $0x2000  }
0x57: {  	[sflag:s12] =	ssyncset.done @p0 $0x0  }
0x58: {  	[sflag:s12] =	ssyncadd.s32 @p0 $0xFFFFE000;
	s12 =	simm.s32 @p0 $0x6  }
0x59: {  	_ =	swait.ge @p0 [sflag:s12], $0x40  }
0x5a: {  	s7 =	simm.s32 @p0 $0x16880;
	[sflag:s12] =	ssyncset.done @p0 $0x0  }
0x5b: {  	s11 =	simm.s32 @p0 $0x18A00;
	[sflag:s12] =	ssyncadd.s32 @p0 $0xFFFFFFC0;
	s12 =	simm.s32 @p0 $0x40  }
0x5c: {  	[spmem:s2] =	stream.indirect.scatter.add.f32 @p0 [tilespmem:s11], [sflag:$0x9], $0x80, s7, s12, $0xb8;
	[tilespmem:$0x1EA00] =	vst v63  }
0x5d: {  	s7 =	simm.s32 @p0 $0x9  }
0x5e: {  	_ =	swait.ge @p0 [sflag:s7], $0x2000  }
0x5f: {  	[sflag:s7] =	ssyncset.done @p0 $0x0  }
0x60: {  	s11 =	simm.s32 @!p0 $0x16800;
	[sflag:s7] =	ssyncadd.s32 @p0 $0xFFFFE000;
	s7 =	simm.s32 @!p0 $0x0  }
0x61: {  	[tilespmem:s11], [sflag:$0x5] =	stream.linear.gather @!p0 [hbm4b:s14+s7], $0x40, $0x38;
	[tilespmem:$0x1EA00] =	vst v63  }
0x62: {  	s11 =	sshra.s32 @!p0 s13, $0x2  }
0x63: {  	s10 =	simm.s32 @!p0 $0x40;
	s9 =	simm.s32 @!p0 $0x16A00;
	s12 =	sadd.s32 @!p0 $0x14100, s11  }
0x64: {  	[tilespmem:s9], [sflag:$0x1] =	stream.indirect.gather @!p0 [hbm4b:s4+s10], $0x80, s12, s10, $0xb8;
	[tilespmem:$0x1EA00] =	vst v63  }
0x65: {  	s9 =	simm.s32 @!p0 $0x2  }
0x66: {  	_ =	swait.ge @!p0 [sflag:s9], $0x2000  }
0x67: {  	[sflag:s9] =	ssyncset.done @!p0 $0x0  }
0x68: {  	[sflag:s9] =	ssyncadd.s32 @!p0 $0xFFFFE000;
	s9 =	simm.s32 @!p0 $0x6  }
0x69: {  	_ =	swait.ge @!p0 [sflag:s9], $0x40  }
0x6a: {  	s22 =	simm.s32 @!p0 $0x9;
	[sflag:s9] =	ssyncset.done @!p0 $0x0  }
0x6b: {  	s12 =	simm.s32 @!p0 $0x18A00;
	[sflag:s9] =	ssyncadd.s32 @!p0 $0xFFFFFFC0;
	s9 =	simm.s32 @!p0 $0x16880  }
0x6c: {  	[spmem:s2] =	stream.indirect.scatter.add.f32 @!p0 [tilespmem:s12], [sflag:$0x9], $0x80, s9, s10, $0xb8;
	[tilespmem:$0x1EA00] =	vst v63  }
0x6d: {  	_ =	swait.ge @!p0 [sflag:s22], $0x2000  }
0x6e: {  	[sflag:s22] =	ssyncset.done @!p0 $0x0  }
0x6f: {  	[sflag:s22] =	ssyncadd.s32 @!p0 $0xFFFFE000  }
0x70: {  	[tilespmem:s9], [sflag:$0x6] =	stream.linear.gather @!p0 [hbm4b:s15+s7], $0x40, $0x38;
	[tilespmem:$0x1EA00] =	vst v63  }
0x71: {  	s7 =	sadd.s32 @!p0 $0x14140, s11  }
0x72: {  	[tilespmem:s12], [sflag:$0x2] =	stream.indirect.gather @!p0 [hbm4b:s4+s10], $0x80, s7, s10, $0xb8;
	[tilespmem:$0x1EA00] =	vst v63  }
0x73: {  	_ =	swait.ge [sflag:s29], $0x2000  }
0x74: {  	[sflag:s29] =	ssyncset.done $0x0  }
0x75: {  	[sflag:s29] =	ssyncadd.s32 $0xFFFFE000  }
0x76: {  	_ =	swait.ge [sflag:s31], $0x40  }
0x77: {  	[sflag:s31] =	ssyncset.done $0x0  }
.Ltmp2:
0x78: {  	[sflag:s31] =	ssyncadd.s32 $0xFFFFFFC0;
	(pc) =	sbr.rel @p0 .LBB2_4-.Ltmp2, $4  }
0x79: {  	[spmem:s2] =	stream.indirect.scatter.add.f32 [tilespmem:s1], [sflag:$0x9], $0x80, s30, s24, $0xb8;
	[tilespmem:$0x1EA00] =	vst v63  }
0x7a: {  	_ =	swait.ge [sflag:s19], $0x2000  }
0x7b: {  	[sflag:s19] =	ssyncset.done $0x0  }
0x7c: {  	[sflag:s19] =	ssyncadd.s32 $0xFFFFE000  }
0x7d: {  	[tilespmem:s30], [sflag:$0x7] =	stream.linear.gather [hbm4b:s16+s3], $0x40, $0x38;
	[tilespmem:$0x1EA00] =	vst v63  }
0x7e: {  	s7 =	sshra.s32 s13, $0x2  }
0x7f: {  	s9 =	sadd.s32 $0x14180, s7  }
0x80: {  	[tilespmem:s1], [sflag:$0x3] =	stream.indirect.gather [hbm4b:s4+s24], $0x80, s9, s24, $0xb8;
	[tilespmem:$0x1EA00] =	vst v63  }
0x81: {  	_ =	swait.ge [sflag:s20], $0x2000  }
0x82: {  	[sflag:s20] =	ssyncset.done $0x0  }
0x83: {  	[sflag:s20] =	ssyncadd.s32 $0xFFFFE000  }
0x84: {  	_ =	swait.ge [sflag:s5], $0x40  }
0x85: {  	[sflag:s5] =	ssyncset.done $0x0  }
0x86: {  	[sflag:s5] =	ssyncadd.s32 $0xFFFFFFC0  }
0x87: {  	[spmem:s2] =	stream.indirect.scatter.add.f32 [tilespmem:s21], [sflag:$0x9], $0x80, s0, s24, $0xb8;
	[tilespmem:$0x1EA00] =	vst v63  }
0x88: {  	_ =	swait.ge [sflag:s19], $0x2000  }
.Ltmp3:
0x89: {  	s13 =	sadd.s32 $0x400, s13;
	[sflag:s19] =	ssyncset.done $0x0;
	(pc) =	sbr.rel .LBB2_2-.Ltmp3, $4  }
0x8a: {  	s14 =	sadd.s32 $0x20, s14;
	s15 =	sadd.s32 $0x20, s15;
	[sflag:s19] =	ssyncadd.s32 $0xFFFFE000  }
0x8b: {  	[tilespmem:s0], [sflag:$0x8] =	stream.linear.gather [hbm4b:s17+s3], $0x40, $0x38;
	[tilespmem:$0x1EA00] =	vst v63  }
0x8c: {  	s16 =	sadd.s32 $0x20, s16;
	s7 =	sadd.s32 $0x141C0, s7;
	s17 =	sadd.s32 $0x20, s17  }
0x8d: {  	[tilespmem:s21], [sflag:$0x4] =	stream.indirect.gather [hbm4b:s4+s24], $0x80, s7, s24, $0xb8;
	[tilespmem:$0x1EA00] =	vst v63  }
.LBB2_5:
0x8e: {  	_ =	sfence.sel $0x180000  }
0x8f: {  	[bflag:$0x0] =	sbarrier.arrive $0xFFFF  }
0x90: {  	_ =	strace $0x9000004A  }
0x91: {  	s0 =	stileid.u32;
	[bflag:$0x2] =	sbarrier.arrive $0xFFFF  }
0x92: {  	p0 =	sne.s32 s0, $0x0;
	s0 =	rddreg [dreg:$0x2]  }
0x93: {  	s0 =	sadd.s32 @!p0 $0x100000, s0  }
0x94: {  	[sflag:s0] =	ssyncadd.tile.s32 @!p0 $0x1;
	_ =	shalt  }
.Lfunc_end2:
_tile_overlayer_lowered:
.L_overlay_start_2:
0x95: {  	(tag) =	ssettag $0x2  }
0x96: {  	s0 =	rddreg [dreg:$0x0];
	s2 =	stileid.u32  }
0x97: {  	s1 =	rddreg [dreg:$0x1];
	p0 =	sne.s32 s2, $0x0  }
0x98: {  	s3 =	rddreg [dreg:$0x2];
	[bflag:$0x3] =	sbarrier.arrive $0xFFFF;
	s2 =	simm.s32 @!p0 $0x1C09  }
0x99: {  	[timem:s3], [sflag:s2] =	dma.local @!p0 [hbm:s0], s1  }
0x9a: {  	s0 =	simm.s32 @!p0 $0x9  }
0x9b: {  	_ =	swait.ge @!p0 [sflag:s0], s1  }
0x9c: {  	s1 =	ssub.s32 @!p0 $0x0, s1;
	[sflag:s0] =	ssyncset.done @!p0 $0x0  }
0x9d: {  	[sflag:s0] =	ssyncadd.s32 @!p0 s1  }
0x9e: {  	[bflag:$0x3] =	sbarrier.arrive $0xFFFF  }
0x9f: {  	_ =	shalt  }

// kernel: kernel.15.cloned.1.call-start
scs
__scs_entry_jumppad:
0x0: {  	(pc) =	sbr.rel $0x88, $3  }
0x1: {  	(tag) =	ssettag $0x0;
	lr =	simm.s32 $0x1  }
0x2: {  	[smem:$0x3F93] =	sst lr;
	_ =	strace $0xD0000000  }
0x3: {  	_ = 	snop  }
0x4: {  	_ = 	snop  }
0x5: {  	_ = 	snop  }
0x6: {  	_ = 	snop  }
0x7: {  	_ = 	snop  }
__scs_overlays_trampoline_lowered:
0x8: {  	[smem:$0x3FA2] =	sst s0  }
0x9: {  	[smem:$0x3FA3] =	sst s1  }
0xa: {  	[smem:$0x3FA4] =	sst s2  }
0xb: {  	[smem:$0x3FA5] =	sst s3  }
0xc: {  	[smem:$0x3FA6] =	sst s4  }
0xd: {  	[smem:$0x3FA7] =	sst s5  }
0xe: {  	[smem:$0x3FA8] =	sst s6  }
0xf: {  	[smem:$0x3FA9] =	sst s7  }
0x10: {  	[smem:$0x3FAA] =	sst s8  }
0x11: {  	[smem:$0x3FAB] =	sst s9;
	s0 =	simm.s32 @!p0 $0x0  }
0x12: {  	s1 =	sld [smem:$0x3F91];
	s0 =	simm.s32 @p0 $0x1  }
0x13: {  	[smem:$0x3FAC] =	sst s0;
	s0 =	simm.s32 @!p1 $0x0  }
0x14: {  	s2 =	sld [smem:$0x3F90];
	s0 =	simm.s32 @p1 $0x1  }
0x15: {  	[smem:$0x3FAD] =	sst s0;
	s0 =	simm.s32 @!p2 $0x0  }
0x16: {  	s3 =	sld [smem:$0x3FDB];
	s0 =	simm.s32 @p2 $0x1  }
0x17: {  	s4 =	simm.s32 $0x1BF5;
	[smem:$0x3FAF] =	sst s0  }
0x18: {  	s0 =	sld [smem:$0x3F92];
	_ =	swait.ge [sflag:s4], $0x0  }
0x19: {  	s7 =	sld [smem:$0x3F93]  }
0x1a: {  	s8 =	sadd.s32 $0xFFFFE003, lr  }
0x1b: {  	s9 =	sadd.s32 $0xFFFFFEF7, lr;
	s5 =	simm.s32 $0xFFFFFFFF;
	p2 =	slt.u32 s8, $0xFFFFF086  }
0x1c: {  	p1 =	slt.u32 s9, $0xF7A;
	s5 =	simm.s32 @!p2 $0x0  }
0x1d: {  	s5 =	simm.s32 @p1 $0x1;
	p0 =	seq.s32 s7, s2  }
0x1e: {  	s7 =	smul.u32 @!p0 $0xF7A, s2;
	p2 =	seq.s32 @!p0 s5, $0x0  }
0x1f: {  	s9 =	smul.u32 $0xF7A, s1;
	s8 =	simm.s32 @!p0 $0x1BF5;
	p2 =	por !p2, p0  }
0x20: {  	[sflag:s8] =	ssyncset.s32 @!p0 $0xFFFFF086;
	s6 =	sadd.s32 @!p0 s3, s7;
	s7 =	simm.s32 @!p0 $0x108  }
0x21: {  	s3 =	sadd.s32 s3, s9;
	s6 =	sadd.s32 @!p0 $0x88, s6;
	s7 =	simm.s32 @p2 $0x1082  }
0x22: {  	[simem:s7], [sflag:s8] =	dma.local @!p0 [hbm:s6], $0xF7A  }
0x23: {  	s9 =	sor.u32 $0xD0000000, s2;
	s6 =	simm.s32 $0x108;
	_ =	swait.ge @!p0 [sflag:s8], $0x0  }
0x24: {  	s3 =	sadd.s32 $0x88, s3;
	s6 =	simm.s32 @!p1 $0x1082;
	[sflag:s4] =	ssyncset.s32 $0xFFFFF086  }
0x25: {  	[simem:s6], [sflag:s4] =	dma.local [hbm:s3], $0xF7A  }
0x26: {  	[smem:$0x3F93] =	sst s1;
	(tag) =	ssettag s2;
	_ =	strace s9  }
0x27: {  	s1 =	sld [smem:$0x3FA3]  }
0x28: {  	s2 =	sld [smem:$0x3FA4]  }
0x29: {  	s4 =	sld [smem:$0x3FA6]  }
0x2a: {  	p0 =	seq.s32 s5, $0x0;
	s5 =	sld [smem:$0x3FA7]  }
0x2b: {  	s6 =	sld [smem:$0x3FA8]  }
0x2c: {  	s7 =	sld [smem:$0x3FA9]  }
0x2d: {  	s3 =	simm.s32 $0x108;
	s8 =	sld [smem:$0x3FAA]  }
0x2e: {  	s3 =	simm.s32 @!p0 $0x1082;
	s9 =	sld [smem:$0x3FAB]  }
0x2f: {  	lr =	sadd.s32 s0, s3;
	s0 =	sld [smem:$0x3FA2]  }
0x30: {  	s3 =	sld [smem:$0x3FA5]  }
0x31: {  	[smem:$0x3FAE] =	sst s10  }
0x32: {  	s10 =	sld [smem:$0x3FAC];
	_ =	sdelay $0x3  }
0x33: {  	p0 =	seq.s32 s10, $0x1;
	s10 =	sld [smem:$0x3FAE];
	_ =	sdelay $0x3  }
0x34: {  	[smem:$0x3FAE] =	sst s10  }
0x35: {  	s10 =	sld [smem:$0x3FAD];
	_ =	sdelay $0x3  }
0x36: {  	p1 =	seq.s32 s10, $0x1;
	s10 =	sld [smem:$0x3FAE];
	_ =	sdelay $0x3  }
0x37: {  	[smem:$0x3FAE] =	sst s10  }
0x38: {  	s10 =	sld [smem:$0x3FAF]  }
0x39: {  	_ = 	snop;
	(pc) =	sbr.ind lr, $3  }
0x3a: {  	_ = 	snop  }
0x3b: {  	_ = 	snop  }
0x3c: {  	p2 =	seq.s32 s10, $0x1;
	s10 =	sld [smem:$0x3FAE]  }
0x3d: {  	_ =	shalt  }
0x3e: {  	_ =	shalt  }
0x3f: {  	_ =	shalt  }
0x40: {  	_ =	shalt  }
0x41: {  	_ =	shalt  }
0x42: {  	_ =	shalt  }
0x43: {  	_ =	shalt  }
0x44: {  	_ =	shalt  }
0x45: {  	_ =	shalt  }
0x46: {  	_ =	shalt  }
0x47: {  	_ =	shalt  }
0x48: {  	_ =	shalt  }
0x49: {  	_ =	shalt  }
0x4a: {  	_ =	shalt  }
0x4b: {  	_ =	shalt  }
0x4c: {  	_ =	shalt  }
0x4d: {  	_ =	shalt  }
0x4e: {  	_ =	shalt  }
0x4f: {  	_ =	shalt  }
0x50: {  	_ =	shalt  }
0x51: {  	_ =	shalt  }
0x52: {  	_ =	shalt  }
0x53: {  	_ =	shalt  }
0x54: {  	_ =	shalt  }
0x55: {  	_ =	shalt  }
0x56: {  	_ =	shalt  }
0x57: {  	_ =	shalt  }
0x58: {  	_ =	shalt  }
0x59: {  	_ =	shalt  }
0x5a: {  	_ =	shalt  }
0x5b: {  	_ =	shalt  }
0x5c: {  	_ =	shalt  }
0x5d: {  	_ =	shalt  }
0x5e: {  	_ =	shalt  }
0x5f: {  	_ =	shalt  }
0x60: {  	_ =	shalt  }
0x61: {  	_ =	shalt  }
0x62: {  	_ =	shalt  }
0x63: {  	_ =	shalt  }
0x64: {  	_ =	shalt  }
0x65: {  	_ =	shalt  }
0x66: {  	_ =	shalt  }
0x67: {  	_ =	shalt  }
0x68: {  	_ =	shalt  }
0x69: {  	_ =	shalt  }
0x6a: {  	_ =	shalt  }
0x6b: {  	_ =	shalt  }
0x6c: {  	_ =	shalt  }
0x6d: {  	_ =	shalt  }
0x6e: {  	_ =	shalt  }
0x6f: {  	_ =	shalt  }
0x70: {  	_ =	shalt  }
0x71: {  	_ =	shalt  }
0x72: {  	_ =	shalt  }
0x73: {  	_ =	shalt  }
0x74: {  	_ =	shalt  }
0x75: {  	_ =	shalt  }
0x76: {  	_ =	shalt  }
0x77: {  	_ =	shalt  }
0x78: {  	_ =	shalt  }
0x79: {  	_ =	shalt  }
0x7a: {  	_ =	shalt  }
0x7b: {  	_ =	shalt  }
0x7c: {  	_ =	shalt  }
0x7d: {  	_ =	shalt  }
0x7e: {  	_ =	shalt  }
0x7f: {  	_ =	shalt  }
0x80: {  	_ =	shalt  }
0x81: {  	_ =	shalt  }
0x82: {  	_ =	shalt  }
0x83: {  	_ =	shalt  }
0x84: {  	_ =	shalt  }
0x85: {  	_ =	shalt  }
0x86: {  	_ =	shalt  }
0x87: {  	_ =	shalt  }
.Lfunc_end0:
.L_simem_size_0:
called_computation.2_lowered:
.L_overlay_start_0:
0x88: {  	s2 =	sld [smem:$0x3FD9]  }
0x89: {  	s3 =	sld [smem:$0x3FFE];
	_ =	sdelay $0x1  }
0x8a: {  	s1 =	srdreg.scid  }
0x8b: {  	s0 =	sand.u32 $0x1, s1  }
0x8c: {  	s16 =	sshll.u32 s0, $0xA;
	s2 =	sadd.s32 s3, s2  }
0x8d: {  	s2 =	sadd.s32 s2, s16  }
0x8e: {  	[smem:$0x3FBA] =	sst s2  }
0x8f: {  	_ = 	snop  }
0x90: {  	(tm) =	ssettm $0x1  }
0x91: {  	s17 =	sld [smem:$0x3FFB];
	_ =	sdelay $0x3  }
0x92: {  	_ =	strace s17  }
0x93: {  	s2 =	sld [smem:$0x3FFC];
	_ =	sdelay $0x3  }
0x94: {  	_ =	strace s2  }
0x95: {  	s2 =	sld [smem:$0x3FFD];
	_ =	sdelay $0x3  }
0x96: {  	_ =	strace s2  }
0x97: {  	_ =	strace $0x8FFFFFFF  }
0x98: {  	s18 =	sld [smem:$0x3FDB];
	_ =	sdelay $0x1  }
0x99: {  	s19 =	simm.s32 $_scs_section_size  }
0x9a: {  	s4 =	simm.s32 $_size__tile_overlayer_lowered;
	s5 =	simm.s32 $_tile_overlayer_lowered  }
0x9b: {  	s22 =	simm.s32 $0x1BFF;
	s21 =	sshll.u32 s5, $0x1;
	s2 =	sadd.s32 s19, s18  }
0x9c: {  	s6 =	simm.s32 $0x0;
	s20 =	sshll.u32 s4, $0x1;
	s4 =	sadd.s32 s21, s2  }
0x9d: {  	[timem:s6], [sflag:s22] =	dma.local [hbm:s4], s20  }
0x9e: {  	_ =	swait.ge [sflag:s22], s20  }
0x9f: {  	s3 =	ssub.s32 $0x0, s20;
	[sflag:s22] =	ssyncset.done $0x0  }
0xa0: {  	[sflag:s22] =	ssyncadd.s32 s3;
	_ =	sdelay $0x1  }
0xa1: {  	s23 =	simm.s32 $0x1B8B  }
0xa2: {  	_ =	swait.ge [sflag:s23], $0x1  }
0xa3: {  	[sflag:s23] =	ssyncset.done $0x0  }
0xa4: {  	s25 =	simm.s32 $0x1B8E;
	s24 =	sld [smem:$0x3FFE];
	[sflag:s23] =	ssyncadd.s32 $0xFFFFFFFF  }
0xa5: {  	s26 =	simm.s32 $execute0_lowered;
	[smem:$0x3FD2] =	sst s25  }
0xa6: {  	s4 =	sshll.u32 s26, $0x1;
	_ =	strace $0x8000004C;
	[dreg:$0x1] =	wrdreg $0xFFFFFFFF  }
0xa7: {  	s28 =	simm.s32 $_size_execute0_lowered;
	s2 =	sadd.s32 s2, s4;
	[dreg:$0x0] =	wrdreg $0x0  }
0xa8: {  	s4 =	sshll.u32 s28, $0x1;
	[dreg:$0x2] =	wrdreg s2  }
0xa9: {  	[dreg:$0x3] =	wrdreg s4  }
0xaa: {  	[dreg:$0x4] =	wrdreg $0xC0  }
0xab: {  	_ =	task [dreg:s6], $0x5FFFF  }
0xac: {  	[dreg:$0x1] =	wrdreg $0xFFFFFFFF  }
0xad: {  	[dreg:$0x0] =	wrdreg $0x60  }
0xae: {  	[dreg:$0x2] =	wrdreg s24  }
0xaf: {  	[dreg:$0x3] =	wrdreg $0x9  }
0xb0: {  	_ =	task.clear_ibuf [dreg:s6], $0x4FFFF;
	_ =	strace $0x9000004C  }
0xb1: {  	s29 =	simm.s32 $0x9;
	_ =	strace $0x8000004E  }
0xb2: {  	_ =	swait.ge [sflag:s29], $0x1  }
0xb3: {  	[sflag:s29] =	ssyncadd.s32 $0xFFFFFFFF  }
0xb4: {  	_ =	strace $0x9000004E  }
0xb5: {  	_ =	sfence  }
0xb6: {  	s30 =	sld [smem:$0x0];
	_ =	sdelay $0x2  }
0xb7: {  	s31 =	sshll.u32 s1, $0xD;
	s1 =	sshrl.u32 s1, $0x2  }
0xb8: {  	s3 =	sand.u32 $0x4000, s31;
	s1 =	sadd.s32 s1, s30  }
0xb9: {  	s0 =	sor.u32 s3, s0;
	s1 =	sshll.u32 s1, $0x11  }
0xba: {  	s0 =	sor.u32 s1, s0  }
0xbb: {  	s0 =	sadd.s32 $0x8F2B, s0  }
0xbc: {  	[sflag:s0] =	ssyncadd.remote.s32 $0x1  }
0xbd: {  	_ =	sfence.sel $0xFFFF  }
0xbe: {  	[dreg:$0x0] =	wrdreg $0xFFFFFFFF;
	(pc) =	sbr.abs _section_cstart, $3  }
0xbf: {  	[dreg:$0x1] =	wrdreg $0xFFFFFFFF  }
0xc0: {  	_ =	task.clear_ibuf [dreg:s6], $0x2FFFF;
	_ =	strace $0x9FFFFFFF  }
0xc1: {  	(tm) =	ssettm $0x7FFFFFFF  }
tec
execute0_lowered:
.L_overlay_start_1:
0x0: {  	(tag) =	ssettag $0x1  }
0x1: {  	s1 =	srdreg.scid  }
0x2: {  	s0 =	stileid.u32;
	s5 =	rddreg [dreg:$0x0]  }
0x3: {  	s14 =	simm.s32 $0x2980;
	s15 =	simm.s32 $0x80;
	s16 =	simm.s32 $0x400  }
0x4: {  	s17 =	simm.s32 $0x5180;
	s18 =	simm.s32 $0x7980;
	s19 =	simm.s32 $0xA180  }
0x5: {  	s20 =	simm.s32 $0xA200;
	s21 =	simm.s32 $0xA280;
	s6 =	sand.u32 $0x1, s1  }
0x6: {  	s2 =	sshll.u32 s0, $0x1;
	s3 =	sshrl.u32 s0, $0x2;
	s12 =	smul.u32 $0xA00, s0  }
0x7: {  	s1 =	rddreg [dreg:$0x1];
	s4 =	sor.u32 s6, s2;
	s8 =	smul.u32 $0x14000, s3  }
0x8: {  	s2 =	simm.s32 $0x0;
	s3 =	sadd.s32 $0xD400, s5;
	s31 =	smul.u32 $0x500, s6  }
0x9: {  	s10 =	ssub.s32 $0x2, s6;
	s7 =	smul.u32 $0x140, s4;
	[smem:$0x7FF] =	sst s2  }
0xa: {  	s29 =	sshll.u32 s4, $0x7;
	s30 =	smul.u32 $0xF0, s4;
	s4 =	sadd.s32 $0x9B600, s5  }
0xb: {  	s11 =	sshrl.u32 s10, $0x1;
	_ =	strace $0x8000004D;
	s9 =	sand.u32 $0x380, s29  }
0xc: {  	s11 =	ssub.s32 s10, s11;
	s12 =	sadd.s32 s31, s12;
	s7 =	sshrl.u32 s7, $0x3  }
0xd: {  	s8 =	sor.u32 s8, s9;
	s9 =	sshrl.u32 s30, $0x3;
	s11 =	smax.u32 s11, $0x1  }
0xe: {  	s12 =	sshrl.u32 s12, $0x2;
	s7 =	sadd.s32 s7, s5;
	s8 =	sshrl.u32 s8, $0x3  }
0xf: {  	s13 =	sadd.s32 s9, s5;
	s22 =	sadd.s32 $0x2980, s12;
	s12 =	simm.s32 $0x1  }
0x10: {  	s8 =	sadd.s32 s8, s5;
	s5 =	sadd.s32 $0xCE00, s7;
	s9 =	sadd.s32 $0xDA0A, s13  }
0x11: {  	s10 =	sadd.s32 $0xDA14, s13;
	v2 =	vmov s22;
	s22 =	simm.s32 $0x0;
	s6 =	sadd.s32 $0x2E00, s8  }
0x12: {  	v0 =	vimm.f32 $0.0e+00;
	v1 =	vimm.f32 $1.000000000e+00;
	s7 =	sadd.s32 $0x91600, s8;
	s8 =	sadd.s32 $0xDA00, s13;
	s13 =	simm.s32 $0x2800  }
.LBB2_1:
0x13: {  	[tilespmem:s2], [sflag:$0x1] =	stream.linear.gather [hbm4b:s3+s2], $0x2800, $0x38;
	[tilespmem:$0xA300] =	vst v63  }
0x14: {  	_ =	swait.ge [sflag:s12], $0x2800  }
0x15: {  	[sflag:s12] =	ssyncset.done $0x0  }
0x16: {  	[sflag:s12] =	ssyncadd.s32 $0xFFFFD800  }
0x17: {  	[tilespmem:s13], [sflag:$0x1] =	stream.linear.gather [hbm4b:s5+s2], $0x140, $0x38;
	[tilespmem:$0xA300] =	vst v63  }
0x18: {  	_ =	swait.ge [sflag:s12], $0x140  }
0x19: {  	[sflag:s12] =	ssyncset.done $0x0  }
0x1a: {  	[sflag:s12] =	ssyncadd.s32 $0xFFFFFEC0  }
0x1b: {  	[tilespmem:s14], [sflag:$0x1] =	stream.linear.gather [hbm4b:s4+s2], $0x2800, $0x38;
	[tilespmem:$0xA300] =	vst v63  }
0x1c: {  	_ =	swait.ge [sflag:s12], $0x2800  }
0x1d: {  	[sflag:s12] =	ssyncset.done $0x0  }
0x1e: {  	[sflag:s12] =	ssyncadd.s32 $0xFFFFD800  }
0x1f: {  	[tilespmem:s17], [sflag:$0x1] =	stream.strided.gather [hbm4b:s6+s15], $0x2800, s16, s15, $0x38;
	[tilespmem:$0xA300] =	vst v63  }
0x20: {  	_ =	swait.ge [sflag:s12], $0x2800  }
0x21: {  	[sflag:s12] =	ssyncset.done $0x0  }
0x22: {  	[sflag:s12] =	ssyncadd.s32 $0xFFFFD800  }
0x23: {  	[tilespmem:s18], [sflag:$0x1] =	stream.strided.gather [hbm4b:s7+s15], $0x2800, s16, s15, $0x38;
	[tilespmem:$0xA300] =	vst v63  }
0x24: {  	_ =	swait.ge [sflag:s12], $0x2800  }
0x25: {  	[sflag:s12] =	ssyncset.done $0x0  }
0x26: {  	[sflag:s12] =	ssyncadd.s32 $0xFFFFD800  }
0x27: {  	[tilespmem:$0xA180] =	vst v0  }
0x28: {  	[tilespmem:$0xA200] =	vst v0  }
0x29: {  	[tilespmem:$0xA280] =	vst v0  }
0x2a: {  	[tilespmem:$0xA190] =	vst v0  }
0x2b: {  	[tilespmem:$0xA210] =	vst v0  }
0x2c: {  	[tilespmem:$0xA290] =	vst v0  }
0x2d: {  	[tilespmem:$0xA1A0] =	vst v0  }
0x2e: {  	[tilespmem:$0xA220] =	vst v0  }
0x2f: {  	[tilespmem:$0xA2A0] =	vst v0  }
0x30: {  	[tilespmem:$0xA1B0] =	vst v0  }
0x31: {  	[tilespmem:$0xA230] =	vst v0  }
0x32: {  	[tilespmem:$0xA2B0] =	vst v0  }
0x33: {  	[tilespmem:$0xA1C0] =	vst v0  }
0x34: {  	[tilespmem:$0xA240] =	vst v0  }
0x35: {  	s25 =	simm.s32 $0x0;
	s23 =	simm.s32 $0x40;
	[tilespmem:$0xA2C0] =	vst v0  }
.LBB2_2:
0x36: {  	p0 =	sne.s32 s23, $0x9FC0;
	v3 =	vld [tilespmem:s25+$0x7980];
	_ =	sdelay $0x1  }
0x37: {  	v4 =	vld [tilespmem:s25+$0x5180];
	_ =	sdelay $0x5  }
0x38: {  	v3 =	vld.idx.msk [tilespmem:v3+s14+$0x0], $0xffff  }
0x39: {  	s24 =	simm.s32 $0x0  }
0x3a: {  	v4 =	vld.idx.msk [tilespmem:v4+s24+$0x0], $0xffff;
	_ =	sdelay $0x1  }
.Ltmp0:
0x3b: {  	(pc) =	sbr.rel @p0 .LBB2_2-.Ltmp0, $2  }
0x3c: {  	_ =	sdelay $0x2  }
0x3d: {  	s25 =	sshra.s32 s23, $0x2;
	s23 =	sadd.s32 $0x40, s23;
	[tilespmem:v3+s19+$0x0] =	vst.idx.add.f32.msk $0xffff, v4  }
0x3e: {  	v3 =	vld [tilespmem:s25+$0x7980];
	_ =	sdelay $0x2  }
0x3f: {  	v4 =	vld [tilespmem:s25+$0x5180];
	_ =	sdelay $0x4  }
0x40: {  	v3 =	vld.idx.msk [tilespmem:v3+s14+$0x0], $0xffff;
	_ =	sdelay $0x2  }
0x41: {  	v4 =	vld.idx.msk [tilespmem:v4+s24+$0x0], $0xffff;
	_ =	sdelay $0x4  }
0x42: {  	s24 =	simm.s32 $0x0;
	[tilespmem:v3+s19+$0x0] =	vst.idx.add.f32.msk $0xffff, v4  }
0x43: {  	s23 =	simm.s32 $0x40;
	v3 =	vld.idx.msk [tilespmem:v2+s24+$0x0 ss:$0x1], $0xffff  }
.LBB2_4:
0x44: {  	p0 =	sne.s32 s23, $0x4C0;
	_ =	sdelay $0x1  }
0x45: {  	v4 =	vld [tilespmem:s24+$0x2800];
	_ =	sdelay $0x2  }
.Ltmp1:
0x46: {  	(pc) =	sbr.rel @p0 .LBB2_4-.Ltmp1, $4  }
0x47: {  	_ = 	snop  }
0x48: {  	[tilespmem:v3+s20+$0x0] =	vst.idx.add.f32.msk $0xffff, v4  }
0x49: {  	s24 =	sshra.s32 s23, $0x2;
	[tilespmem:v3+s21+$0x0] =	vst.idx.add.f32.msk $0xffff, v1  }
0x4a: {  	s23 =	sadd.s32 $0x40, s23;
	v3 =	vld.idx.msk [tilespmem:v2+s24+$0x0 ss:$0x1], $0xffff  }
0x4b: {  	_ =	sdelay $0x2  }
0x4c: {  	v4 =	vld [tilespmem:s24+$0x2800];
	_ =	sdelay $0x4  }
0x4d: {  	[tilespmem:v3+s20+$0x0] =	vst.idx.add.f32.msk $0xffff, v4  }
0x4e: {  	[tilespmem:v3+s21+$0x0] =	vst.idx.add.f32.msk $0xffff, v1  }
0x4f: {  	[hbm4b:s8+s2] =	stream.linear.scatter [tilespmem:s19], [sflag:$0x1], $0x50, $0x38;
	[tilespmem:$0xA300] =	vst v63  }
0x50: {  	_ =	swait.ge [sflag:s12], $0x50  }
0x51: {  	[sflag:s12] =	ssyncset.done $0x0  }
0x52: {  	[sflag:s12] =	ssyncadd.s32 $0xFFFFFFB0  }
0x53: {  	[hbm4b:s9+s2] =	stream.linear.scatter [tilespmem:s20], [sflag:$0x1], $0x50, $0x38;
	[tilespmem:$0xA300] =	vst v63  }
0x54: {  	s22 =	sadd.s32 $0x1, s22;
	_ =	swait.ge [sflag:s12], $0x50  }
0x55: {  	p0 =	sne.s32 s22, s11;
	[sflag:s12] =	ssyncset.done $0x0  }
.Ltmp2:
0x56: {  	[sflag:s12] =	ssyncadd.s32 $0xFFFFFFB0;
	(pc) =	sbr.rel @p0 .LBB2_1-.Ltmp2, $4  }
0x57: {  	[hbm4b:s10+s2] =	stream.linear.scatter [tilespmem:s21], [sflag:$0x1], $0x50, $0x38;
	[tilespmem:$0xA300] =	vst v63  }
0x58: {  	_ =	swait.ge [sflag:s12], $0x50  }
0x59: {  	[sflag:s12] =	ssyncset.done $0x0  }
0x5a: {  	[sflag:s12] =	ssyncadd.s32 $0xFFFFFFB0  }
0x5b: {  	_ =	sfence.sel $0x180000  }
0x5c: {  	[bflag:$0x0] =	sbarrier.arrive $0xFFFF  }
0x5d: {  	p0 =	sne.s32 s0, $0x0;
	_ =	strace $0x9000004D  }
0x5e: {  	s0 =	sadd.s32 @!p0 $0x100000, s1;
	[bflag:$0x2] =	sbarrier.arrive $0xFFFF  }
0x5f: {  	[sflag:s0] =	ssyncadd.tile.s32 @!p0 $0x1;
	_ =	shalt  }
.Lfunc_end2:
_tile_overlayer_lowered:
.L_overlay_start_2:
0x60: {  	(tag) =	ssettag $0x2  }
0x61: {  	s0 =	rddreg [dreg:$0x0];
	s2 =	stileid.u32  }
0x62: {  	s1 =	rddreg [dreg:$0x1];
	p0 =	sne.s32 s2, $0x0  }
0x63: {  	s3 =	rddreg [dreg:$0x2];
	[bflag:$0x3] =	sbarrier.arrive $0xFFFF;
	s2 =	simm.s32 @!p0 $0x1C01  }
0x64: {  	[timem:s3], [sflag:s2] =	dma.local @!p0 [hbm:s0], s1  }
0x65: {  	s0 =	simm.s32 @!p0 $0x1  }
0x66: {  	_ =	swait.ge @!p0 [sflag:s0], s1  }
0x67: {  	s1 =	ssub.s32 @!p0 $0x0, s1;
	[sflag:s0] =	ssyncset.done @!p0 $0x0  }
0x68: {  	[sflag:s0] =	ssyncadd.s32 @!p0 s1  }
0x69: {  	[bflag:$0x3] =	sbarrier.arrive $0xFFFF  }
0x6a: {  	_ =	shalt  }

// kernel: kernel.9.cloned.1.call-start
scs
__scs_entry_jumppad:
0x0: {  	(pc) =	sbr.rel $0x88, $3  }
0x1: {  	(tag) =	ssettag $0x0;
	lr =	simm.s32 $0x1  }
0x2: {  	[smem:$0x3F93] =	sst lr;
	_ =	strace $0xD0000000  }
0x3: {  	_ = 	snop  }
0x4: {  	_ = 	snop  }
0x5: {  	_ = 	snop  }
0x6: {  	_ = 	snop  }
0x7: {  	_ = 	snop  }
__scs_overlays_trampoline_lowered:
0x8: {  	[smem:$0x3FA2] =	sst s0  }
0x9: {  	[smem:$0x3FA3] =	sst s1  }
0xa: {  	[smem:$0x3FA4] =	sst s2  }
0xb: {  	[smem:$0x3FA5] =	sst s3  }
0xc: {  	[smem:$0x3FA6] =	sst s4  }
0xd: {  	[smem:$0x3FA7] =	sst s5  }
0xe: {  	[smem:$0x3FA8] =	sst s6  }
0xf: {  	[smem:$0x3FA9] =	sst s7  }
0x10: {  	[smem:$0x3FAA] =	sst s8  }
0x11: {  	[smem:$0x3FAB] =	sst s9;
	s0 =	simm.s32 @!p0 $0x0  }
0x12: {  	s1 =	sld [smem:$0x3F91];
	s0 =	simm.s32 @p0 $0x1  }
0x13: {  	[smem:$0x3FAC] =	sst s0;
	s0 =	simm.s32 @!p1 $0x0  }
0x14: {  	s2 =	sld [smem:$0x3F90];
	s0 =	simm.s32 @p1 $0x1  }
0x15: {  	[smem:$0x3FAD] =	sst s0;
	s0 =	simm.s32 @!p2 $0x0  }
0x16: {  	s3 =	sld [smem:$0x3FDB];
	s0 =	simm.s32 @p2 $0x1  }
0x17: {  	s4 =	simm.s32 $0x1BF5;
	[smem:$0x3FAF] =	sst s0  }
0x18: {  	s0 =	sld [smem:$0x3F92];
	_ =	swait.ge [sflag:s4], $0x0  }
0x19: {  	s7 =	sld [smem:$0x3F93]  }
0x1a: {  	s8 =	sadd.s32 $0xFFFFE003, lr  }
0x1b: {  	s9 =	sadd.s32 $0xFFFFFEF7, lr;
	s5 =	simm.s32 $0xFFFFFFFF;
	p2 =	slt.u32 s8, $0xFFFFF086  }
0x1c: {  	p1 =	slt.u32 s9, $0xF7A;
	s5 =	simm.s32 @!p2 $0x0  }
0x1d: {  	s5 =	simm.s32 @p1 $0x1;
	p0 =	seq.s32 s7, s2  }
0x1e: {  	s7 =	smul.u32 @!p0 $0xF7A, s2;
	p2 =	seq.s32 @!p0 s5, $0x0  }
0x1f: {  	s9 =	smul.u32 $0xF7A, s1;
	s8 =	simm.s32 @!p0 $0x1BF5;
	p2 =	por !p2, p0  }
0x20: {  	[sflag:s8] =	ssyncset.s32 @!p0 $0xFFFFF086;
	s6 =	sadd.s32 @!p0 s3, s7;
	s7 =	simm.s32 @!p0 $0x108  }
0x21: {  	s3 =	sadd.s32 s3, s9;
	s6 =	sadd.s32 @!p0 $0x88, s6;
	s7 =	simm.s32 @p2 $0x1082  }
0x22: {  	[simem:s7], [sflag:s8] =	dma.local @!p0 [hbm:s6], $0xF7A  }
0x23: {  	s9 =	sor.u32 $0xD0000000, s2;
	s6 =	simm.s32 $0x108;
	_ =	swait.ge @!p0 [sflag:s8], $0x0  }
0x24: {  	s3 =	sadd.s32 $0x88, s3;
	s6 =	simm.s32 @!p1 $0x1082;
	[sflag:s4] =	ssyncset.s32 $0xFFFFF086  }
0x25: {  	[simem:s6], [sflag:s4] =	dma.local [hbm:s3], $0xF7A  }
0x26: {  	[smem:$0x3F93] =	sst s1;
	(tag) =	ssettag s2;
	_ =	strace s9  }
0x27: {  	s1 =	sld [smem:$0x3FA3]  }
0x28: {  	s2 =	sld [smem:$0x3FA4]  }
0x29: {  	s4 =	sld [smem:$0x3FA6]  }
0x2a: {  	p0 =	seq.s32 s5, $0x0;
	s5 =	sld [smem:$0x3FA7]  }
0x2b: {  	s6 =	sld [smem:$0x3FA8]  }
0x2c: {  	s7 =	sld [smem:$0x3FA9]  }
0x2d: {  	s3 =	simm.s32 $0x108;
	s8 =	sld [smem:$0x3FAA]  }
0x2e: {  	s3 =	simm.s32 @!p0 $0x1082;
	s9 =	sld [smem:$0x3FAB]  }
0x2f: {  	lr =	sadd.s32 s0, s3;
	s0 =	sld [smem:$0x3FA2]  }
0x30: {  	s3 =	sld [smem:$0x3FA5]  }
0x31: {  	[smem:$0x3FAE] =	sst s10  }
0x32: {  	s10 =	sld [smem:$0x3FAC];
	_ =	sdelay $0x3  }
0x33: {  	p0 =	seq.s32 s10, $0x1;
	s10 =	sld [smem:$0x3FAE];
	_ =	sdelay $0x3  }
0x34: {  	[smem:$0x3FAE] =	sst s10  }
0x35: {  	s10 =	sld [smem:$0x3FAD];
	_ =	sdelay $0x3  }
0x36: {  	p1 =	seq.s32 s10, $0x1;
	s10 =	sld [smem:$0x3FAE];
	_ =	sdelay $0x3  }
0x37: {  	[smem:$0x3FAE] =	sst s10  }
0x38: {  	s10 =	sld [smem:$0x3FAF]  }
0x39: {  	_ = 	snop;
	(pc) =	sbr.ind lr, $3  }
0x3a: {  	_ = 	snop  }
0x3b: {  	_ = 	snop  }
0x3c: {  	p2 =	seq.s32 s10, $0x1;
	s10 =	sld [smem:$0x3FAE]  }
0x3d: {  	_ =	shalt  }
0x3e: {  	_ =	shalt  }
0x3f: {  	_ =	shalt  }
0x40: {  	_ =	shalt  }
0x41: {  	_ =	shalt  }
0x42: {  	_ =	shalt  }
0x43: {  	_ =	shalt  }
0x44: {  	_ =	shalt  }
0x45: {  	_ =	shalt  }
0x46: {  	_ =	shalt  }
0x47: {  	_ =	shalt  }
0x48: {  	_ =	shalt  }
0x49: {  	_ =	shalt  }
0x4a: {  	_ =	shalt  }
0x4b: {  	_ =	shalt  }
0x4c: {  	_ =	shalt  }
0x4d: {  	_ =	shalt  }
0x4e: {  	_ =	shalt  }
0x4f: {  	_ =	shalt  }
0x50: {  	_ =	shalt  }
0x51: {  	_ =	shalt  }
0x52: {  	_ =	shalt  }
0x53: {  	_ =	shalt  }
0x54: {  	_ =	shalt  }
0x55: {  	_ =	shalt  }
0x56: {  	_ =	shalt  }
0x57: {  	_ =	shalt  }
0x58: {  	_ =	shalt  }
0x59: {  	_ =	shalt  }
0x5a: {  	_ =	shalt  }
0x5b: {  	_ =	shalt  }
0x5c: {  	_ =	shalt  }
0x5d: {  	_ =	shalt  }
0x5e: {  	_ =	shalt  }
0x5f: {  	_ =	shalt  }
0x60: {  	_ =	shalt  }
0x61: {  	_ =	shalt  }
0x62: {  	_ =	shalt  }
0x63: {  	_ =	shalt  }
0x64: {  	_ =	shalt  }
0x65: {  	_ =	shalt  }
0x66: {  	_ =	shalt  }
0x67: {  	_ =	shalt  }
0x68: {  	_ =	shalt  }
0x69: {  	_ =	shalt  }
0x6a: {  	_ =	shalt  }
0x6b: {  	_ =	shalt  }
0x6c: {  	_ =	shalt  }
0x6d: {  	_ =	shalt  }
0x6e: {  	_ =	shalt  }
0x6f: {  	_ =	shalt  }
0x70: {  	_ =	shalt  }
0x71: {  	_ =	shalt  }
0x72: {  	_ =	shalt  }
0x73: {  	_ =	shalt  }
0x74: {  	_ =	shalt  }
0x75: {  	_ =	shalt  }
0x76: {  	_ =	shalt  }
0x77: {  	_ =	shalt  }
0x78: {  	_ =	shalt  }
0x79: {  	_ =	shalt  }
0x7a: {  	_ =	shalt  }
0x7b: {  	_ =	shalt  }
0x7c: {  	_ =	shalt  }
0x7d: {  	_ =	shalt  }
0x7e: {  	_ =	shalt  }
0x7f: {  	_ =	shalt  }
0x80: {  	_ =	shalt  }
0x81: {  	_ =	shalt  }
0x82: {  	_ =	shalt  }
0x83: {  	_ =	shalt  }
0x84: {  	_ =	shalt  }
0x85: {  	_ =	shalt  }
0x86: {  	_ =	shalt  }
0x87: {  	_ =	shalt  }
.Lfunc_end0:
.L_simem_size_0:
called_computation_lowered:
.L_overlay_start_0:
0x88: {  	s2 =	sld [smem:$0x3FD9]  }
0x89: {  	s3 =	sld [smem:$0x3FFE];
	_ =	sdelay $0x1  }
0x8a: {  	s1 =	srdreg.scid  }
0x8b: {  	s0 =	sand.u32 $0x1, s1  }
0x8c: {  	s16 =	sshll.u32 s0, $0xA;
	s2 =	sadd.s32 s3, s2  }
0x8d: {  	s2 =	sadd.s32 s2, s16  }
0x8e: {  	[smem:$0x3FBA] =	sst s2  }
0x8f: {  	_ = 	snop  }
0x90: {  	(tm) =	ssettm $0x1  }
0x91: {  	s17 =	sld [smem:$0x3FFB];
	_ =	sdelay $0x3  }
0x92: {  	_ =	strace s17  }
0x93: {  	s2 =	sld [smem:$0x3FFC];
	_ =	sdelay $0x3  }
0x94: {  	_ =	strace s2  }
0x95: {  	s2 =	sld [smem:$0x3FFD];
	_ =	sdelay $0x3  }
0x96: {  	_ =	strace s2  }
0x97: {  	_ =	strace $0x8FFFFFFF  }
0x98: {  	s18 =	sld [smem:$0x3FDB];
	_ =	sdelay $0x1  }
0x99: {  	s19 =	simm.s32 $_scs_section_size  }
0x9a: {  	s4 =	simm.s32 $_size__tile_overlayer_lowered;
	s5 =	simm.s32 $_tile_overlayer_lowered  }
0x9b: {  	s22 =	simm.s32 $0x1BFF;
	s21 =	sshll.u32 s5, $0x1;
	s2 =	sadd.s32 s19, s18  }
0x9c: {  	s6 =	simm.s32 $0x0;
	s20 =	sshll.u32 s4, $0x1;
	s4 =	sadd.s32 s21, s2  }
0x9d: {  	[timem:s6], [sflag:s22] =	dma.local [hbm:s4], s20  }
0x9e: {  	_ =	swait.ge [sflag:s22], s20  }
0x9f: {  	s3 =	ssub.s32 $0x0, s20;
	[sflag:s22] =	ssyncset.done $0x0  }
0xa0: {  	[sflag:s22] =	ssyncadd.s32 s3;
	_ =	sdelay $0x1  }
0xa1: {  	s23 =	simm.s32 $0x1B8B  }
0xa2: {  	_ =	swait.ge [sflag:s23], $0x1  }
0xa3: {  	[sflag:s23] =	ssyncset.done $0x0  }
0xa4: {  	s25 =	simm.s32 $0x1B8E;
	s24 =	sld [smem:$0x3FFE];
	[sflag:s23] =	ssyncadd.s32 $0xFFFFFFFF  }
0xa5: {  	s26 =	simm.s32 $execute0_lowered;
	[smem:$0x3FD2] =	sst s25  }
0xa6: {  	s4 =	sshll.u32 s26, $0x1;
	_ =	strace $0x80000046;
	[dreg:$0x1] =	wrdreg $0xFFFFFFFF  }
0xa7: {  	s28 =	simm.s32 $_size_execute0_lowered;
	s2 =	sadd.s32 s2, s4;
	[dreg:$0x0] =	wrdreg $0x0  }
0xa8: {  	s4 =	sshll.u32 s28, $0x1;
	[dreg:$0x2] =	wrdreg s2  }
0xa9: {  	[dreg:$0x3] =	wrdreg s4  }
0xaa: {  	[dreg:$0x4] =	wrdreg $0xC0  }
0xab: {  	_ =	task [dreg:s6], $0x5FFFF  }
0xac: {  	[dreg:$0x1] =	wrdreg $0xFFFFFFFF  }
0xad: {  	[dreg:$0x0] =	wrdreg $0x60  }
0xae: {  	[dreg:$0x2] =	wrdreg s24  }
0xaf: {  	[dreg:$0x3] =	wrdreg $0x0  }
0xb0: {  	[dreg:$0x4] =	wrdreg $0x9  }
0xb1: {  	_ =	task.clear_ibuf [dreg:s6], $0x5FFFF;
	_ =	strace $0x90000046  }
0xb2: {  	s29 =	simm.s32 $0x9;
	_ =	strace $0x80000048  }
0xb3: {  	_ =	swait.ge [sflag:s29], $0x1  }
0xb4: {  	[sflag:s29] =	ssyncadd.s32 $0xFFFFFFFF  }
0xb5: {  	_ =	strace $0x90000048  }
0xb6: {  	_ =	sfence  }
0xb7: {  	s30 =	sld [smem:$0x0];
	_ =	sdelay $0x2  }
0xb8: {  	s31 =	sshll.u32 s1, $0xD;
	s1 =	sshrl.u32 s1, $0x2  }
0xb9: {  	s3 =	sand.u32 $0x4000, s31;
	s1 =	sadd.s32 s1, s30  }
0xba: {  	s0 =	sor.u32 s3, s0;
	s1 =	sshll.u32 s1, $0x11  }
0xbb: {  	s0 =	sor.u32 s1, s0  }
0xbc: {  	s0 =	sadd.s32 $0x8F2B, s0  }
0xbd: {  	[sflag:s0] =	ssyncadd.remote.s32 $0x1  }
0xbe: {  	_ =	sfence.sel $0xFFFF  }
0xbf: {  	[dreg:$0x0] =	wrdreg $0xFFFFFFFF;
	(pc) =	sbr.abs _section_cstart, $3  }
0xc0: {  	[dreg:$0x1] =	wrdreg $0xFFFFFFFF  }
0xc1: {  	_ =	task.clear_ibuf [dreg:s6], $0x2FFFF;
	_ =	strace $0x9FFFFFFF  }
0xc2: {  	(tm) =	ssettm $0x7FFFFFFF  }
0xc3: {  	_ =	shalt  }
tec
execute0_lowered:
.L_overlay_start_1:
0x0: {  	(tag) =	ssettag $0x1  }
0x1: {  	s0 =	srdreg.scid;
	s5 =	rddreg [dreg:$0x0]  }
0x2: {  	s14 =	stileid.u32;
	s2 =	rddreg [dreg:$0x1]  }
0x3: {  	s30 =	simm.s32 $0x16900;
	s28 =	simm.s32 $0x5;
	s29 =	simm.s32 $0x3  }
0x4: {  	s31 =	simm.s32 $0x7;
	s0 =	sand.u32 $0x1, s0;
	s7 =	smul.u32 $0x2800, s14  }
0x5: {  	s1 =	sshll.u32 s14, $0x1;
	s3 =	sshrl.u32 s14, $0x2;
	s13 =	smul.u32 $0x50000, s14  }
0x6: {  	s9 =	sadd.s32 $0xCE00, s5;
	s10 =	sadd.s32 $0x3EE00, s5;
	s4 =	smul.u32 $0x14000, s3  }
0x7: {  	s17 =	sshll.u32 s14, $0x6;
	s1 =	sor.u32 s0, s1;
	s11 =	smul.u32 $0x28000, s0  }
0x8: {  	s3 =	simm.s32 $0x0;
	s12 =	ssub.s32 $0x2, s0;
	s0 =	smul.u32 $0x2800, s0  }
0x9: {  	s6 =	sshll.u32 s1, $0x7;
	[smem:$0x7FF] =	sst s3;
	s1 =	smul.u32 $0x2800, s1  }
0xa: {  	s15 =	sshrl.u32 s12, $0x1;
	s16 =	sshrl.u32 s13, $0x2;
	s6 =	sand.u32 $0x380, s6  }
0xb: {  	_ =	strace $0x80000047;
	[dreg:$0x3] =	wrdreg s10;
	s12 =	ssub.s32 s12, s15  }
0xc: {  	s13 =	sadd.s32 s16, s2;
	s4 =	sor.u32 s4, s6;
	s1 =	sshrl.u32 s1, $0x3  }
0xd: {  	s23 =	smax.u32 s12, $0x1;
	s6 =	sshrl.u32 s4, $0x3;
	s4 =	sadd.s32 $0x16E00, s5  }
0xe: {  	s18 =	sadd.s32 s9, s1;
	[dreg:$0xa] =	wrdreg s23;
	s23 =	simm.s32 $0x16800  }
0xf: {  	s8 =	sadd.s32 s6, s5;
	s6 =	sadd.s32 s7, s11;
	s11 =	smul.u32 $0x5000, s14  }
0x10: {  	s20 =	sadd.s32 $0x8, s18;
	s22 =	sadd.s32 $0x10, s18;
	[dreg:$0x4] =	wrdreg s18  }
0x11: {  	s7 =	sadd.s32 $0x18, s18;
	s18 =	sshrl.u32 s13, $0x3;
	[dreg:$0x6] =	wrdreg s20  }
0x12: {  	s5 =	sadd.s32 s6, s5;
	s6 =	sor.u32 $0x1C09, s17;
	[dreg:$0x7] =	wrdreg s22  }
0x13: {  	s19 =	sadd.s32 $0x2E00, s8;
	[dreg:$0x8] =	wrdreg s7;
	s20 =	simm.s32 $0x4  }
0x14: {  	s8 =	simm.s32 $0x0;
	s0 =	sadd.s32 s0, s11;
	[dreg:$0x5] =	wrdreg s19  }
0x15: {  	s5 =	sadd.s32 $0x41600, s5;
	s19 =	simm.s32 $0x9;
	s21 =	sor.u32 $0x100, s0  }
0x16: {  	[dreg:$0x9] =	wrdreg s5;
	s24 =	sor.u32 $0x140, s0;
	s25 =	sor.u32 $0x180, s0  }
0x17: {  	s0 =	sor.u32 $0x1C0, s0;
	s1 =	sshrl.u32 s21, $0x3;
	s5 =	sshrl.u32 s25, $0x3  }
0x18: {  	s0 =	sshrl.u32 s0, $0x3;
	s25 =	simm.s32 $0x16A00;
	s1 =	sadd.s32 s1, s9  }
.Ltmp0:
0x19: {  	s26 =	sadd.s32 s5, s9;
	[dreg:$0xb] =	wrdreg s1;
	(pc) =	sbr.rel .LBB2_1-.Ltmp0, $4  }
0x1a: {  	s21 =	simm.s32 $0x1CA00;
	s0 =	sadd.s32 s0, s9;
	[dreg:$0xd] =	wrdreg s26  }
0x1b: {  	s5 =	simm.s32 $0x8;
	s1 =	sshrl.u32 s24, $0x3;
	[dreg:$0xe] =	wrdreg s0  }
0x1c: {  	s24 =	simm.s32 $0x40;
	s0 =	simm.s32 $0x16980;
	s1 =	sadd.s32 s1, s9  }
0x1d: {  	s26 =	simm.s32 $0x1;
	[dreg:$0xc] =	wrdreg s1;
	s1 =	simm.s32 $0x1AA00  }
.LBB2_4:
0x1e: {  	_ =	swait.ge [sflag:s20], $0x2000  }
0x1f: {  	[sflag:s20] =	ssyncset.done $0x0  }
0x20: {  	[sflag:s20] =	ssyncadd.s32 $0xFFFFE000  }
0x21: {  	_ =	swait.ge [sflag:s5], $0x40  }
0x22: {  	[sflag:s5] =	ssyncset.done $0x0  }
0x23: {  	[sflag:s5] =	ssyncadd.s32 $0xFFFFFFC0  }
0x24: {  	[spmem:s2] =	stream.indirect.scatter.add.f32 [tilespmem:s21], [sflag:$0x9], $0x80, s0, s24, $0xb8;
	[tilespmem:$0x1EA00] =	vst v63  }
0x25: {  	_ =	swait.ge [sflag:s19], $0x2000  }
0x26: {  	[sflag:s19] =	ssyncset.done $0x0  }
0x27: {  	[sflag:s19] =	ssyncadd.s32 $0xFFFFE000  }
0x28: {  	[bflag:$0x0] =	sbarrier.arrive $0xFFFF  }
0x29: {  	s7 =	rddreg [dreg:$0x9]  }
0x2a: {  	[hbm:s7], [sflag:s6] =	dma.local [spmem:s18], $0x2800  }
0x2b: {  	_ =	swait.ge [sflag:s19], $0x2800  }
0x2c: {  	s8 =	sadd.s32 $0x1, s8;
	s22 =	rddreg [dreg:$0xa]  }
0x2d: {  	p0 =	sne.s32 s8, s22  }
.Ltmp1:
0x2e: {  	_ = 	snop;
	(pc) =	sbr.rel @!p0 .LBB2_5-.Ltmp1, $3  }
0x2f: {  	_ =	sdelay $0x1  }
0x30: {  	[sflag:s19] =	ssyncset.done $0x0  }
0x31: {  	[sflag:s19] =	ssyncadd.s32 $0xFFFFD800  }
.LBB2_1:
0x32: {  	s7 =	rddreg [dreg:$0x3]  }
0x33: {  	[spmem:s18], [sflag:s6] =	dma.local [hbm:s7], $0x2800  }
0x34: {  	_ =	swait.ge [sflag:s19], $0x2800  }
0x35: {  	[sflag:s19] =	ssyncset.done $0x0  }
0x36: {  	[sflag:s19] =	ssyncadd.s32 $0xFFFFD800  }
0x37: {  	s9 =	simm.s32 $0x80;
	[bflag:$0x0] =	sbarrier.arrive $0xFFFF  }
0x38: {  	s10 =	simm.s32 $0x400;
	s11 =	simm.s32 $0x14000;
	s22 =	rddreg [dreg:$0x5]  }
0x39: {  	[tilespmem:s11], [sflag:$0x9] =	stream.strided.gather [hbm4b:s22+s9], $0x2800, s10, s9, $0x38;
	[tilespmem:$0x1EA00] =	vst v63  }
0x3a: {  	_ =	swait.ge [sflag:s19], $0x2800  }
0x3b: {  	[sflag:s19] =	ssyncset.done $0x0  }
0x3c: {  	s10 =	rddreg [dreg:$0x4];
	[sflag:s19] =	ssyncadd.s32 $0xFFFFD800  }
0x3d: {  	[tilespmem:s23], [sflag:$0x5] =	stream.linear.gather [hbm4b:s10+s3], $0x40, $0x38;
	[tilespmem:$0x1EA00] =	vst v63  }
0x3e: {  	s15 =	rddreg [dreg:$0x7]  }
0x3f: {  	[tilespmem:s25], [sflag:$0x1] =	stream.indirect.gather [hbm4b:s4+s24], $0x80, s11, s24, $0xb8;
	[tilespmem:$0x1EA00] =	vst v63  }
0x40: {  	s12 =	simm.s32 $0x16880;
	s11 =	rddreg [dreg:$0x6]  }
0x41: {  	[tilespmem:s12], [sflag:$0x6] =	stream.linear.gather [hbm4b:s11+s3], $0x40, $0x38;
	[tilespmem:$0x1EA00] =	vst v63  }
0x42: {  	s13 =	simm.s32 $0x14040;
	s14 =	simm.s32 $0x18A00;
	s17 =	rddreg [dreg:$0x8]  }
0x43: {  	[tilespmem:s14], [sflag:$0x2] =	stream.indirect.gather [hbm4b:s4+s24], $0x80, s13, s24, $0xb8;
	[tilespmem:$0x1EA00] =	vst v63  }
0x44: {  	s14 =	rddreg [dreg:$0xb]  }
0x45: {  	[tilespmem:s30], [sflag:$0x7] =	stream.linear.gather [hbm4b:s15+s3], $0x40, $0x38;
	[tilespmem:$0x1EA00] =	vst v63  }
0x46: {  	s16 =	simm.s32 $0x14080;
	s15 =	rddreg [dreg:$0xc]  }
0x47: {  	[tilespmem:s1], [sflag:$0x3] =	stream.indirect.gather [hbm4b:s4+s24], $0x80, s16, s24, $0xb8;
	[tilespmem:$0x1EA00] =	vst v63  }
0x48: {  	s16 =	rddreg [dreg:$0xd]  }
0x49: {  	[tilespmem:s0], [sflag:$0x8] =	stream.linear.gather [hbm4b:s17+s3], $0x40, $0x38;
	[tilespmem:$0x1EA00] =	vst v63  }
0x4a: {  	s22 =	simm.s32 $0x140C0;
	s13 =	simm.s32 $0x0;
	s17 =	rddreg [dreg:$0xe]  }
0x4b: {  	[tilespmem:s21], [sflag:$0x4] =	stream.indirect.gather [hbm4b:s4+s24], $0x80, s22, s24, $0xb8;
	[tilespmem:$0x1EA00] =	vst v63  }
.LBB2_2:
0x4c: {  	_ =	swait.ge [sflag:s26], $0x2000  }
0x4d: {  	[sflag:s26] =	ssyncset.done $0x0  }
0x4e: {  	[sflag:s26] =	ssyncadd.s32 $0xFFFFE000  }
0x4f: {  	_ =	swait.ge [sflag:s28], $0x40  }
0x50: {  	[sflag:s28] =	ssyncset.done $0x0  }
0x51: {  	[sflag:s28] =	ssyncadd.s32 $0xFFFFFFC0  }
0x52: {  	[spmem:s2] =	stream.indirect.scatter.add.f32 [tilespmem:s25], [sflag:$0x9], $0x80, s23, s24, $0xb8;
	[tilespmem:$0x1EA00] =	vst v63  }
0x53: {  	_ =	swait.ge [sflag:s19], $0x2000  }
0x54: {  	p0 =	seq.s32 s13, $0x9C00;
	[sflag:s19] =	ssyncset.done $0x0  }
0x55: {  	s12 =	simm.s32 @p0 $0x2;
	[sflag:s19] =	ssyncadd.s32 $0xFFFFE000  }
0x56: {  	_ =	swait.ge @p0 [sflag:s12], $0x2000  }
0x57: {  	[sflag:s12] =	ssyncset.done @p0 $0x0  }
0x58: {  	[sflag:s12] =	ssyncadd.s32 @p0 $0xFFFFE000;
	s12 =	simm.s32 @p0 $0x6  }
0x59: {  	_ =	swait.ge @p0 [sflag:s12], $0x40  }
0x5a: {  	s7 =	simm.s32 @p0 $0x16880;
	[sflag:s12] =	ssyncset.done @p0 $0x0  }
0x5b: {  	s11 =	simm.s32 @p0 $0x18A00;
	[sflag:s12] =	ssyncadd.s32 @p0 $0xFFFFFFC0;
	s12 =	simm.s32 @p0 $0x40  }
0x5c: {  	[spmem:s2] =	stream.indirect.scatter.add.f32 @p0 [tilespmem:s11], [sflag:$0x9], $0x80, s7, s12, $0xb8;
	[tilespmem:$0x1EA00] =	vst v63  }
0x5d: {  	s7 =	simm.s32 @p0 $0x9  }
0x5e: {  	_ =	swait.ge @p0 [sflag:s7], $0x2000  }
0x5f: {  	[sflag:s7] =	ssyncset.done @p0 $0x0  }
0x60: {  	s11 =	simm.s32 @!p0 $0x16800;
	[sflag:s7] =	ssyncadd.s32 @p0 $0xFFFFE000;
	s7 =	simm.s32 @!p0 $0x0  }
0x61: {  	[tilespmem:s11], [sflag:$0x5] =	stream.linear.gather @!p0 [hbm4b:s14+s7], $0x40, $0x38;
	[tilespmem:$0x1EA00] =	vst v63  }
0x62: {  	s11 =	sshra.s32 @!p0 s13, $0x2  }
0x63: {  	s10 =	simm.s32 @!p0 $0x40;
	s9 =	simm.s32 @!p0 $0x16A00;
	s12 =	sadd.s32 @!p0 $0x14100, s11  }
0x64: {  	[tilespmem:s9], [sflag:$0x1] =	stream.indirect.gather @!p0 [hbm4b:s4+s10], $0x80, s12, s10, $0xb8;
	[tilespmem:$0x1EA00] =	vst v63  }
0x65: {  	s9 =	simm.s32 @!p0 $0x2  }
0x66: {  	_ =	swait.ge @!p0 [sflag:s9], $0x2000  }
0x67: {  	[sflag:s9] =	ssyncset.done @!p0 $0x0  }
0x68: {  	[sflag:s9] =	ssyncadd.s32 @!p0 $0xFFFFE000;
	s9 =	simm.s32 @!p0 $0x6  }
0x69: {  	_ =	swait.ge @!p0 [sflag:s9], $0x40  }
0x6a: {  	s22 =	simm.s32 @!p0 $0x9;
	[sflag:s9] =	ssyncset.done @!p0 $0x0  }
0x6b: {  	s12 =	simm.s32 @!p0 $0x18A00;
	[sflag:s9] =	ssyncadd.s32 @!p0 $0xFFFFFFC0;
	s9 =	simm.s32 @!p0 $0x16880  }
0x6c: {  	[spmem:s2] =	stream.indirect.scatter.add.f32 @!p0 [tilespmem:s12], [sflag:$0x9], $0x80, s9, s10, $0xb8;
	[tilespmem:$0x1EA00] =	vst v63  }
0x6d: {  	_ =	swait.ge @!p0 [sflag:s22], $0x2000  }
0x6e: {  	[sflag:s22] =	ssyncset.done @!p0 $0x0  }
0x6f: {  	[sflag:s22] =	ssyncadd.s32 @!p0 $0xFFFFE000  }
0x70: {  	[tilespmem:s9], [sflag:$0x6] =	stream.linear.gather @!p0 [hbm4b:s15+s7], $0x40, $0x38;
	[tilespmem:$0x1EA00] =	vst v63  }
0x71: {  	s7 =	sadd.s32 @!p0 $0x14140, s11  }
0x72: {  	[tilespmem:s12], [sflag:$0x2] =	stream.indirect.gather @!p0 [hbm4b:s4+s10], $0x80, s7, s10, $0xb8;
	[tilespmem:$0x1EA00] =	vst v63  }
0x73: {  	_ =	swait.ge [sflag:s29], $0x2000  }
0x74: {  	[sflag:s29] =	ssyncset.done $0x0  }
0x75: {  	[sflag:s29] =	ssyncadd.s32 $0xFFFFE000  }
0x76: {  	_ =	swait.ge [sflag:s31], $0x40  }
0x77: {  	[sflag:s31] =	ssyncset.done $0x0  }
.Ltmp2:
0x78: {  	[sflag:s31] =	ssyncadd.s32 $0xFFFFFFC0;
	(pc) =	sbr.rel @p0 .LBB2_4-.Ltmp2, $4  }
0x79: {  	[spmem:s2] =	stream.indirect.scatter.add.f32 [tilespmem:s1], [sflag:$0x9], $0x80, s30, s24, $0xb8;
	[tilespmem:$0x1EA00] =	vst v63  }
0x7a: {  	_ =	swait.ge [sflag:s19], $0x2000  }
0x7b: {  	[sflag:s19] =	ssyncset.done $0x0  }
0x7c: {  	[sflag:s19] =	ssyncadd.s32 $0xFFFFE000  }
0x7d: {  	[tilespmem:s30], [sflag:$0x7] =	stream.linear.gather [hbm4b:s16+s3], $0x40, $0x38;
	[tilespmem:$0x1EA00] =	vst v63  }
0x7e: {  	s7 =	sshra.s32 s13, $0x2  }
0x7f: {  	s9 =	sadd.s32 $0x14180, s7  }
0x80: {  	[tilespmem:s1], [sflag:$0x3] =	stream.indirect.gather [hbm4b:s4+s24], $0x80, s9, s24, $0xb8;
	[tilespmem:$0x1EA00] =	vst v63  }
0x81: {  	_ =	swait.ge [sflag:s20], $0x2000  }
0x82: {  	[sflag:s20] =	ssyncset.done $0x0  }
0x83: {  	[sflag:s20] =	ssyncadd.s32 $0xFFFFE000  }
0x84: {  	_ =	swait.ge [sflag:s5], $0x40  }
0x85: {  	[sflag:s5] =	ssyncset.done $0x0  }
0x86: {  	[sflag:s5] =	ssyncadd.s32 $0xFFFFFFC0  }
0x87: {  	[spmem:s2] =	stream.indirect.scatter.add.f32 [tilespmem:s21], [sflag:$0x9], $0x80, s0, s24, $0xb8;
	[tilespmem:$0x1EA00] =	vst v63  }
0x88: {  	_ =	swait.ge [sflag:s19], $0x2000  }
.Ltmp3:
0x89: {  	s13 =	sadd.s32 $0x400, s13;
	[sflag:s19] =	ssyncset.done $0x0;
	(pc) =	sbr.rel .LBB2_2-.Ltmp3, $4  }
0x8a: {  	s14 =	sadd.s32 $0x20, s14;
	s15 =	sadd.s32 $0x20, s15;
	[sflag:s19] =	ssyncadd.s32 $0xFFFFE000  }
0x8b: {  	[tilespmem:s0], [sflag:$0x8] =	stream.linear.gather [hbm4b:s17+s3], $0x40, $0x38;
	[tilespmem:$0x1EA00] =	vst v63  }
0x8c: {  	s16 =	sadd.s32 $0x20, s16;
	s7 =	sadd.s32 $0x141C0, s7;
	s17 =	sadd.s32 $0x20, s17  }
0x8d: {  	[tilespmem:s21], [sflag:$0x4] =	stream.indirect.gather [hbm4b:s4+s24], $0x80, s7, s24, $0xb8;
	[tilespmem:$0x1EA00] =	vst v63  }
.LBB2_5:
0x8e: {  	_ =	sfence.sel $0x180000  }
0x8f: {  	[bflag:$0x0] =	sbarrier.arrive $0xFFFF  }
0x90: {  	_ =	strace $0x90000047  }
0x91: {  	s0 =	stileid.u32;
	[bflag:$0x2] =	sbarrier.arrive $0xFFFF  }
0x92: {  	p0 =	sne.s32 s0, $0x0;
	s0 =	rddreg [dreg:$0x2]  }
0x93: {  	s0 =	sadd.s32 @!p0 $0x100000, s0  }
0x94: {  	[sflag:s0] =	ssyncadd.tile.s32 @!p0 $0x1;
	_ =	shalt  }
.Lfunc_end2:
_tile_overlayer_lowered:
.L_overlay_start_2:
0x95: {  	(tag) =	ssettag $0x2  }
0x96: {  	s0 =	rddreg [dreg:$0x0];
	s2 =	stileid.u32  }
0x97: {  	s1 =	rddreg [dreg:$0x1];
	p0 =	sne.s32 s2, $0x0  }
0x98: {  	s3 =	rddreg [dreg:$0x2];
	[bflag:$0x3] =	sbarrier.arrive $0xFFFF;
	s2 =	simm.s32 @!p0 $0x1C09  }
0x99: {  	[timem:s3], [sflag:s2] =	dma.local @!p0 [hbm:s0], s1  }
0x9a: {  	s0 =	simm.s32 @!p0 $0x9  }
0x9b: {  	_ =	swait.ge @!p0 [sflag:s0], s1  }
0x9c: {  	s1 =	ssub.s32 @!p0 $0x0, s1;
	[sflag:s0] =	ssyncset.done @!p0 $0x0  }
0x9d: {  	[sflag:s0] =	ssyncadd.s32 @!p0 s1  }
0x9e: {  	[bflag:$0x3] =	sbarrier.arrive $0xFFFF  }
0x9f: {  	_ =	shalt  }

</sc_bundles>
